<compile_context>
chip_gen: v7x
topology: tpu7x:2x2x1
jax: 0.10.2.dev20260603
libtpu: 0.0.44.dev20260713+nightly
codegen_flags: <defaults>
</compile_context>

<pallas_src>
import math

import jax
import jax.numpy as jnp
from jax import lax
from jax.experimental import pallas as pl
from jax.experimental.pallas import tpu as pltpu
from jax.experimental.pallas import tpu_sc as plsc

VOCAB = 100000
D_MODEL = 768
SCALE = math.sqrt(D_MODEL)
LANES = 16

_B = 1024 * 50
_NW = 32
_B_PER_W = _B // _NW
_CHUNK = 40
_N_CHUNKS = _B_PER_W // _CHUNK


def _emb_kernel(idx_hbm, table_hbm, out_hbm, idx_all, gbuf_a, gbuf_b,
                wbuf_a, wbuf_b, gsem_a, gsem_b, wsem_a, wsem_b):
    nc = 2
    wid = lax.axis_index("s") * nc + lax.axis_index("c")
    base = wid * _B_PER_W

    def gather_start(g, rows_v, gsem):
        off = pl.multiple_of(g * _CHUNK, 8)
        pltpu.async_copy(table_hbm.at[idx_all.at[pl.ds(off, _CHUNK)]],
                         rows_v, gsem)

    def gather_wait(rows_v, gsem):
        pltpu.make_async_copy(table_hbm.at[idx_all.at[pl.ds(0, _CHUNK)]],
                              rows_v, gsem).wait()

    def write_start(g, rows_v, wsem):
        off = pl.multiple_of(base + g * _CHUNK, 8)
        pltpu.async_copy(rows_v, out_hbm.at[pl.ds(off, _CHUNK)], wsem)

    def write_wait(rows_v, wsem):
        pltpu.make_async_copy(rows_v, out_hbm.at[pl.ds(base, _CHUNK)],
                              wsem).wait()

    def scale_into(src_v, dst_v):
        @plsc.parallel_loop(0, _CHUNK, step=1, unroll=2)
        def _(r):
            for j in range(D_MODEL // LANES):
                sl = pl.ds(j * LANES, LANES)
                dst_v[r, sl] = src_v[r, sl] * SCALE

    pltpu.sync_copy(idx_hbm.at[pl.ds(base, _B_PER_W)], idx_all)

    gather_start(0, gbuf_a, gsem_a)
    gather_start(1, gbuf_b, gsem_b)

    def pair_body(k, _):
        g0 = 2 * k

        def do_slot(g, gbuf, gsem, wbuf, wsem):
            gather_wait(gbuf, gsem)

            @pl.when(k > 0)
            def _():
                write_wait(wbuf, wsem)

            scale_into(gbuf, wbuf)
            write_start(g, wbuf, wsem)

            @pl.when(g + 2 < _N_CHUNKS)
            def _():
                gather_start(g + 2, gbuf, gsem)

        do_slot(g0, gbuf_a, gsem_a, wbuf_a, wsem_a)
        do_slot(g0 + 1, gbuf_b, gsem_b, wbuf_b, wsem_b)
        return 0

    lax.fori_loop(0, _N_CHUNKS // 2, pair_body, 0)

    write_wait(wbuf_a, wsem_a)
    write_wait(wbuf_b, wsem_b)


@jax.jit
def _emb(x_flat, lut_weight):
    mesh = plsc.VectorSubcoreMesh(core_axis_name="c", subcore_axis_name="s")
    run = pl.kernel(
        _emb_kernel,
        out_type=jax.ShapeDtypeStruct((_B, D_MODEL), jnp.float32),
        mesh=mesh,
        compiler_params=pltpu.CompilerParams(use_tc_tiling_on_sc=True),
        scratch_types=[
            pltpu.VMEM((_B_PER_W,), jnp.int32),
            pltpu.VMEM((_CHUNK, D_MODEL), jnp.float32),
            pltpu.VMEM((_CHUNK, D_MODEL), jnp.float32),
            pltpu.VMEM((_CHUNK, D_MODEL), jnp.float32),
            pltpu.VMEM((_CHUNK, D_MODEL), jnp.float32),
            pltpu.SemaphoreType.DMA,
            pltpu.SemaphoreType.DMA,
            pltpu.SemaphoreType.DMA,
            pltpu.SemaphoreType.DMA,
        ],
    )
    return run(x_flat, lut_weight)


def kernel(x, lut_weight):
    a, b = x.shape
    xt_flat = x.T.reshape(-1).astype(jnp.int32)
    out = _emb(xt_flat, lut_weight)
    return out.reshape(b, a, D_MODEL).transpose(1, 0, 2)

# --- scband reference (transcript-rebuilt; emitter-appended) ---
"""Pipeline reference for scband-embedding-layer-26783416058410 (READ-ONLY COPY).

The authoritative reference and input builder live on the scoring server;
editing this copy changes nothing except your own understanding.
"""

import math
import jax, jax.numpy as jnp
import numpy as np

VOCAB = 100000
D_MODEL = 768

def setup_inputs(seed: int = 0) -> dict:
    key = jax.random.key(seed)
    k1, k2 = jax.random.split(key)
    x = jax.random.randint(k1, (1024, 50), 0, VOCAB, dtype=jnp.int64 if jax.config.read('jax_enable_x64') else jnp.int32)
    lut_weight = jax.random.normal(k2, (VOCAB, D_MODEL), dtype=jnp.float32) * 0.02
    return {"x": x, "lut_weight": lut_weight}

def reference(x, lut_weight):
    # nn.Embedding lookup followed by sqrt(d_model) scaling
    emb = jnp.take(lut_weight, x, axis=0)
    return emb * math.sqrt(D_MODEL)

if __name__ == "__main__":
    import jax
    _d = setup_inputs()
    print(jax.jit(kernel)(*tuple(_d.values())))

</pallas_src>

<mosaic_0001>
#map = affine_map<(d0, d1) -> (0)>
#map1 = affine_map<(d0, d1) -> (0, 0)>
module attributes {stable_mosaic.version = 14 : i64} {
  func.func @_emb_kernel(%arg0: i32, %arg1: i32, %arg2: memref<51200xi32, #tpu.memory_space<hbm>>, %arg3: memref<100000x768xf32, #tpu.memory_space<hbm>>, %arg4: memref<51200x768xf32, #tpu.memory_space<hbm>>, %arg5: memref<1600xi32, #tpu.memory_space<vmem>>, %arg6: memref<40x768xf32, #tpu.memory_space<vmem>>, %arg7: memref<40x768xf32, #tpu.memory_space<vmem>>, %arg8: memref<40x768xf32, #tpu.memory_space<vmem>>, %arg9: memref<40x768xf32, #tpu.memory_space<vmem>>, %arg10: memref<!tpu.dma_semaphore, #tpu.memory_space<semaphore_mem>>, %arg11: memref<!tpu.dma_semaphore, #tpu.memory_space<semaphore_mem>>, %arg12: memref<!tpu.dma_semaphore, #tpu.memory_space<semaphore_mem>>, %arg13: memref<!tpu.dma_semaphore, #tpu.memory_space<semaphore_mem>>) attributes {dimension_semantics = [#tpu.dimension_semantics<core_parallel>, #tpu.dimension_semantics<subcore_parallel>], iteration_bounds = array<i64: 2, 16>, scalar_prefetch = 0 : i64, scratch_operands = 9 : i64, tpu.core_type = #tpu.core_type<sc_vector_subcore>, window_params = [{transform_indices = #map}, {transform_indices = #map1}, {transform_indices = #map1}]} {
    %mul3A = arith.constant 2 : i32
    %mul3A_0 = arith.muli %arg1, %mul3A : i32
    %add3A = arith.addi %mul3A_0, %arg0 : i32
    %mul3A_1 = arith.constant 1600 : i32
    %mul3A_2 = arith.muli %add3A, %mul3A_1 : i32
    "tpu.region"() ({
      %run_scoped3A = tpu.sem_alloc : memref<!tpu.dma_semaphore, #tpu.memory_space<semaphore_mem>>
      %dma_start3A_26 = tpu.memref_slice %arg2[%mul3A_2] : memref<51200xi32, #tpu.memory_space<hbm>> -> memref<1600xi32, #tpu.memory_space<hbm>>
      %dma_start3A_27 = tpu.memref_slice %arg2[%mul3A_2] : memref<51200xi32, #tpu.memory_space<hbm>> -> memref<1600xi32, #tpu.memory_space<hbm>>
      tpu.enqueue_dma source(%dma_start3A_27 : memref<1600xi32, #tpu.memory_space<hbm>>) target(%arg5 : memref<1600xi32, #tpu.memory_space<vmem>>) target_semaphore(%run_scoped3A : memref<!tpu.dma_semaphore, #tpu.memory_space<semaphore_mem>>)
      %dma_wait3A_28 = tpu.memref_slice %arg2[%mul3A_2] : memref<51200xi32, #tpu.memory_space<hbm>> -> memref<1600xi32, #tpu.memory_space<hbm>>
      %dma_wait3A_29 = tpu.memref_slice %arg2[%mul3A_2] : memref<51200xi32, #tpu.memory_space<hbm>> -> memref<1600xi32, #tpu.memory_space<hbm>>
      tpu.wait_dma2 semaphore(%run_scoped3A : memref<!tpu.dma_semaphore, #tpu.memory_space<semaphore_mem>>) src(%dma_wait3A_29 : memref<1600xi32, #tpu.memory_space<hbm>>) dst(%arg5 : memref<1600xi32, #tpu.memory_space<vmem>>)
      tpu.yield
    }) : () -> ()
    %multiple_of3A = arith.constant 0 : i32
    %multiple_of3A_3 = tpu.assume_multiple %multiple_of3A, 8 : i32
    %dma_start3A = tpu.memref_slice %arg5[%multiple_of3A_3] : memref<1600xi32, #tpu.memory_space<vmem>> -> memref<40xi32, #tpu.memory_space<vmem>>
    %dma_start3A_4 = arith.constant 0 : i32
    %dma_start3A_5 = arith.constant 0 : i32
    %dma_start3A_6 = tpu.memref_slice %arg3[%dma_start3A_4, %dma_start3A_5] : memref<100000x768xf32, #tpu.memory_space<hbm>> -> memref<100000x768xf32, #tpu.memory_space<hbm>>
    tpu.enqueue_indirect_dma source(%dma_start3A_6 : memref<100000x768xf32, #tpu.memory_space<hbm>>) target(%arg6 : memref<40x768xf32, #tpu.memory_space<vmem>>) offsets(%dma_start3A : memref<40xi32, #tpu.memory_space<vmem>>) semaphore(%arg10 : memref<!tpu.dma_semaphore, #tpu.memory_space<semaphore_mem>>)
    %multiple_of3A_7 = arith.constant 40 : i32
    %multiple_of3A_8 = tpu.assume_multiple %multiple_of3A_7, 8 : i32
    %dma_start3A_9 = tpu.memref_slice %arg5[%multiple_of3A_8] : memref<1600xi32, #tpu.memory_space<vmem>> -> memref<40xi32, #tpu.memory_space<vmem>>
    %dma_start3A_10 = arith.constant 0 : i32
    %dma_start3A_11 = arith.constant 0 : i32
    %dma_start3A_12 = tpu.memref_slice %arg3[%dma_start3A_10, %dma_start3A_11] : memref<100000x768xf32, #tpu.memory_space<hbm>> -> memref<100000x768xf32, #tpu.memory_space<hbm>>
    tpu.enqueue_indirect_dma source(%dma_start3A_12 : memref<100000x768xf32, #tpu.memory_space<hbm>>) target(%arg7 : memref<40x768xf32, #tpu.memory_space<vmem>>) offsets(%dma_start3A_9 : memref<40xi32, #tpu.memory_space<vmem>>) semaphore(%arg11 : memref<!tpu.dma_semaphore, #tpu.memory_space<semaphore_mem>>)
    %scan3A = arith.constant 0 : i32
    %scan3A_13 = arith.constant 0 : i32
    %scan3A_14 = arith.constant 20 : i32
    %scan3A_15 = arith.addi %scan3A_13, %scan3A_14 : i32
    %scan3A_16 = arith.constant 1 : i32
    %scan3A_17 = scf.for %scan3A_26 = %scan3A_13 to %scan3A_15 step %scan3A_16 iter_args(%scan3A_27 = %scan3A) -> (i32)  : i32 {
      %mul3A_28 = arith.constant 2 : i32
      %mul3A_29 = arith.muli %mul3A_28, %scan3A_26 : i32
      %dma_wait3A_30 = arith.constant 0 : i32
      %dma_wait3A_31 = tpu.memref_slice %arg5[%dma_wait3A_30] : memref<1600xi32, #tpu.memory_space<vmem>> -> memref<40xi32, #tpu.memory_space<vmem>>
      %dma_wait3A_32 = arith.constant 0 : i32
      %dma_wait3A_33 = arith.constant 0 : i32
      %dma_wait3A_34 = tpu.memref_slice %arg3[%dma_wait3A_32, %dma_wait3A_33] : memref<100000x768xf32, #tpu.memory_space<hbm>> -> memref<100000x768xf32, #tpu.memory_space<hbm>>
      tpu.wait_indirect_dma semaphore(%arg10 : memref<!tpu.dma_semaphore, #tpu.memory_space<semaphore_mem>>) src(%dma_wait3A_34 : memref<100000x768xf32, #tpu.memory_space<hbm>>) dst(%arg6 : memref<40x768xf32, #tpu.memory_space<vmem>>)
      %gt3A = arith.constant 0 : i32
      %gt3A_35 = arith.cmpi sgt, %scan3A_26, %gt3A : i32
      %convert_element_type3A = arith.extui %gt3A_35 : i1 to i32
      %cond3A = arith.constant 0 : i32
      %cond3A_36 = arith.cmpi ne, %convert_element_type3A, %cond3A : i32
      scf.if %cond3A_36 {
        %dma_wait3A_84 = arith.constant 0 : i32
        %dma_wait3A_85 = tpu.memref_slice %arg4[%mul3A_2, %dma_wait3A_84] : memref<51200x768xf32, #tpu.memory_space<hbm>> -> memref<40x768xf32, #tpu.memory_space<hbm>>
        %dma_wait3A_86 = arith.constant 0 : i32
        %dma_wait3A_87 = tpu.memref_slice %arg4[%mul3A_2, %dma_wait3A_86] : memref<51200x768xf32, #tpu.memory_space<hbm>> -> memref<40x768xf32, #tpu.memory_space<hbm>>
        tpu.wait_dma2 semaphore(%arg12 : memref<!tpu.dma_semaphore, #tpu.memory_space<semaphore_mem>>) src(%arg8 : memref<40x768xf32, #tpu.memory_space<vmem>>) dst(%dma_wait3A_87 : memref<40x768xf32, #tpu.memory_space<hbm>>)
      } else {
      }
      %parallel_loop3A = arith.constant 0 : i32
      %parallel_loop3A_37 = arith.constant 40 : i32
      %parallel_loop3A_38 = arith.constant 1 : i32
      scf.for %parallel_loop3A_84 = %parallel_loop3A to %parallel_loop3A_37 step %parallel_loop3A_38  : i32 {
        %parallel_loop3A_85 = arith.index_cast %parallel_loop3A_84 : i32 to index
        %parallel_loop3A_86 = arith.constant 0 : index
        %parallel_loop3A_87 = tpu.vector_load %arg6[%parallel_loop3A_85, %parallel_loop3A_86] {strides = array<i32>} : memref<40x768xf32, #tpu.memory_space<vmem>>, vector<1x16xf32>,
        %parallel_loop3A_88 = vector.shape_cast %parallel_loop3A_87 : vector<1x16xf32> to vector<16xf32>
        %parallel_loop3A_89 = arith.constant 27.7128124 : f32
        %parallel_loop3A_90 = vector.broadcast %parallel_loop3A_89 : f32 to vector<16xf32>
        %parallel_loop3A_91 = arith.mulf %parallel_loop3A_88, %parallel_loop3A_90 : vector<16xf32>
        %parallel_loop3A_92 = arith.index_cast %parallel_loop3A_84 : i32 to index
        %parallel_loop3A_93 = arith.constant 0 : index
        %parallel_loop3A_94 = tpu.vector_load %arg8[%parallel_loop3A_92, %parallel_loop3A_93] {strides = array<i32>} : memref<40x768xf32, #tpu.memory_space<vmem>>, vector<1x16xf32>,
        %parallel_loop3A_95 = vector.shape_cast %parallel_loop3A_94 : vector<1x16xf32> to vector<16xf32>
        %parallel_loop3A_96 = vector.shape_cast %parallel_loop3A_91 : vector<16xf32> to vector<1x16xf32>
        tpu.vector_store %arg8[%parallel_loop3A_92, %parallel_loop3A_93], %parallel_loop3A_96 {strides = array<i32>} : memref<40x768xf32, #tpu.memory_space<vmem>>, vector<1x16xf32>,
        %parallel_loop3A_97 = arith.index_cast %parallel_loop3A_84 : i32 to index
        %parallel_loop3A_98 = arith.constant 16 : index
        %parallel_loop3A_99 = tpu.vector_load %arg6[%parallel_loop3A_97, %parallel_loop3A_98] {strides = array<i32>} : memref<40x768xf32, #tpu.memory_space<vmem>>, vector<1x16xf32>,
        %parallel_loop3A_100 = vector.shape_cast %parallel_loop3A_99 : vector<1x16xf32> to vector<16xf32>
        %parallel_loop3A_101 = arith.constant 27.7128124 : f32
        %parallel_loop3A_102 = vector.broadcast %parallel_loop3A_101 : f32 to vector<16xf32>
        %parallel_loop3A_103 = arith.mulf %parallel_loop3A_100, %parallel_loop3A_102 : vector<16xf32>
        %parallel_loop3A_104 = arith.index_cast %parallel_loop3A_84 : i32 to index
        %parallel_loop3A_105 = arith.constant 16 : index
        %parallel_loop3A_106 = tpu.vector_load %arg8[%parallel_loop3A_104, %parallel_loop3A_105] {strides = array<i32>} : memref<40x768xf32, #tpu.memory_space<vmem>>, vector<1x16xf32>,
        %parallel_loop3A_107 = vector.shape_cast %parallel_loop3A_106 : vector<1x16xf32> to vector<16xf32>
        %parallel_loop3A_108 = vector.shape_cast %parallel_loop3A_103 : vector<16xf32> to vector<1x16xf32>
        tpu.vector_store %arg8[%parallel_loop3A_104, %parallel_loop3A_105], %parallel_loop3A_108 {strides = array<i32>} : memref<40x768xf32, #tpu.memory_space<vmem>>, vector<1x16xf32>,
        %parallel_loop3A_109 = arith.index_cast %parallel_loop3A_84 : i32 to index
        %parallel_loop3A_110 = arith.constant 32 : index
        %parallel_loop3A_111 = tpu.vector_load %arg6[%parallel_loop3A_109, %parallel_loop3A_110] {strides = array<i32>} : memref<40x768xf32, #tpu.memory_space<vmem>>, vector<1x16xf32>,
        %parallel_loop3A_112 = vector.shape_cast %parallel_loop3A_111 : vector<1x16xf32> to vector<16xf32>
        %parallel_loop3A_113 = arith.constant 27.7128124 : f32
        %parallel_loop3A_114 = vector.broadcast %parallel_loop3A_113 : f32 to vector<16xf32>
        %parallel_loop3A_115 = arith.mulf %parallel_loop3A_112, %parallel_loop3A_114 : vector<16xf32>
        %parallel_loop3A_116 = arith.index_cast %parallel_loop3A_84 : i32 to index
        %parallel_loop3A_117 = arith.constant 32 : index
        %parallel_loop3A_118 = tpu.vector_load %arg8[%parallel_loop3A_116, %parallel_loop3A_117] {strides = array<i32>} : memref<40x768xf32, #tpu.memory_space<vmem>>, vector<1x16xf32>,
        %parallel_loop3A_119 = vector.shape_cast %parallel_loop3A_118 : vector<1x16xf32> to vector<16xf32>
        %parallel_loop3A_120 = vector.shape_cast %parallel_loop3A_115 : vector<16xf32> to vector<1x16xf32>
        tpu.vector_store %arg8[%parallel_loop3A_116, %parallel_loop3A_117], %parallel_loop3A_120 {strides = array<i32>} : memref<40x768xf32, #tpu.memory_space<vmem>>, vector<1x16xf32>,
        %parallel_loop3A_121 = arith.index_cast %parallel_loop3A_84 : i32 to index
        %parallel_loop3A_122 = arith.constant 48 : index
        %parallel_loop3A_123 = tpu.vector_load %arg6[%parallel_loop3A_121, %parallel_loop3A_122] {strides = array<i32>} : memref<40x768xf32, #tpu.memory_space<vmem>>, vector<1x16xf32>,
        %parallel_loop3A_124 = vector.shape_cast %parallel_loop3A_123 : vector<1x16xf32> to vector<16xf32>
        %parallel_loop3A_125 = arith.constant 27.7128124 : f32
        %parallel_loop3A_126 = vector.broadcast %parallel_loop3A_125 : f32 to vector<16xf32>
        %parallel_loop3A_127 = arith.mulf %parallel_loop3A_124, %parallel_loop3A_126 : vector<16xf32>
        %parallel_loop3A_128 = arith.index_cast %parallel_loop3A_84 : i32 to index
        %parallel_loop3A_129 = arith.constant 48 : index
        %parallel_loop3A_130 = tpu.vector_load %arg8[%parallel_loop3A_128, %parallel_loop3A_129] {strides = array<i32>} : memref<40x768xf32, #tpu.memory_space<vmem>>, vector<1x16xf32>,
        %parallel_loop3A_131 = vector.shape_cast %parallel_loop3A_130 : vector<1x16xf32> to vector<16xf32>
        %parallel_loop3A_132 = vector.shape_cast %parallel_loop3A_127 : vector<16xf32> to vector<1x16xf32>
        tpu.vector_store %arg8[%parallel_loop3A_128, %parallel_loop3A_129], %parallel_loop3A_132 {strides = array<i32>} : memref<40x768xf32, #tpu.memory_space<vmem>>, vector<1x16xf32>,
        %parallel_loop3A_133 = arith.index_cast %parallel_loop3A_84 : i32 to index
        %parallel_loop3A_134 = arith.constant 64 : index
        %parallel_loop3A_135 = tpu.vector_load %arg6[%parallel_loop3A_133, %parallel_loop3A_134] {strides = array<i32>} : memref<40x768xf32, #tpu.memory_space<vmem>>, vector<1x16xf32>,
        %parallel_loop3A_136 = vector.shape_cast %parallel_loop3A_135 : vector<1x16xf32> to vector<16xf32>
        %parallel_loop3A_137 = arith.constant 27.7128124 : f32
        %parallel_loop3A_138 = vector.broadcast %parallel_loop3A_137 : f32 to vector<16xf32>
        %parallel_loop3A_139 = arith.mulf %parallel_loop3A_136, %parallel_loop3A_138 : vector<16xf32>
        %parallel_loop3A_140 = arith.index_cast %parallel_loop3A_84 : i32 to index
        %parallel_loop3A_141 = arith.constant 64 : index
        %parallel_loop3A_142 = tpu.vector_load %arg8[%parallel_loop3A_140, %parallel_loop3A_141] {strides = array<i32>} : memref<40x768xf32, #tpu.memory_space<vmem>>, vector<1x16xf32>,
        %parallel_loop3A_143 = vector.shape_cast %parallel_loop3A_142 : vector<1x16xf32> to vector<16xf32>
        %parallel_loop3A_144 = vector.shape_cast %parallel_loop3A_139 : vector<16xf32> to vector<1x16xf32>
        tpu.vector_store %arg8[%parallel_loop3A_140, %parallel_loop3A_141], %parallel_loop3A_144 {strides = array<i32>} : memref<40x768xf32, #tpu.memory_space<vmem>>, vector<1x16xf32>,
        %parallel_loop3A_145 = arith.index_cast %parallel_loop3A_84 : i32 to index
        %parallel_loop3A_146 = arith.constant 80 : index
        %parallel_loop3A_147 = tpu.vector_load %arg6[%parallel_loop3A_145, %parallel_loop3A_146] {strides = array<i32>} : memref<40x768xf32, #tpu.memory_space<vmem>>, vector<1x16xf32>,
        %parallel_loop3A_148 = vector.shape_cast %parallel_loop3A_147 : vector<1x16xf32> to vector<16xf32>
        %parallel_loop3A_149 = arith.constant 27.7128124 : f32
        %parallel_loop3A_150 = vector.broadcast %parallel_loop3A_149 : f32 to vector<16xf32>
        %parallel_loop3A_151 = arith.mulf %parallel_loop3A_148, %parallel_loop3A_150 : vector<16xf32>
        %parallel_loop3A_152 = arith.index_cast %parallel_loop3A_84 : i32 to index
        %parallel_loop3A_153 = arith.constant 80 : index
        %parallel_loop3A_154 = tpu.vector_load %arg8[%parallel_loop3A_152, %parallel_loop3A_153] {strides = array<i32>} : memref<40x768xf32, #tpu.memory_space<vmem>>, vector<1x16xf32>,
        %parallel_loop3A_155 = vector.shape_cast %parallel_loop3A_154 : vector<1x16xf32> to vector<16xf32>
        %parallel_loop3A_156 = vector.shape_cast %parallel_loop3A_151 : vector<16xf32> to vector<1x16xf32>
        tpu.vector_store %arg8[%parallel_loop3A_152, %parallel_loop3A_153], %parallel_loop3A_156 {strides = array<i32>} : memref<40x768xf32, #tpu.memory_space<vmem>>, vector<1x16xf32>,
        %parallel_loop3A_157 = arith.index_cast %parallel_loop3A_84 : i32 to index
        %parallel_loop3A_158 = arith.constant 96 : index
        %parallel_loop3A_159 = tpu.vector_load %arg6[%parallel_loop3A_157, %parallel_loop3A_158] {strides = array<i32>} : memref<40x768xf32, #tpu.memory_space<vmem>>, vector<1x16xf32>,
        %parallel_loop3A_160 = vector.shape_cast %parallel_loop3A_159 : vector<1x16xf32> to vector<16xf32>
        %parallel_loop3A_161 = arith.constant 27.7128124 : f32
        %parallel_loop3A_162 = vector.broadcast %parallel_loop3A_161 : f32 to vector<16xf32>
        %parallel_loop3A_163 = arith.mulf %parallel_loop3A_160, %parallel_loop3A_162 : vector<16xf32>
        %parallel_loop3A_164 = arith.index_cast %parallel_loop3A_84 : i32 to index
        %parallel_loop3A_165 = arith.constant 96 : index
        %parallel_loop3A_166 = tpu.vector_load %arg8[%parallel_loop3A_164, %parallel_loop3A_165] {strides = array<i32>} : memref<40x768xf32, #tpu.memory_space<vmem>>, vector<1x16xf32>,
        %parallel_loop3A_167 = vector.shape_cast %parallel_loop3A_166 : vector<1x16xf32> to vector<16xf32>
        %parallel_loop3A_168 = vector.shape_cast %parallel_loop3A_163 : vector<16xf32> to vector<1x16xf32>
        tpu.vector_store %arg8[%parallel_loop3A_164, %parallel_loop3A_165], %parallel_loop3A_168 {strides = array<i32>} : memref<40x768xf32, #tpu.memory_space<vmem>>, vector<1x16xf32>,
        %parallel_loop3A_169 = arith.index_cast %parallel_loop3A_84 : i32 to index
        %parallel_loop3A_170 = arith.constant 112 : index
        %parallel_loop3A_171 = tpu.vector_load %arg6[%parallel_loop3A_169, %parallel_loop3A_170] {strides = array<i32>} : memref<40x768xf32, #tpu.memory_space<vmem>>, vector<1x16xf32>,
        %parallel_loop3A_172 = vector.shape_cast %parallel_loop3A_171 : vector<1x16xf32> to vector<16xf32>
        %parallel_loop3A_173 = arith.constant 27.7128124 : f32
        %parallel_loop3A_174 = vector.broadcast %parallel_loop3A_173 : f32 to vector<16xf32>
        %parallel_loop3A_175 = arith.mulf %parallel_loop3A_172, %parallel_loop3A_174 : vector<16xf32>
        %parallel_loop3A_176 = arith.index_cast %parallel_loop3A_84 : i32 to index
        %parallel_loop3A_177 = arith.constant 112 : index
        %parallel_loop3A_178 = tpu.vector_load %arg8[%parallel_loop3A_176, %parallel_loop3A_177] {strides = array<i32>} : memref<40x768xf32, #tpu.memory_space<vmem>>, vector<1x16xf32>,
        %parallel_loop3A_179 = vector.shape_cast %parallel_loop3A_178 : vector<1x16xf32> to vector<16xf32>
        %parallel_loop3A_180 = vector.shape_cast %parallel_loop3A_175 : vector<16xf32> to vector<1x16xf32>
        tpu.vector_store %arg8[%parallel_loop3A_176, %parallel_loop3A_177], %parallel_loop3A_180 {strides = array<i32>} : memref<40x768xf32, #tpu.memory_space<vmem>>, vector<1x16xf32>,
        %parallel_loop3A_181 = arith.index_cast %parallel_loop3A_84 : i32 to index
        %parallel_loop3A_182 = arith.constant 128 : index
        %parallel_loop3A_183 = tpu.vector_load %arg6[%parallel_loop3A_181, %parallel_loop3A_182] {strides = array<i32>} : memref<40x768xf32, #tpu.memory_space<vmem>>, vector<1x16xf32>,
        %parallel_loop3A_184 = vector.shape_cast %parallel_loop3A_183 : vector<1x16xf32> to vector<16xf32>
        %parallel_loop3A_185 = arith.constant 27.7128124 : f32
        %parallel_loop3A_186 = vector.broadcast %parallel_loop3A_185 : f32 to vector<16xf32>
        %parallel_loop3A_187 = arith.mulf %parallel_loop3A_184, %parallel_loop3A_186 : vector<16xf32>
        %parallel_loop3A_188 = arith.index_cast %parallel_loop3A_84 : i32 to index
        %parallel_loop3A_189 = arith.constant 128 : index
        %parallel_loop3A_190 = tpu.vector_load %arg8[%parallel_loop3A_188, %parallel_loop3A_189] {strides = array<i32>} : memref<40x768xf32, #tpu.memory_space<vmem>>, vector<1x16xf32>,
        %parallel_loop3A_191 = vector.shape_cast %parallel_loop3A_190 : vector<1x16xf32> to vector<16xf32>
        %parallel_loop3A_192 = vector.shape_cast %parallel_loop3A_187 : vector<16xf32> to vector<1x16xf32>
        tpu.vector_store %arg8[%parallel_loop3A_188, %parallel_loop3A_189], %parallel_loop3A_192 {strides = array<i32>} : memref<40x768xf32, #tpu.memory_space<vmem>>, vector<1x16xf32>,
        %parallel_loop3A_193 = arith.index_cast %parallel_loop3A_84 : i32 to index
        %parallel_loop3A_194 = arith.constant 144 : index
        %parallel_loop3A_195 = tpu.vector_load %arg6[%parallel_loop3A_193, %parallel_loop3A_194] {strides = array<i32>} : memref<40x768xf32, #tpu.memory_space<vmem>>, vector<1x16xf32>,
        %parallel_loop3A_196 = vector.shape_cast %parallel_loop3A_195 : vector<1x16xf32> to vector<16xf32>
        %parallel_loop3A_197 = arith.constant 27.7128124 : f32
        %parallel_loop3A_198 = vector.broadcast %parallel_loop3A_197 : f32 to vector<16xf32>
        %parallel_loop3A_199 = arith.mulf %parallel_loop3A_196, %parallel_loop3A_198 : vector<16xf32>
        %parallel_loop3A_200 = arith.index_cast %parallel_loop3A_84 : i32 to index
        %parallel_loop3A_201 = arith.constant 144 : index
        %parallel_loop3A_202 = tpu.vector_load %arg8[%parallel_loop3A_200, %parallel_loop3A_201] {strides = array<i32>} : memref<40x768xf32, #tpu.memory_space<vmem>>, vector<1x16xf32>,
        %parallel_loop3A_203 = vector.shape_cast %parallel_loop3A_202 : vector<1x16xf32> to vector<16xf32>
        %parallel_loop3A_204 = vector.shape_cast %parallel_loop3A_199 : vector<16xf32> to vector<1x16xf32>
        tpu.vector_store %arg8[%parallel_loop3A_200, %parallel_loop3A_201], %parallel_loop3A_204 {strides = array<i32>} : memref<40x768xf32, #tpu.memory_space<vmem>>, vector<1x16xf32>,
        %parallel_loop3A_205 = arith.index_cast %parallel_loop3A_84 : i32 to index
        %parallel_loop3A_206 = arith.constant 160 : index
        %parallel_loop3A_207 = tpu.vector_load %arg6[%parallel_loop3A_205, %parallel_loop3A_206] {strides = array<i32>} : memref<40x768xf32, #tpu.memory_space<vmem>>, vector<1x16xf32>,
        %parallel_loop3A_208 = vector.shape_cast %parallel_loop3A_207 : vector<1x16xf32> to vector<16xf32>
        %parallel_loop3A_209 = arith.constant 27.7128124 : f32
        %parallel_loop3A_210 = vector.broadcast %parallel_loop3A_209 : f32 to vector<16xf32>
        %parallel_loop3A_211 = arith.mulf %parallel_loop3A_208, %parallel_loop3A_210 : vector<16xf32>
        %parallel_loop3A_212 = arith.index_cast %parallel_loop3A_84 : i32 to index
        %parallel_loop3A_213 = arith.constant 160 : index
        %parallel_loop3A_214 = tpu.vector_load %arg8[%parallel_loop3A_212, %parallel_loop3A_213] {strides = array<i32>} : memref<40x768xf32, #tpu.memory_space<vmem>>, vector<1x16xf32>,
        %parallel_loop3A_215 = vector.shape_cast %parallel_loop3A_214 : vector<1x16xf32> to vector<16xf32>
        %parallel_loop3A_216 = vector.shape_cast %parallel_loop3A_211 : vector<16xf32> to vector<1x16xf32>
        tpu.vector_store %arg8[%parallel_loop3A_212, %parallel_loop3A_213], %parallel_loop3A_216 {strides = array<i32>} : memref<40x768xf32, #tpu.memory_space<vmem>>, vector<1x16xf32>,
        %parallel_loop3A_217 = arith.index_cast %parallel_loop3A_84 : i32 to index
        %parallel_loop3A_218 = arith.constant 176 : index
        %parallel_loop3A_219 = tpu.vector_load %arg6[%parallel_loop3A_217, %parallel_loop3A_218] {strides = array<i32>} : memref<40x768xf32, #tpu.memory_space<vmem>>, vector<1x16xf32>,
        %parallel_loop3A_220 = vector.shape_cast %parallel_loop3A_219 : vector<1x16xf32> to vector<16xf32>
        %parallel_loop3A_221 = arith.constant 27.7128124 : f32
        %parallel_loop3A_222 = vector.broadcast %parallel_loop3A_221 : f32 to vector<16xf32>
        %parallel_loop3A_223 = arith.mulf %parallel_loop3A_220, %parallel_loop3A_222 : vector<16xf32>
        %parallel_loop3A_224 = arith.index_cast %parallel_loop3A_84 : i32 to index
        %parallel_loop3A_225 = arith.constant 176 : index
        %parallel_loop3A_226 = tpu.vector_load %arg8[%parallel_loop3A_224, %parallel_loop3A_225] {strides = array<i32>} : memref<40x768xf32, #tpu.memory_space<vmem>>, vector<1x16xf32>,
        %parallel_loop3A_227 = vector.shape_cast %parallel_loop3A_226 : vector<1x16xf32> to vector<16xf32>
        %parallel_loop3A_228 = vector.shape_cast %parallel_loop3A_223 : vector<16xf32> to vector<1x16xf32>
        tpu.vector_store %arg8[%parallel_loop3A_224, %parallel_loop3A_225], %parallel_loop3A_228 {strides = array<i32>} : memref<40x768xf32, #tpu.memory_space<vmem>>, vector<1x16xf32>,
        %parallel_loop3A_229 = arith.index_cast %parallel_loop3A_84 : i32 to index
        %parallel_loop3A_230 = arith.constant 192 : index
        %parallel_loop3A_231 = tpu.vector_load %arg6[%parallel_loop3A_229, %parallel_loop3A_230] {strides = array<i32>} : memref<40x768xf32, #tpu.memory_space<vmem>>, vector<1x16xf32>,
        %parallel_loop3A_232 = vector.shape_cast %parallel_loop3A_231 : vector<1x16xf32> to vector<16xf32>
        %parallel_loop3A_233 = arith.constant 27.7128124 : f32
        %parallel_loop3A_234 = vector.broadcast %parallel_loop3A_233 : f32 to vector<16xf32>
        %parallel_loop3A_235 = arith.mulf %parallel_loop3A_232, %parallel_loop3A_234 : vector<16xf32>
        %parallel_loop3A_236 = arith.index_cast %parallel_loop3A_84 : i32 to index
        %parallel_loop3A_237 = arith.constant 192 : index
        %parallel_loop3A_238 = tpu.vector_load %arg8[%parallel_loop3A_236, %parallel_loop3A_237] {strides = array<i32>} : memref<40x768xf32, #tpu.memory_space<vmem>>, vector<1x16xf32>,
        %parallel_loop3A_239 = vector.shape_cast %parallel_loop3A_238 : vector<1x16xf32> to vector<16xf32>
        %parallel_loop3A_240 = vector.shape_cast %parallel_loop3A_235 : vector<16xf32> to vector<1x16xf32>
        tpu.vector_store %arg8[%parallel_loop3A_236, %parallel_loop3A_237], %parallel_loop3A_240 {strides = array<i32>} : memref<40x768xf32, #tpu.memory_space<vmem>>, vector<1x16xf32>,
        %parallel_loop3A_241 = arith.index_cast %parallel_loop3A_84 : i32 to index
        %parallel_loop3A_242 = arith.constant 208 : index
        %parallel_loop3A_243 = tpu.vector_load %arg6[%parallel_loop3A_241, %parallel_loop3A_242] {strides = array<i32>} : memref<40x768xf32, #tpu.memory_space<vmem>>, vector<1x16xf32>,
        %parallel_loop3A_244 = vector.shape_cast %parallel_loop3A_243 : vector<1x16xf32> to vector<16xf32>
        %parallel_loop3A_245 = arith.constant 27.7128124 : f32
        %parallel_loop3A_246 = vector.broadcast %parallel_loop3A_245 : f32 to vector<16xf32>
        %parallel_loop3A_247 = arith.mulf %parallel_loop3A_244, %parallel_loop3A_246 : vector<16xf32>
        %parallel_loop3A_248 = arith.index_cast %parallel_loop3A_84 : i32 to index
        %parallel_loop3A_249 = arith.constant 208 : index
        %parallel_loop3A_250 = tpu.vector_load %arg8[%parallel_loop3A_248, %parallel_loop3A_249] {strides = array<i32>} : memref<40x768xf32, #tpu.memory_space<vmem>>, vector<1x16xf32>,
        %parallel_loop3A_251 = vector.shape_cast %parallel_loop3A_250 : vector<1x16xf32> to vector<16xf32>
        %parallel_loop3A_252 = vector.shape_cast %parallel_loop3A_247 : vector<16xf32> to vector<1x16xf32>
        tpu.vector_store %arg8[%parallel_loop3A_248, %parallel_loop3A_249], %parallel_loop3A_252 {strides = array<i32>} : memref<40x768xf32, #tpu.memory_space<vmem>>, vector<1x16xf32>,
        %parallel_loop3A_253 = arith.index_cast %parallel_loop3A_84 : i32 to index
        %parallel_loop3A_254 = arith.constant 224 : index
        %parallel_loop3A_255 = tpu.vector_load %arg6[%parallel_loop3A_253, %parallel_loop3A_254] {strides = array<i32>} : memref<40x768xf32, #tpu.memory_space<vmem>>, vector<1x16xf32>,
        %parallel_loop3A_256 = vector.shape_cast %parallel_loop3A_255 : vector<1x16xf32> to vector<16xf32>
        %parallel_loop3A_257 = arith.constant 27.7128124 : f32
        %parallel_loop3A_258 = vector.broadcast %parallel_loop3A_257 : f32 to vector<16xf32>
        %parallel_loop3A_259 = arith.mulf %parallel_loop3A_256, %parallel_loop3A_258 : vector<16xf32>
        %parallel_loop3A_260 = arith.index_cast %parallel_loop3A_84 : i32 to index
        %parallel_loop3A_261 = arith.constant 224 : index
        %parallel_loop3A_262 = tpu.vector_load %arg8[%parallel_loop3A_260, %parallel_loop3A_261] {strides = array<i32>} : memref<40x768xf32, #tpu.memory_space<vmem>>, vector<1x16xf32>,
        %parallel_loop3A_263 = vector.shape_cast %parallel_loop3A_262 : vector<1x16xf32> to vector<16xf32>
        %parallel_loop3A_264 = vector.shape_cast %parallel_loop3A_259 : vector<16xf32> to vector<1x16xf32>
        tpu.vector_store %arg8[%parallel_loop3A_260, %parallel_loop3A_261], %parallel_loop3A_264 {strides = array<i32>} : memref<40x768xf32, #tpu.memory_space<vmem>>, vector<1x16xf32>,
        %parallel_loop3A_265 = arith.index_cast %parallel_loop3A_84 : i32 to index
        %parallel_loop3A_266 = arith.constant 240 : index
        %parallel_loop3A_267 = tpu.vector_load %arg6[%parallel_loop3A_265, %parallel_loop3A_266] {strides = array<i32>} : memref<40x768xf32, #tpu.memory_space<vmem>>, vector<1x16xf32>,
        %parallel_loop3A_268 = vector.shape_cast %parallel_loop3A_267 : vector<1x16xf32> to vector<16xf32>
        %parallel_loop3A_269 = arith.constant 27.7128124 : f32
        %parallel_loop3A_270 = vector.broadcast %parallel_loop3A_269 : f32 to vector<16xf32>
        %parallel_loop3A_271 = arith.mulf %parallel_loop3A_268, %parallel_loop3A_270 : vector<16xf32>
        %parallel_loop3A_272 = arith.index_cast %parallel_loop3A_84 : i32 to index
        %parallel_loop3A_273 = arith.constant 240 : index
        %parallel_loop3A_274 = tpu.vector_load %arg8[%parallel_loop3A_272, %parallel_loop3A_273] {strides = array<i32>} : memref<40x768xf32, #tpu.memory_space<vmem>>, vector<1x16xf32>,
        %parallel_loop3A_275 = vector.shape_cast %parallel_loop3A_274 : vector<1x16xf32> to vector<16xf32>
        %parallel_loop3A_276 = vector.shape_cast %parallel_loop3A_271 : vector<16xf32> to vector<1x16xf32>
        tpu.vector_store %arg8[%parallel_loop3A_272, %parallel_loop3A_273], %parallel_loop3A_276 {strides = array<i32>} : memref<40x768xf32, #tpu.memory_space<vmem>>, vector<1x16xf32>,
        %parallel_loop3A_277 = arith.index_cast %parallel_loop3A_84 : i32 to index
        %parallel_loop3A_278 = arith.constant 256 : index
        %parallel_loop3A_279 = tpu.vector_load %arg6[%parallel_loop3A_277, %parallel_loop3A_278] {strides = array<i32>} : memref<40x768xf32, #tpu.memory_space<vmem>>, vector<1x16xf32>,
        %parallel_loop3A_280 = vector.shape_cast %parallel_loop3A_279 : vector<1x16xf32> to vector<16xf32>
        %parallel_loop3A_281 = arith.constant 27.7128124 : f32
        %parallel_loop3A_282 = vector.broadcast %parallel_loop3A_281 : f32 to vector<16xf32>
        %parallel_loop3A_283 = arith.mulf %parallel_loop3A_280, %parallel_loop3A_282 : vector<16xf32>
        %parallel_loop3A_284 = arith.index_cast %parallel_loop3A_84 : i32 to index
        %parallel_loop3A_285 = arith.constant 256 : index
        %parallel_loop3A_286 = tpu.vector_load %arg8[%parallel_loop3A_284, %parallel_loop3A_285] {strides = array<i32>} : memref<40x768xf32, #tpu.memory_space<vmem>>, vector<1x16xf32>,
        %parallel_loop3A_287 = vector.shape_cast %parallel_loop3A_286 : vector<1x16xf32> to vector<16xf32>
        %parallel_loop3A_288 = vector.shape_cast %parallel_loop3A_283 : vector<16xf32> to vector<1x16xf32>
        tpu.vector_store %arg8[%parallel_loop3A_284, %parallel_loop3A_285], %parallel_loop3A_288 {strides = array<i32>} : memref<40x768xf32, #tpu.memory_space<vmem>>, vector<1x16xf32>,
        %parallel_loop3A_289 = arith.index_cast %parallel_loop3A_84 : i32 to index
        %parallel_loop3A_290 = arith.constant 272 : index
        %parallel_loop3A_291 = tpu.vector_load %arg6[%parallel_loop3A_289, %parallel_loop3A_290] {strides = array<i32>} : memref<40x768xf32, #tpu.memory_space<vmem>>, vector<1x16xf32>,
        %parallel_loop3A_292 = vector.shape_cast %parallel_loop3A_291 : vector<1x16xf32> to vector<16xf32>
        %parallel_loop3A_293 = arith.constant 27.7128124 : f32
        %parallel_loop3A_294 = vector.broadcast %parallel_loop3A_293 : f32 to vector<16xf32>
        %parallel_loop3A_295 = arith.mulf %parallel_loop3A_292, %parallel_loop3A_294 : vector<16xf32>
        %parallel_loop3A_296 = arith.index_cast %parallel_loop3A_84 : i32 to index
        %parallel_loop3A_297 = arith.constant 272 : index
        %parallel_loop3A_298 = tpu.vector_load %arg8[%parallel_loop3A_296, %parallel_loop3A_297] {strides = array<i32>} : memref<40x768xf32, #tpu.memory_space<vmem>>, vector<1x16xf32>,
        %parallel_loop3A_299 = vector.shape_cast %parallel_loop3A_298 : vector<1x16xf32> to vector<16xf32>
        %parallel_loop3A_300 = vector.shape_cast %parallel_loop3A_295 : vector<16xf32> to vector<1x16xf32>
        tpu.vector_store %arg8[%parallel_loop3A_296, %parallel_loop3A_297], %parallel_loop3A_300 {strides = array<i32>} : memref<40x768xf32, #tpu.memory_space<vmem>>, vector<1x16xf32>,
        %parallel_loop3A_301 = arith.index_cast %parallel_loop3A_84 : i32 to index
        %parallel_loop3A_302 = arith.constant 288 : index
        %parallel_loop3A_303 = tpu.vector_load %arg6[%parallel_loop3A_301, %parallel_loop3A_302] {strides = array<i32>} : memref<40x768xf32, #tpu.memory_space<vmem>>, vector<1x16xf32>,
        %parallel_loop3A_304 = vector.shape_cast %parallel_loop3A_303 : vector<1x16xf32> to vector<16xf32>
        %parallel_loop3A_305 = arith.constant 27.7128124 : f32
        %parallel_loop3A_306 = vector.broadcast %parallel_loop3A_305 : f32 to vector<16xf32>
        %parallel_loop3A_307 = arith.mulf %parallel_loop3A_304, %parallel_loop3A_306 : vector<16xf32>
        %parallel_loop3A_308 = arith.index_cast %parallel_loop3A_84 : i32 to index
        %parallel_loop3A_309 = arith.constant 288 : index
        %parallel_loop3A_310 = tpu.vector_load %arg8[%parallel_loop3A_308, %parallel_loop3A_309] {strides = array<i32>} : memref<40x768xf32, #tpu.memory_space<vmem>>, vector<1x16xf32>,
        %parallel_loop3A_311 = vector.shape_cast %parallel_loop3A_310 : vector<1x16xf32> to vector<16xf32>
        %parallel_loop3A_312 = vector.shape_cast %parallel_loop3A_307 : vector<16xf32> to vector<1x16xf32>
        tpu.vector_store %arg8[%parallel_loop3A_308, %parallel_loop3A_309], %parallel_loop3A_312 {strides = array<i32>} : memref<40x768xf32, #tpu.memory_space<vmem>>, vector<1x16xf32>,
        %parallel_loop3A_313 = arith.index_cast %parallel_loop3A_84 : i32 to index
        %parallel_loop3A_314 = arith.constant 304 : index
        %parallel_loop3A_315 = tpu.vector_load %arg6[%parallel_loop3A_313, %parallel_loop3A_314] {strides = array<i32>} : memref<40x768xf32, #tpu.memory_space<vmem>>, vector<1x16xf32>,
        %parallel_loop3A_316 = vector.shape_cast %parallel_loop3A_315 : vector<1x16xf32> to vector<16xf32>
        %parallel_loop3A_317 = arith.constant 27.7128124 : f32
        %parallel_loop3A_318 = vector.broadcast %parallel_loop3A_317 : f32 to vector<16xf32>
        %parallel_loop3A_319 = arith.mulf %parallel_loop3A_316, %parallel_loop3A_318 : vector<16xf32>
        %parallel_loop3A_320 = arith.index_cast %parallel_loop3A_84 : i32 to index
        %parallel_loop3A_321 = arith.constant 304 : index
        %parallel_loop3A_322 = tpu.vector_load %arg8[%parallel_loop3A_320, %parallel_loop3A_321] {strides = array<i32>} : memref<40x768xf32, #tpu.memory_space<vmem>>, vector<1x16xf32>,
        %parallel_loop3A_323 = vector.shape_cast %parallel_loop3A_322 : vector<1x16xf32> to vector<16xf32>
        %parallel_loop3A_324 = vector.shape_cast %parallel_loop3A_319 : vector<16xf32> to vector<1x16xf32>
        tpu.vector_store %arg8[%parallel_loop3A_320, %parallel_loop3A_321], %parallel_loop3A_324 {strides = array<i32>} : memref<40x768xf32, #tpu.memory_space<vmem>>, vector<1x16xf32>,
        %parallel_loop3A_325 = arith.index_cast %parallel_loop3A_84 : i32 to index
        %parallel_loop3A_326 = arith.constant 320 : index
        %parallel_loop3A_327 = tpu.vector_load %arg6[%parallel_loop3A_325, %parallel_loop3A_326] {strides = array<i32>} : memref<40x768xf32, #tpu.memory_space<vmem>>, vector<1x16xf32>,
        %parallel_loop3A_328 = vector.shape_cast %parallel_loop3A_327 : vector<1x16xf32> to vector<16xf32>
        %parallel_loop3A_329 = arith.constant 27.7128124 : f32
        %parallel_loop3A_330 = vector.broadcast %parallel_loop3A_329 : f32 to vector<16xf32>
        %parallel_loop3A_331 = arith.mulf %parallel_loop3A_328, %parallel_loop3A_330 : vector<16xf32>
        %parallel_loop3A_332 = arith.index_cast %parallel_loop3A_84 : i32 to index
        %parallel_loop3A_333 = arith.constant 320 : index
        %parallel_loop3A_334 = tpu.vector_load %arg8[%parallel_loop3A_332, %parallel_loop3A_333] {strides = array<i32>} : memref<40x768xf32, #tpu.memory_space<vmem>>, vector<1x16xf32>,
        %parallel_loop3A_335 = vector.shape_cast %parallel_loop3A_334 : vector<1x16xf32> to vector<16xf32>
        %parallel_loop3A_336 = vector.shape_cast %parallel_loop3A_331 : vector<16xf32> to vector<1x16xf32>
        tpu.vector_store %arg8[%parallel_loop3A_332, %parallel_loop3A_333], %parallel_loop3A_336 {strides = array<i32>} : memref<40x768xf32, #tpu.memory_space<vmem>>, vector<1x16xf32>,
        %parallel_loop3A_337 = arith.index_cast %parallel_loop3A_84 : i32 to index
        %parallel_loop3A_338 = arith.constant 336 : index
        %parallel_loop3A_339 = tpu.vector_load %arg6[%parallel_loop3A_337, %parallel_loop3A_338] {strides = array<i32>} : memref<40x768xf32, #tpu.memory_space<vmem>>, vector<1x16xf32>,
        %parallel_loop3A_340 = vector.shape_cast %parallel_loop3A_339 : vector<1x16xf32> to vector<16xf32>
        %parallel_loop3A_341 = arith.constant 27.7128124 : f32
        %parallel_loop3A_342 = vector.broadcast %parallel_loop3A_341 : f32 to vector<16xf32>
        %parallel_loop3A_343 = arith.mulf %parallel_loop3A_340, %parallel_loop3A_342 : vector<16xf32>
        %parallel_loop3A_344 = arith.index_cast %parallel_loop3A_84 : i32 to index
        %parallel_loop3A_345 = arith.constant 336 : index
        %parallel_loop3A_346 = tpu.vector_load %arg8[%parallel_loop3A_344, %parallel_loop3A_345] {strides = array<i32>} : memref<40x768xf32, #tpu.memory_space<vmem>>, vector<1x16xf32>,
        %parallel_loop3A_347 = vector.shape_cast %parallel_loop3A_346 : vector<1x16xf32> to vector<16xf32>
        %parallel_loop3A_348 = vector.shape_cast %parallel_loop3A_343 : vector<16xf32> to vector<1x16xf32>
        tpu.vector_store %arg8[%parallel_loop3A_344, %parallel_loop3A_345], %parallel_loop3A_348 {strides = array<i32>} : memref<40x768xf32, #tpu.memory_space<vmem>>, vector<1x16xf32>,
        %parallel_loop3A_349 = arith.index_cast %parallel_loop3A_84 : i32 to index
        %parallel_loop3A_350 = arith.constant 352 : index
        %parallel_loop3A_351 = tpu.vector_load %arg6[%parallel_loop3A_349, %parallel_loop3A_350] {strides = array<i32>} : memref<40x768xf32, #tpu.memory_space<vmem>>, vector<1x16xf32>,
        %parallel_loop3A_352 = vector.shape_cast %parallel_loop3A_351 : vector<1x16xf32> to vector<16xf32>
        %parallel_loop3A_353 = arith.constant 27.7128124 : f32
        %parallel_loop3A_354 = vector.broadcast %parallel_loop3A_353 : f32 to vector<16xf32>
        %parallel_loop3A_355 = arith.mulf %parallel_loop3A_352, %parallel_loop3A_354 : vector<16xf32>
        %parallel_loop3A_356 = arith.index_cast %parallel_loop3A_84 : i32 to index
        %parallel_loop3A_357 = arith.constant 352 : index
        %parallel_loop3A_358 = tpu.vector_load %arg8[%parallel_loop3A_356, %parallel_loop3A_357] {strides = array<i32>} : memref<40x768xf32, #tpu.memory_space<vmem>>, vector<1x16xf32>,
        %parallel_loop3A_359 = vector.shape_cast %parallel_loop3A_358 : vector<1x16xf32> to vector<16xf32>
        %parallel_loop3A_360 = vector.shape_cast %parallel_loop3A_355 : vector<16xf32> to vector<1x16xf32>
        tpu.vector_store %arg8[%parallel_loop3A_356, %parallel_loop3A_357], %parallel_loop3A_360 {strides = array<i32>} : memref<40x768xf32, #tpu.memory_space<vmem>>, vector<1x16xf32>,
        %parallel_loop3A_361 = arith.index_cast %parallel_loop3A_84 : i32 to index
        %parallel_loop3A_362 = arith.constant 368 : index
        %parallel_loop3A_363 = tpu.vector_load %arg6[%parallel_loop3A_361, %parallel_loop3A_362] {strides = array<i32>} : memref<40x768xf32, #tpu.memory_space<vmem>>, vector<1x16xf32>,
        %parallel_loop3A_364 = vector.shape_cast %parallel_loop3A_363 : vector<1x16xf32> to vector<16xf32>
        %parallel_loop3A_365 = arith.constant 27.7128124 : f32
        %parallel_loop3A_366 = vector.broadcast %parallel_loop3A_365 : f32 to vector<16xf32>
        %parallel_loop3A_367 = arith.mulf %parallel_loop3A_364, %parallel_loop3A_366 : vector<16xf32>
        %parallel_loop3A_368 = arith.index_cast %parallel_loop3A_84 : i32 to index
        %parallel_loop3A_369 = arith.constant 368 : index
        %parallel_loop3A_370 = tpu.vector_load %arg8[%parallel_loop3A_368, %parallel_loop3A_369] {strides = array<i32>} : memref<40x768xf32, #tpu.memory_space<vmem>>, vector<1x16xf32>,
        %parallel_loop3A_371 = vector.shape_cast %parallel_loop3A_370 : vector<1x16xf32> to vector<16xf32>
        %parallel_loop3A_372 = vector.shape_cast %parallel_loop3A_367 : vector<16xf32> to vector<1x16xf32>
        tpu.vector_store %arg8[%parallel_loop3A_368, %parallel_loop3A_369], %parallel_loop3A_372 {strides = array<i32>} : memref<40x768xf32, #tpu.memory_space<vmem>>, vector<1x16xf32>,
        %parallel_loop3A_373 = arith.index_cast %parallel_loop3A_84 : i32 to index
        %parallel_loop3A_374 = arith.constant 384 : index
        %parallel_loop3A_375 = tpu.vector_load %arg6[%parallel_loop3A_373, %parallel_loop3A_374] {strides = array<i32>} : memref<40x768xf32, #tpu.memory_space<vmem>>, vector<1x16xf32>,
        %parallel_loop3A_376 = vector.shape_cast %parallel_loop3A_375 : vector<1x16xf32> to vector<16xf32>
        %parallel_loop3A_377 = arith.constant 27.7128124 : f32
        %parallel_loop3A_378 = vector.broadcast %parallel_loop3A_377 : f32 to vector<16xf32>
        %parallel_loop3A_379 = arith.mulf %parallel_loop3A_376, %parallel_loop3A_378 : vector<16xf32>
        %parallel_loop3A_380 = arith.index_cast %parallel_loop3A_84 : i32 to index
        %parallel_loop3A_381 = arith.constant 384 : index
        %parallel_loop3A_382 = tpu.vector_load %arg8[%parallel_loop3A_380, %parallel_loop3A_381] {strides = array<i32>} : memref<40x768xf32, #tpu.memory_space<vmem>>, vector<1x16xf32>,
        %parallel_loop3A_383 = vector.shape_cast %parallel_loop3A_382 : vector<1x16xf32> to vector<16xf32>
        %parallel_loop3A_384 = vector.shape_cast %parallel_loop3A_379 : vector<16xf32> to vector<1x16xf32>
        tpu.vector_store %arg8[%parallel_loop3A_380, %parallel_loop3A_381], %parallel_loop3A_384 {strides = array<i32>} : memref<40x768xf32, #tpu.memory_space<vmem>>, vector<1x16xf32>,
        %parallel_loop3A_385 = arith.index_cast %parallel_loop3A_84 : i32 to index
        %parallel_loop3A_386 = arith.constant 400 : index
        %parallel_loop3A_387 = tpu.vector_load %arg6[%parallel_loop3A_385, %parallel_loop3A_386] {strides = array<i32>} : memref<40x768xf32, #tpu.memory_space<vmem>>, vector<1x16xf32>,
        %parallel_loop3A_388 = vector.shape_cast %parallel_loop3A_387 : vector<1x16xf32> to vector<16xf32>
        %parallel_loop3A_389 = arith.constant 27.7128124 : f32
        %parallel_loop3A_390 = vector.broadcast %parallel_loop3A_389 : f32 to vector<16xf32>
        %parallel_loop3A_391 = arith.mulf %parallel_loop3A_388, %parallel_loop3A_390 : vector<16xf32>
        %parallel_loop3A_392 = arith.index_cast %parallel_loop3A_84 : i32 to index
        %parallel_loop3A_393 = arith.constant 400 : index
        %parallel_loop3A_394 = tpu.vector_load %arg8[%parallel_loop3A_392, %parallel_loop3A_393] {strides = array<i32>} : memref<40x768xf32, #tpu.memory_space<vmem>>, vector<1x16xf32>,
        %parallel_loop3A_395 = vector.shape_cast %parallel_loop3A_394 : vector<1x16xf32> to vector<16xf32>
        %parallel_loop3A_396 = vector.shape_cast %parallel_loop3A_391 : vector<16xf32> to vector<1x16xf32>
        tpu.vector_store %arg8[%parallel_loop3A_392, %parallel_loop3A_393], %parallel_loop3A_396 {strides = array<i32>} : memref<40x768xf32, #tpu.memory_space<vmem>>, vector<1x16xf32>,
        %parallel_loop3A_397 = arith.index_cast %parallel_loop3A_84 : i32 to index
        %parallel_loop3A_398 = arith.constant 416 : index
        %parallel_loop3A_399 = tpu.vector_load %arg6[%parallel_loop3A_397, %parallel_loop3A_398] {strides = array<i32>} : memref<40x768xf32, #tpu.memory_space<vmem>>, vector<1x16xf32>,
        %parallel_loop3A_400 = vector.shape_cast %parallel_loop3A_399 : vector<1x16xf32> to vector<16xf32>
        %parallel_loop3A_401 = arith.constant 27.7128124 : f32
        %parallel_loop3A_402 = vector.broadcast %parallel_loop3A_401 : f32 to vector<16xf32>
        %parallel_loop3A_403 = arith.mulf %parallel_loop3A_400, %parallel_loop3A_402 : vector<16xf32>
        %parallel_loop3A_404 = arith.index_cast %parallel_loop3A_84 : i32 to index
        %parallel_loop3A_405 = arith.constant 416 : index
        %parallel_loop3A_406 = tpu.vector_load %arg8[%parallel_loop3A_404, %parallel_loop3A_405] {strides = array<i32>} : memref<40x768xf32, #tpu.memory_space<vmem>>, vector<1x16xf32>,
        %parallel_loop3A_407 = vector.shape_cast %parallel_loop3A_406 : vector<1x16xf32> to vector<16xf32>
        %parallel_loop3A_408 = vector.shape_cast %parallel_loop3A_403 : vector<16xf32> to vector<1x16xf32>
        tpu.vector_store %arg8[%parallel_loop3A_404, %parallel_loop3A_405], %parallel_loop3A_408 {strides = array<i32>} : memref<40x768xf32, #tpu.memory_space<vmem>>, vector<1x16xf32>,
        %parallel_loop3A_409 = arith.index_cast %parallel_loop3A_84 : i32 to index
        %parallel_loop3A_410 = arith.constant 432 : index
        %parallel_loop3A_411 = tpu.vector_load %arg6[%parallel_loop3A_409, %parallel_loop3A_410] {strides = array<i32>} : memref<40x768xf32, #tpu.memory_space<vmem>>, vector<1x16xf32>,
        %parallel_loop3A_412 = vector.shape_cast %parallel_loop3A_411 : vector<1x16xf32> to vector<16xf32>
        %parallel_loop3A_413 = arith.constant 27.7128124 : f32
        %parallel_loop3A_414 = vector.broadcast %parallel_loop3A_413 : f32 to vector<16xf32>
        %parallel_loop3A_415 = arith.mulf %parallel_loop3A_412, %parallel_loop3A_414 : vector<16xf32>
        %parallel_loop3A_416 = arith.index_cast %parallel_loop3A_84 : i32 to index
        %parallel_loop3A_417 = arith.constant 432 : index
        %parallel_loop3A_418 = tpu.vector_load %arg8[%parallel_loop3A_416, %parallel_loop3A_417] {strides = array<i32>} : memref<40x768xf32, #tpu.memory_space<vmem>>, vector<1x16xf32>,
        %parallel_loop3A_419 = vector.shape_cast %parallel_loop3A_418 : vector<1x16xf32> to vector<16xf32>
        %parallel_loop3A_420 = vector.shape_cast %parallel_loop3A_415 : vector<16xf32> to vector<1x16xf32>
        tpu.vector_store %arg8[%parallel_loop3A_416, %parallel_loop3A_417], %parallel_loop3A_420 {strides = array<i32>} : memref<40x768xf32, #tpu.memory_space<vmem>>, vector<1x16xf32>,
        %parallel_loop3A_421 = arith.index_cast %parallel_loop3A_84 : i32 to index
        %parallel_loop3A_422 = arith.constant 448 : index
        %parallel_loop3A_423 = tpu.vector_load %arg6[%parallel_loop3A_421, %parallel_loop3A_422] {strides = array<i32>} : memref<40x768xf32, #tpu.memory_space<vmem>>, vector<1x16xf32>,
        %parallel_loop3A_424 = vector.shape_cast %parallel_loop3A_423 : vector<1x16xf32> to vector<16xf32>
        %parallel_loop3A_425 = arith.constant 27.7128124 : f32
        %parallel_loop3A_426 = vector.broadcast %parallel_loop3A_425 : f32 to vector<16xf32>
        %parallel_loop3A_427 = arith.mulf %parallel_loop3A_424, %parallel_loop3A_426 : vector<16xf32>
        %parallel_loop3A_428 = arith.index_cast %parallel_loop3A_84 : i32 to index
        %parallel_loop3A_429 = arith.constant 448 : index
        %parallel_loop3A_430 = tpu.vector_load %arg8[%parallel_loop3A_428, %parallel_loop3A_429] {strides = array<i32>} : memref<40x768xf32, #tpu.memory_space<vmem>>, vector<1x16xf32>,
        %parallel_loop3A_431 = vector.shape_cast %parallel_loop3A_430 : vector<1x16xf32> to vector<16xf32>
        %parallel_loop3A_432 = vector.shape_cast %parallel_loop3A_427 : vector<16xf32> to vector<1x16xf32>
        tpu.vector_store %arg8[%parallel_loop3A_428, %parallel_loop3A_429], %parallel_loop3A_432 {strides = array<i32>} : memref<40x768xf32, #tpu.memory_space<vmem>>, vector<1x16xf32>,
        %parallel_loop3A_433 = arith.index_cast %parallel_loop3A_84 : i32 to index
        %parallel_loop3A_434 = arith.constant 464 : index
        %parallel_loop3A_435 = tpu.vector_load %arg6[%parallel_loop3A_433, %parallel_loop3A_434] {strides = array<i32>} : memref<40x768xf32, #tpu.memory_space<vmem>>, vector<1x16xf32>,
        %parallel_loop3A_436 = vector.shape_cast %parallel_loop3A_435 : vector<1x16xf32> to vector<16xf32>
        %parallel_loop3A_437 = arith.constant 27.7128124 : f32
        %parallel_loop3A_438 = vector.broadcast %parallel_loop3A_437 : f32 to vector<16xf32>
        %parallel_loop3A_439 = arith.mulf %parallel_loop3A_436, %parallel_loop3A_438 : vector<16xf32>
        %parallel_loop3A_440 = arith.index_cast %parallel_loop3A_84 : i32 to index
        %parallel_loop3A_441 = arith.constant 464 : index
        %parallel_loop3A_442 = tpu.vector_load %arg8[%parallel_loop3A_440, %parallel_loop3A_441] {strides = array<i32>} : memref<40x768xf32, #tpu.memory_space<vmem>>, vector<1x16xf32>,
        %parallel_loop3A_443 = vector.shape_cast %parallel_loop3A_442 : vector<1x16xf32> to vector<16xf32>
        %parallel_loop3A_444 = vector.shape_cast %parallel_loop3A_439 : vector<16xf32> to vector<1x16xf32>
        tpu.vector_store %arg8[%parallel_loop3A_440, %parallel_loop3A_441], %parallel_loop3A_444 {strides = array<i32>} : memref<40x768xf32, #tpu.memory_space<vmem>>, vector<1x16xf32>,
        %parallel_loop3A_445 = arith.index_cast %parallel_loop3A_84 : i32 to index
        %parallel_loop3A_446 = arith.constant 480 : index
        %parallel_loop3A_447 = tpu.vector_load %arg6[%parallel_loop3A_445, %parallel_loop3A_446] {strides = array<i32>} : memref<40x768xf32, #tpu.memory_space<vmem>>, vector<1x16xf32>,
        %parallel_loop3A_448 = vector.shape_cast %parallel_loop3A_447 : vector<1x16xf32> to vector<16xf32>
        %parallel_loop3A_449 = arith.constant 27.7128124 : f32
        %parallel_loop3A_450 = vector.broadcast %parallel_loop3A_449 : f32 to vector<16xf32>
        %parallel_loop3A_451 = arith.mulf %parallel_loop3A_448, %parallel_loop3A_450 : vector<16xf32>
        %parallel_loop3A_452 = arith.index_cast %parallel_loop3A_84 : i32 to index
        %parallel_loop3A_453 = arith.constant 480 : index
        %parallel_loop3A_454 = tpu.vector_load %arg8[%parallel_loop3A_452, %parallel_loop3A_453] {strides = array<i32>} : memref<40x768xf32, #tpu.memory_space<vmem>>, vector<1x16xf32>,
        %parallel_loop3A_455 = vector.shape_cast %parallel_loop3A_454 : vector<1x16xf32> to vector<16xf32>
        %parallel_loop3A_456 = vector.shape_cast %parallel_loop3A_451 : vector<16xf32> to vector<1x16xf32>
        tpu.vector_store %arg8[%parallel_loop3A_452, %parallel_loop3A_453], %parallel_loop3A_456 {strides = array<i32>} : memref<40x768xf32, #tpu.memory_space<vmem>>, vector<1x16xf32>,
        %parallel_loop3A_457 = arith.index_cast %parallel_loop3A_84 : i32 to index
        %parallel_loop3A_458 = arith.constant 496 : index
        %parallel_loop3A_459 = tpu.vector_load %arg6[%parallel_loop3A_457, %parallel_loop3A_458] {strides = array<i32>} : memref<40x768xf32, #tpu.memory_space<vmem>>, vector<1x16xf32>,
        %parallel_loop3A_460 = vector.shape_cast %parallel_loop3A_459 : vector<1x16xf32> to vector<16xf32>
        %parallel_loop3A_461 = arith.constant 27.7128124 : f32
        %parallel_loop3A_462 = vector.broadcast %parallel_loop3A_461 : f32 to vector<16xf32>
        %parallel_loop3A_463 = arith.mulf %parallel_loop3A_460, %parallel_loop3A_462 : vector<16xf32>
        %parallel_loop3A_464 = arith.index_cast %parallel_loop3A_84 : i32 to index
        %parallel_loop3A_465 = arith.constant 496 : index
        %parallel_loop3A_466 = tpu.vector_load %arg8[%parallel_loop3A_464, %parallel_loop3A_465] {strides = array<i32>} : memref<40x768xf32, #tpu.memory_space<vmem>>, vector<1x16xf32>,
        %parallel_loop3A_467 = vector.shape_cast %parallel_loop3A_466 : vector<1x16xf32> to vector<16xf32>
        %parallel_loop3A_468 = vector.shape_cast %parallel_loop3A_463 : vector<16xf32> to vector<1x16xf32>
        tpu.vector_store %arg8[%parallel_loop3A_464, %parallel_loop3A_465], %parallel_loop3A_468 {strides = array<i32>} : memref<40x768xf32, #tpu.memory_space<vmem>>, vector<1x16xf32>,
        %parallel_loop3A_469 = arith.index_cast %parallel_loop3A_84 : i32 to index
        %parallel_loop3A_470 = arith.constant 512 : index
        %parallel_loop3A_471 = tpu.vector_load %arg6[%parallel_loop3A_469, %parallel_loop3A_470] {strides = array<i32>} : memref<40x768xf32, #tpu.memory_space<vmem>>, vector<1x16xf32>,
        %parallel_loop3A_472 = vector.shape_cast %parallel_loop3A_471 : vector<1x16xf32> to vector<16xf32>
        %parallel_loop3A_473 = arith.constant 27.7128124 : f32
        %parallel_loop3A_474 = vector.broadcast %parallel_loop3A_473 : f32 to vector<16xf32>
        %parallel_loop3A_475 = arith.mulf %parallel_loop3A_472, %parallel_loop3A_474 : vector<16xf32>
        %parallel_loop3A_476 = arith.index_cast %parallel_loop3A_84 : i32 to index
        %parallel_loop3A_477 = arith.constant 512 : index
        %parallel_loop3A_478 = tpu.vector_load %arg8[%parallel_loop3A_476, %parallel_loop3A_477] {strides = array<i32>} : memref<40x768xf32, #tpu.memory_space<vmem>>, vector<1x16xf32>,
        %parallel_loop3A_479 = vector.shape_cast %parallel_loop3A_478 : vector<1x16xf32> to vector<16xf32>
        %parallel_loop3A_480 = vector.shape_cast %parallel_loop3A_475 : vector<16xf32> to vector<1x16xf32>
        tpu.vector_store %arg8[%parallel_loop3A_476, %parallel_loop3A_477], %parallel_loop3A_480 {strides = array<i32>} : memref<40x768xf32, #tpu.memory_space<vmem>>, vector<1x16xf32>,
        %parallel_loop3A_481 = arith.index_cast %parallel_loop3A_84 : i32 to index
        %parallel_loop3A_482 = arith.constant 528 : index
        %parallel_loop3A_483 = tpu.vector_load %arg6[%parallel_loop3A_481, %parallel_loop3A_482] {strides = array<i32>} : memref<40x768xf32, #tpu.memory_space<vmem>>, vector<1x16xf32>,
        %parallel_loop3A_484 = vector.shape_cast %parallel_loop3A_483 : vector<1x16xf32> to vector<16xf32>
        %parallel_loop3A_485 = arith.constant 27.7128124 : f32
        %parallel_loop3A_486 = vector.broadcast %parallel_loop3A_485 : f32 to vector<16xf32>
        %parallel_loop3A_487 = arith.mulf %parallel_loop3A_484, %parallel_loop3A_486 : vector<16xf32>
        %parallel_loop3A_488 = arith.index_cast %parallel_loop3A_84 : i32 to index
        %parallel_loop3A_489 = arith.constant 528 : index
        %parallel_loop3A_490 = tpu.vector_load %arg8[%parallel_loop3A_488, %parallel_loop3A_489] {strides = array<i32>} : memref<40x768xf32, #tpu.memory_space<vmem>>, vector<1x16xf32>,
        %parallel_loop3A_491 = vector.shape_cast %parallel_loop3A_490 : vector<1x16xf32> to vector<16xf32>
        %parallel_loop3A_492 = vector.shape_cast %parallel_loop3A_487 : vector<16xf32> to vector<1x16xf32>
        tpu.vector_store %arg8[%parallel_loop3A_488, %parallel_loop3A_489], %parallel_loop3A_492 {strides = array<i32>} : memref<40x768xf32, #tpu.memory_space<vmem>>, vector<1x16xf32>,
        %parallel_loop3A_493 = arith.index_cast %parallel_loop3A_84 : i32 to index
        %parallel_loop3A_494 = arith.constant 544 : index
        %parallel_loop3A_495 = tpu.vector_load %arg6[%parallel_loop3A_493, %parallel_loop3A_494] {strides = array<i32>} : memref<40x768xf32, #tpu.memory_space<vmem>>, vector<1x16xf32>,
        %parallel_loop3A_496 = vector.shape_cast %parallel_loop3A_495 : vector<1x16xf32> to vector<16xf32>
        %parallel_loop3A_497 = arith.constant 27.7128124 : f32
        %parallel_loop3A_498 = vector.broadcast %parallel_loop3A_497 : f32 to vector<16xf32>
        %parallel_loop3A_499 = arith.mulf %parallel_loop3A_496, %parallel_loop3A_498 : vector<16xf32>
        %parallel_loop3A_500 = arith.index_cast %parallel_loop3A_84 : i32 to index
        %parallel_loop3A_501 = arith.constant 544 : index
        %parallel_loop3A_502 = tpu.vector_load %arg8[%parallel_loop3A_500, %parallel_loop3A_501] {strides = array<i32>} : memref<40x768xf32, #tpu.memory_space<vmem>>, vector<1x16xf32>,
        %parallel_loop3A_503 = vector.shape_cast %parallel_loop3A_502 : vector<1x16xf32> to vector<16xf32>
        %parallel_loop3A_504 = vector.shape_cast %parallel_loop3A_499 : vector<16xf32> to vector<1x16xf32>
        tpu.vector_store %arg8[%parallel_loop3A_500, %parallel_loop3A_501], %parallel_loop3A_504 {strides = array<i32>} : memref<40x768xf32, #tpu.memory_space<vmem>>, vector<1x16xf32>,
        %parallel_loop3A_505 = arith.index_cast %parallel_loop3A_84 : i32 to index
        %parallel_loop3A_506 = arith.constant 560 : index
        %parallel_loop3A_507 = tpu.vector_load %arg6[%parallel_loop3A_505, %parallel_loop3A_506] {strides = array<i32>} : memref<40x768xf32, #tpu.memory_space<vmem>>, vector<1x16xf32>,
        %parallel_loop3A_508 = vector.shape_cast %parallel_loop3A_507 : vector<1x16xf32> to vector<16xf32>
        %parallel_loop3A_509 = arith.constant 27.7128124 : f32
        %parallel_loop3A_510 = vector.broadcast %parallel_loop3A_509 : f32 to vector<16xf32>
        %parallel_loop3A_511 = arith.mulf %parallel_loop3A_508, %parallel_loop3A_510 : vector<16xf32>
        %parallel_loop3A_512 = arith.index_cast %parallel_loop3A_84 : i32 to index
        %parallel_loop3A_513 = arith.constant 560 : index
        %parallel_loop3A_514 = tpu.vector_load %arg8[%parallel_loop3A_512, %parallel_loop3A_513] {strides = array<i32>} : memref<40x768xf32, #tpu.memory_space<vmem>>, vector<1x16xf32>,
        %parallel_loop3A_515 = vector.shape_cast %parallel_loop3A_514 : vector<1x16xf32> to vector<16xf32>
        %parallel_loop3A_516 = vector.shape_cast %parallel_loop3A_511 : vector<16xf32> to vector<1x16xf32>
        tpu.vector_store %arg8[%parallel_loop3A_512, %parallel_loop3A_513], %parallel_loop3A_516 {strides = array<i32>} : memref<40x768xf32, #tpu.memory_space<vmem>>, vector<1x16xf32>,
        %parallel_loop3A_517 = arith.index_cast %parallel_loop3A_84 : i32 to index
        %parallel_loop3A_518 = arith.constant 576 : index
        %parallel_loop3A_519 = tpu.vector_load %arg6[%parallel_loop3A_517, %parallel_loop3A_518] {strides = array<i32>} : memref<40x768xf32, #tpu.memory_space<vmem>>, vector<1x16xf32>,
        %parallel_loop3A_520 = vector.shape_cast %parallel_loop3A_519 : vector<1x16xf32> to vector<16xf32>
        %parallel_loop3A_521 = arith.constant 27.7128124 : f32
        %parallel_loop3A_522 = vector.broadcast %parallel_loop3A_521 : f32 to vector<16xf32>
        %parallel_loop3A_523 = arith.mulf %parallel_loop3A_520, %parallel_loop3A_522 : vector<16xf32>
        %parallel_loop3A_524 = arith.index_cast %parallel_loop3A_84 : i32 to index
        %parallel_loop3A_525 = arith.constant 576 : index
        %parallel_loop3A_526 = tpu.vector_load %arg8[%parallel_loop3A_524, %parallel_loop3A_525] {strides = array<i32>} : memref<40x768xf32, #tpu.memory_space<vmem>>, vector<1x16xf32>,
        %parallel_loop3A_527 = vector.shape_cast %parallel_loop3A_526 : vector<1x16xf32> to vector<16xf32>
        %parallel_loop3A_528 = vector.shape_cast %parallel_loop3A_523 : vector<16xf32> to vector<1x16xf32>
        tpu.vector_store %arg8[%parallel_loop3A_524, %parallel_loop3A_525], %parallel_loop3A_528 {strides = array<i32>} : memref<40x768xf32, #tpu.memory_space<vmem>>, vector<1x16xf32>,
        %parallel_loop3A_529 = arith.index_cast %parallel_loop3A_84 : i32 to index
        %parallel_loop3A_530 = arith.constant 592 : index
        %parallel_loop3A_531 = tpu.vector_load %arg6[%parallel_loop3A_529, %parallel_loop3A_530] {strides = array<i32>} : memref<40x768xf32, #tpu.memory_space<vmem>>, vector<1x16xf32>,
        %parallel_loop3A_532 = vector.shape_cast %parallel_loop3A_531 : vector<1x16xf32> to vector<16xf32>
        %parallel_loop3A_533 = arith.constant 27.7128124 : f32
        %parallel_loop3A_534 = vector.broadcast %parallel_loop3A_533 : f32 to vector<16xf32>
        %parallel_loop3A_535 = arith.mulf %parallel_loop3A_532, %parallel_loop3A_534 : vector<16xf32>
        %parallel_loop3A_536 = arith.index_cast %parallel_loop3A_84 : i32 to index
        %parallel_loop3A_537 = arith.constant 592 : index
        %parallel_loop3A_538 = tpu.vector_load %arg8[%parallel_loop3A_536, %parallel_loop3A_537] {strides = array<i32>} : memref<40x768xf32, #tpu.memory_space<vmem>>, vector<1x16xf32>,
        %parallel_loop3A_539 = vector.shape_cast %parallel_loop3A_538 : vector<1x16xf32> to vector<16xf32>
        %parallel_loop3A_540 = vector.shape_cast %parallel_loop3A_535 : vector<16xf32> to vector<1x16xf32>
        tpu.vector_store %arg8[%parallel_loop3A_536, %parallel_loop3A_537], %parallel_loop3A_540 {strides = array<i32>} : memref<40x768xf32, #tpu.memory_space<vmem>>, vector<1x16xf32>,
        %parallel_loop3A_541 = arith.index_cast %parallel_loop3A_84 : i32 to index
        %parallel_loop3A_542 = arith.constant 608 : index
        %parallel_loop3A_543 = tpu.vector_load %arg6[%parallel_loop3A_541, %parallel_loop3A_542] {strides = array<i32>} : memref<40x768xf32, #tpu.memory_space<vmem>>, vector<1x16xf32>,
        %parallel_loop3A_544 = vector.shape_cast %parallel_loop3A_543 : vector<1x16xf32> to vector<16xf32>
        %parallel_loop3A_545 = arith.constant 27.7128124 : f32
        %parallel_loop3A_546 = vector.broadcast %parallel_loop3A_545 : f32 to vector<16xf32>
        %parallel_loop3A_547 = arith.mulf %parallel_loop3A_544, %parallel_loop3A_546 : vector<16xf32>
        %parallel_loop3A_548 = arith.index_cast %parallel_loop3A_84 : i32 to index
        %parallel_loop3A_549 = arith.constant 608 : index
        %parallel_loop3A_550 = tpu.vector_load %arg8[%parallel_loop3A_548, %parallel_loop3A_549] {strides = array<i32>} : memref<40x768xf32, #tpu.memory_space<vmem>>, vector<1x16xf32>,
        %parallel_loop3A_551 = vector.shape_cast %parallel_loop3A_550 : vector<1x16xf32> to vector<16xf32>
        %parallel_loop3A_552 = vector.shape_cast %parallel_loop3A_547 : vector<16xf32> to vector<1x16xf32>
        tpu.vector_store %arg8[%parallel_loop3A_548, %parallel_loop3A_549], %parallel_loop3A_552 {strides = array<i32>} : memref<40x768xf32, #tpu.memory_space<vmem>>, vector<1x16xf32>,
        %parallel_loop3A_553 = arith.index_cast %parallel_loop3A_84 : i32 to index
        %parallel_loop3A_554 = arith.constant 624 : index
        %parallel_loop3A_555 = tpu.vector_load %arg6[%parallel_loop3A_553, %parallel_loop3A_554] {strides = array<i32>} : memref<40x768xf32, #tpu.memory_space<vmem>>, vector<1x16xf32>,
        %parallel_loop3A_556 = vector.shape_cast %parallel_loop3A_555 : vector<1x16xf32> to vector<16xf32>
        %parallel_loop3A_557 = arith.constant 27.7128124 : f32
        %parallel_loop3A_558 = vector.broadcast %parallel_loop3A_557 : f32 to vector<16xf32>
        %parallel_loop3A_559 = arith.mulf %parallel_loop3A_556, %parallel_loop3A_558 : vector<16xf32>
        %parallel_loop3A_560 = arith.index_cast %parallel_loop3A_84 : i32 to index
        %parallel_loop3A_561 = arith.constant 624 : index
        %parallel_loop3A_562 = tpu.vector_load %arg8[%parallel_loop3A_560, %parallel_loop3A_561] {strides = array<i32>} : memref<40x768xf32, #tpu.memory_space<vmem>>, vector<1x16xf32>,
        %parallel_loop3A_563 = vector.shape_cast %parallel_loop3A_562 : vector<1x16xf32> to vector<16xf32>
        %parallel_loop3A_564 = vector.shape_cast %parallel_loop3A_559 : vector<16xf32> to vector<1x16xf32>
        tpu.vector_store %arg8[%parallel_loop3A_560, %parallel_loop3A_561], %parallel_loop3A_564 {strides = array<i32>} : memref<40x768xf32, #tpu.memory_space<vmem>>, vector<1x16xf32>,
        %parallel_loop3A_565 = arith.index_cast %parallel_loop3A_84 : i32 to index
        %parallel_loop3A_566 = arith.constant 640 : index
        %parallel_loop3A_567 = tpu.vector_load %arg6[%parallel_loop3A_565, %parallel_loop3A_566] {strides = array<i32>} : memref<40x768xf32, #tpu.memory_space<vmem>>, vector<1x16xf32>,
        %parallel_loop3A_568 = vector.shape_cast %parallel_loop3A_567 : vector<1x16xf32> to vector<16xf32>
        %parallel_loop3A_569 = arith.constant 27.7128124 : f32
        %parallel_loop3A_570 = vector.broadcast %parallel_loop3A_569 : f32 to vector<16xf32>
        %parallel_loop3A_571 = arith.mulf %parallel_loop3A_568, %parallel_loop3A_570 : vector<16xf32>
        %parallel_loop3A_572 = arith.index_cast %parallel_loop3A_84 : i32 to index
        %parallel_loop3A_573 = arith.constant 640 : index
        %parallel_loop3A_574 = tpu.vector_load %arg8[%parallel_loop3A_572, %parallel_loop3A_573] {strides = array<i32>} : memref<40x768xf32, #tpu.memory_space<vmem>>, vector<1x16xf32>,
        %parallel_loop3A_575 = vector.shape_cast %parallel_loop3A_574 : vector<1x16xf32> to vector<16xf32>
        %parallel_loop3A_576 = vector.shape_cast %parallel_loop3A_571 : vector<16xf32> to vector<1x16xf32>
        tpu.vector_store %arg8[%parallel_loop3A_572, %parallel_loop3A_573], %parallel_loop3A_576 {strides = array<i32>} : memref<40x768xf32, #tpu.memory_space<vmem>>, vector<1x16xf32>,
        %parallel_loop3A_577 = arith.index_cast %parallel_loop3A_84 : i32 to index
        %parallel_loop3A_578 = arith.constant 656 : index
        %parallel_loop3A_579 = tpu.vector_load %arg6[%parallel_loop3A_577, %parallel_loop3A_578] {strides = array<i32>} : memref<40x768xf32, #tpu.memory_space<vmem>>, vector<1x16xf32>,
        %parallel_loop3A_580 = vector.shape_cast %parallel_loop3A_579 : vector<1x16xf32> to vector<16xf32>
        %parallel_loop3A_581 = arith.constant 27.7128124 : f32
        %parallel_loop3A_582 = vector.broadcast %parallel_loop3A_581 : f32 to vector<16xf32>
        %parallel_loop3A_583 = arith.mulf %parallel_loop3A_580, %parallel_loop3A_582 : vector<16xf32>
        %parallel_loop3A_584 = arith.index_cast %parallel_loop3A_84 : i32 to index
        %parallel_loop3A_585 = arith.constant 656 : index
        %parallel_loop3A_586 = tpu.vector_load %arg8[%parallel_loop3A_584, %parallel_loop3A_585] {strides = array<i32>} : memref<40x768xf32, #tpu.memory_space<vmem>>, vector<1x16xf32>,
        %parallel_loop3A_587 = vector.shape_cast %parallel_loop3A_586 : vector<1x16xf32> to vector<16xf32>
        %parallel_loop3A_588 = vector.shape_cast %parallel_loop3A_583 : vector<16xf32> to vector<1x16xf32>
        tpu.vector_store %arg8[%parallel_loop3A_584, %parallel_loop3A_585], %parallel_loop3A_588 {strides = array<i32>} : memref<40x768xf32, #tpu.memory_space<vmem>>, vector<1x16xf32>,
        %parallel_loop3A_589 = arith.index_cast %parallel_loop3A_84 : i32 to index
        %parallel_loop3A_590 = arith.constant 672 : index
        %parallel_loop3A_591 = tpu.vector_load %arg6[%parallel_loop3A_589, %parallel_loop3A_590] {strides = array<i32>} : memref<40x768xf32, #tpu.memory_space<vmem>>, vector<1x16xf32>,
        %parallel_loop3A_592 = vector.shape_cast %parallel_loop3A_591 : vector<1x16xf32> to vector<16xf32>
        %parallel_loop3A_593 = arith.constant 27.7128124 : f32
        %parallel_loop3A_594 = vector.broadcast %parallel_loop3A_593 : f32 to vector<16xf32>
        %parallel_loop3A_595 = arith.mulf %parallel_loop3A_592, %parallel_loop3A_594 : vector<16xf32>
        %parallel_loop3A_596 = arith.index_cast %parallel_loop3A_84 : i32 to index
        %parallel_loop3A_597 = arith.constant 672 : index
        %parallel_loop3A_598 = tpu.vector_load %arg8[%parallel_loop3A_596, %parallel_loop3A_597] {strides = array<i32>} : memref<40x768xf32, #tpu.memory_space<vmem>>, vector<1x16xf32>,
        %parallel_loop3A_599 = vector.shape_cast %parallel_loop3A_598 : vector<1x16xf32> to vector<16xf32>
        %parallel_loop3A_600 = vector.shape_cast %parallel_loop3A_595 : vector<16xf32> to vector<1x16xf32>
        tpu.vector_store %arg8[%parallel_loop3A_596, %parallel_loop3A_597], %parallel_loop3A_600 {strides = array<i32>} : memref<40x768xf32, #tpu.memory_space<vmem>>, vector<1x16xf32>,
        %parallel_loop3A_601 = arith.index_cast %parallel_loop3A_84 : i32 to index
        %parallel_loop3A_602 = arith.constant 688 : index
        %parallel_loop3A_603 = tpu.vector_load %arg6[%parallel_loop3A_601, %parallel_loop3A_602] {strides = array<i32>} : memref<40x768xf32, #tpu.memory_space<vmem>>, vector<1x16xf32>,
        %parallel_loop3A_604 = vector.shape_cast %parallel_loop3A_603 : vector<1x16xf32> to vector<16xf32>
        %parallel_loop3A_605 = arith.constant 27.7128124 : f32
        %parallel_loop3A_606 = vector.broadcast %parallel_loop3A_605 : f32 to vector<16xf32>
        %parallel_loop3A_607 = arith.mulf %parallel_loop3A_604, %parallel_loop3A_606 : vector<16xf32>
        %parallel_loop3A_608 = arith.index_cast %parallel_loop3A_84 : i32 to index
        %parallel_loop3A_609 = arith.constant 688 : index
        %parallel_loop3A_610 = tpu.vector_load %arg8[%parallel_loop3A_608, %parallel_loop3A_609] {strides = array<i32>} : memref<40x768xf32, #tpu.memory_space<vmem>>, vector<1x16xf32>,
        %parallel_loop3A_611 = vector.shape_cast %parallel_loop3A_610 : vector<1x16xf32> to vector<16xf32>
        %parallel_loop3A_612 = vector.shape_cast %parallel_loop3A_607 : vector<16xf32> to vector<1x16xf32>
        tpu.vector_store %arg8[%parallel_loop3A_608, %parallel_loop3A_609], %parallel_loop3A_612 {strides = array<i32>} : memref<40x768xf32, #tpu.memory_space<vmem>>, vector<1x16xf32>,
        %parallel_loop3A_613 = arith.index_cast %parallel_loop3A_84 : i32 to index
        %parallel_loop3A_614 = arith.constant 704 : index
        %parallel_loop3A_615 = tpu.vector_load %arg6[%parallel_loop3A_613, %parallel_loop3A_614] {strides = array<i32>} : memref<40x768xf32, #tpu.memory_space<vmem>>, vector<1x16xf32>,
        %parallel_loop3A_616 = vector.shape_cast %parallel_loop3A_615 : vector<1x16xf32> to vector<16xf32>
        %parallel_loop3A_617 = arith.constant 27.7128124 : f32
        %parallel_loop3A_618 = vector.broadcast %parallel_loop3A_617 : f32 to vector<16xf32>
        %parallel_loop3A_619 = arith.mulf %parallel_loop3A_616, %parallel_loop3A_618 : vector<16xf32>
        %parallel_loop3A_620 = arith.index_cast %parallel_loop3A_84 : i32 to index
        %parallel_loop3A_621 = arith.constant 704 : index
        %parallel_loop3A_622 = tpu.vector_load %arg8[%parallel_loop3A_620, %parallel_loop3A_621] {strides = array<i32>} : memref<40x768xf32, #tpu.memory_space<vmem>>, vector<1x16xf32>,
        %parallel_loop3A_623 = vector.shape_cast %parallel_loop3A_622 : vector<1x16xf32> to vector<16xf32>
        %parallel_loop3A_624 = vector.shape_cast %parallel_loop3A_619 : vector<16xf32> to vector<1x16xf32>
        tpu.vector_store %arg8[%parallel_loop3A_620, %parallel_loop3A_621], %parallel_loop3A_624 {strides = array<i32>} : memref<40x768xf32, #tpu.memory_space<vmem>>, vector<1x16xf32>,
        %parallel_loop3A_625 = arith.index_cast %parallel_loop3A_84 : i32 to index
        %parallel_loop3A_626 = arith.constant 720 : index
        %parallel_loop3A_627 = tpu.vector_load %arg6[%parallel_loop3A_625, %parallel_loop3A_626] {strides = array<i32>} : memref<40x768xf32, #tpu.memory_space<vmem>>, vector<1x16xf32>,
        %parallel_loop3A_628 = vector.shape_cast %parallel_loop3A_627 : vector<1x16xf32> to vector<16xf32>
        %parallel_loop3A_629 = arith.constant 27.7128124 : f32
        %parallel_loop3A_630 = vector.broadcast %parallel_loop3A_629 : f32 to vector<16xf32>
        %parallel_loop3A_631 = arith.mulf %parallel_loop3A_628, %parallel_loop3A_630 : vector<16xf32>
        %parallel_loop3A_632 = arith.index_cast %parallel_loop3A_84 : i32 to index
        %parallel_loop3A_633 = arith.constant 720 : index
        %parallel_loop3A_634 = tpu.vector_load %arg8[%parallel_loop3A_632, %parallel_loop3A_633] {strides = array<i32>} : memref<40x768xf32, #tpu.memory_space<vmem>>, vector<1x16xf32>,
        %parallel_loop3A_635 = vector.shape_cast %parallel_loop3A_634 : vector<1x16xf32> to vector<16xf32>
        %parallel_loop3A_636 = vector.shape_cast %parallel_loop3A_631 : vector<16xf32> to vector<1x16xf32>
        tpu.vector_store %arg8[%parallel_loop3A_632, %parallel_loop3A_633], %parallel_loop3A_636 {strides = array<i32>} : memref<40x768xf32, #tpu.memory_space<vmem>>, vector<1x16xf32>,
        %parallel_loop3A_637 = arith.index_cast %parallel_loop3A_84 : i32 to index
        %parallel_loop3A_638 = arith.constant 736 : index
        %parallel_loop3A_639 = tpu.vector_load %arg6[%parallel_loop3A_637, %parallel_loop3A_638] {strides = array<i32>} : memref<40x768xf32, #tpu.memory_space<vmem>>, vector<1x16xf32>,
        %parallel_loop3A_640 = vector.shape_cast %parallel_loop3A_639 : vector<1x16xf32> to vector<16xf32>
        %parallel_loop3A_641 = arith.constant 27.7128124 : f32
        %parallel_loop3A_642 = vector.broadcast %parallel_loop3A_641 : f32 to vector<16xf32>
        %parallel_loop3A_643 = arith.mulf %parallel_loop3A_640, %parallel_loop3A_642 : vector<16xf32>
        %parallel_loop3A_644 = arith.index_cast %parallel_loop3A_84 : i32 to index
        %parallel_loop3A_645 = arith.constant 736 : index
        %parallel_loop3A_646 = tpu.vector_load %arg8[%parallel_loop3A_644, %parallel_loop3A_645] {strides = array<i32>} : memref<40x768xf32, #tpu.memory_space<vmem>>, vector<1x16xf32>,
        %parallel_loop3A_647 = vector.shape_cast %parallel_loop3A_646 : vector<1x16xf32> to vector<16xf32>
        %parallel_loop3A_648 = vector.shape_cast %parallel_loop3A_643 : vector<16xf32> to vector<1x16xf32>
        tpu.vector_store %arg8[%parallel_loop3A_644, %parallel_loop3A_645], %parallel_loop3A_648 {strides = array<i32>} : memref<40x768xf32, #tpu.memory_space<vmem>>, vector<1x16xf32>,
        %parallel_loop3A_649 = arith.index_cast %parallel_loop3A_84 : i32 to index
        %parallel_loop3A_650 = arith.constant 752 : index
        %parallel_loop3A_651 = tpu.vector_load %arg6[%parallel_loop3A_649, %parallel_loop3A_650] {strides = array<i32>} : memref<40x768xf32, #tpu.memory_space<vmem>>, vector<1x16xf32>,
        %parallel_loop3A_652 = vector.shape_cast %parallel_loop3A_651 : vector<1x16xf32> to vector<16xf32>
        %parallel_loop3A_653 = arith.constant 27.7128124 : f32
        %parallel_loop3A_654 = vector.broadcast %parallel_loop3A_653 : f32 to vector<16xf32>
        %parallel_loop3A_655 = arith.mulf %parallel_loop3A_652, %parallel_loop3A_654 : vector<16xf32>
        %parallel_loop3A_656 = arith.index_cast %parallel_loop3A_84 : i32 to index
        %parallel_loop3A_657 = arith.constant 752 : index
        %parallel_loop3A_658 = tpu.vector_load %arg8[%parallel_loop3A_656, %parallel_loop3A_657] {strides = array<i32>} : memref<40x768xf32, #tpu.memory_space<vmem>>, vector<1x16xf32>,
        %parallel_loop3A_659 = vector.shape_cast %parallel_loop3A_658 : vector<1x16xf32> to vector<16xf32>
        %parallel_loop3A_660 = vector.shape_cast %parallel_loop3A_655 : vector<16xf32> to vector<1x16xf32>
        tpu.vector_store %arg8[%parallel_loop3A_656, %parallel_loop3A_657], %parallel_loop3A_660 {strides = array<i32>} : memref<40x768xf32, #tpu.memory_space<vmem>>, vector<1x16xf32>,
      } {sc.loop_unroll_factor = 2 : i64, sc.parallel_access}
      %mul3A_39 = arith.constant 40 : i32
      %mul3A_40 = arith.muli %mul3A_29, %mul3A_39 : i32
      %add3A_41 = arith.addi %mul3A_2, %mul3A_40 : i32
      %multiple_of3A_42 = tpu.assume_multiple %add3A_41, 8 : i32
      %dma_start3A_43 = arith.constant 0 : i32
      %dma_start3A_44 = tpu.memref_slice %arg4[%multiple_of3A_42, %dma_start3A_43] : memref<51200x768xf32, #tpu.memory_space<hbm>> -> memref<40x768xf32, #tpu.memory_space<hbm>>
      %dma_start3A_45 = arith.constant 0 : i32
      %dma_start3A_46 = tpu.memref_slice %arg4[%multiple_of3A_42, %dma_start3A_45] : memref<51200x768xf32, #tpu.memory_space<hbm>> -> memref<40x768xf32, #tpu.memory_space<hbm>>
      tpu.enqueue_dma source(%arg8 : memref<40x768xf32, #tpu.memory_space<vmem>>) target(%dma_start3A_46 : memref<40x768xf32, #tpu.memory_space<hbm>>) target_semaphore(%arg12 : memref<!tpu.dma_semaphore, #tpu.memory_space<semaphore_mem>>)
      %add3A_47 = arith.constant 2 : i32
      %add3A_48 = arith.addi %mul3A_29, %add3A_47 : i32
      %lt3A = arith.constant 40 : i32
      %lt3A_49 = arith.cmpi slt, %add3A_48, %lt3A : i32
      %convert_element_type3A_50 = arith.extui %lt3A_49 : i1 to i32
      %cond3A_51 = arith.constant 0 : i32
      %cond3A_52 = arith.cmpi ne, %convert_element_type3A_50, %cond3A_51 : i32
      scf.if %cond3A_52 {
        %add3A_84 = arith.constant 2 : i32
        %add3A_85 = arith.addi %mul3A_29, %add3A_84 : i32
        %mul3A_86 = arith.constant 40 : i32
        %mul3A_87 = arith.muli %add3A_85, %mul3A_86 : i32
        %multiple_of3A_88 = tpu.assume_multiple %mul3A_87, 8 : i32
        %dma_start3A_89 = tpu.memref_slice %arg5[%multiple_of3A_88] : memref<1600xi32, #tpu.memory_space<vmem>> -> memref<40xi32, #tpu.memory_space<vmem>>
        %dma_start3A_90 = arith.constant 0 : i32
        %dma_start3A_91 = arith.constant 0 : i32
        %dma_start3A_92 = tpu.memref_slice %arg3[%dma_start3A_90, %dma_start3A_91] : memref<100000x768xf32, #tpu.memory_space<hbm>> -> memref<100000x768xf32, #tpu.memory_space<hbm>>
        tpu.enqueue_indirect_dma source(%dma_start3A_92 : memref<100000x768xf32, #tpu.memory_space<hbm>>) target(%arg6 : memref<40x768xf32, #tpu.memory_space<vmem>>) offsets(%dma_start3A_89 : memref<40xi32, #tpu.memory_space<vmem>>) semaphore(%arg10 : memref<!tpu.dma_semaphore, #tpu.memory_space<semaphore_mem>>)
      } else {
      }
      %add3A_53 = arith.constant 1 : i32
      %add3A_54 = arith.addi %mul3A_29, %add3A_53 : i32
      %dma_wait3A_55 = arith.constant 0 : i32
      %dma_wait3A_56 = tpu.memref_slice %arg5[%dma_wait3A_55] : memref<1600xi32, #tpu.memory_space<vmem>> -> memref<40xi32, #tpu.memory_space<vmem>>
      %dma_wait3A_57 = arith.constant 0 : i32
      %dma_wait3A_58 = arith.constant 0 : i32
      %dma_wait3A_59 = tpu.memref_slice %arg3[%dma_wait3A_57, %dma_wait3A_58] : memref<100000x768xf32, #tpu.memory_space<hbm>> -> memref<100000x768xf32, #tpu.memory_space<hbm>>
      tpu.wait_indirect_dma semaphore(%arg11 : memref<!tpu.dma_semaphore, #tpu.memory_space<semaphore_mem>>) src(%dma_wait3A_59 : memref<100000x768xf32, #tpu.memory_space<hbm>>) dst(%arg7 : memref<40x768xf32, #tpu.memory_space<vmem>>)
      %gt3A_60 = arith.constant 0 : i32
      %gt3A_61 = arith.cmpi sgt, %scan3A_26, %gt3A_60 : i32
      %convert_element_type3A_62 = arith.extui %gt3A_61 : i1 to i32
      %cond3A_63 = arith.constant 0 : i32
      %cond3A_64 = arith.cmpi ne, %convert_element_type3A_62, %cond3A_63 : i32
      scf.if %cond3A_64 {
        %dma_wait3A_84 = arith.constant 0 : i32
        %dma_wait3A_85 = tpu.memref_slice %arg4[%mul3A_2, %dma_wait3A_84] : memref<51200x768xf32, #tpu.memory_space<hbm>> -> memref<40x768xf32, #tpu.memory_space<hbm>>
        %dma_wait3A_86 = arith.constant 0 : i32
        %dma_wait3A_87 = tpu.memref_slice %arg4[%mul3A_2, %dma_wait3A_86] : memref<51200x768xf32, #tpu.memory_space<hbm>> -> memref<40x768xf32, #tpu.memory_space<hbm>>
        tpu.wait_dma2 semaphore(%arg13 : memref<!tpu.dma_semaphore, #tpu.memory_space<semaphore_mem>>) src(%arg9 : memref<40x768xf32, #tpu.memory_space<vmem>>) dst(%dma_wait3A_87 : memref<40x768xf32, #tpu.memory_space<hbm>>)
      } else {
      }
      %parallel_loop3A_65 = arith.constant 0 : i32
      %parallel_loop3A_66 = arith.constant 40 : i32
      %parallel_loop3A_67 = arith.constant 1 : i32
      scf.for %parallel_loop3A_84 = %parallel_loop3A_65 to %parallel_loop3A_66 step %parallel_loop3A_67  : i32 {
        %parallel_loop3A_85 = arith.index_cast %parallel_loop3A_84 : i32 to index
        %parallel_loop3A_86 = arith.constant 0 : index
        %parallel_loop3A_87 = tpu.vector_load %arg7[%parallel_loop3A_85, %parallel_loop3A_86] {strides = array<i32>} : memref<40x768xf32, #tpu.memory_space<vmem>>, vector<1x16xf32>,
        %parallel_loop3A_88 = vector.shape_cast %parallel_loop3A_87 : vector<1x16xf32> to vector<16xf32>
        %parallel_loop3A_89 = arith.constant 27.7128124 : f32
        %parallel_loop3A_90 = vector.broadcast %parallel_loop3A_89 : f32 to vector<16xf32>
        %parallel_loop3A_91 = arith.mulf %parallel_loop3A_88, %parallel_loop3A_90 : vector<16xf32>
        %parallel_loop3A_92 = arith.index_cast %parallel_loop3A_84 : i32 to index
        %parallel_loop3A_93 = arith.constant 0 : index
        %parallel_loop3A_94 = tpu.vector_load %arg9[%parallel_loop3A_92, %parallel_loop3A_93] {strides = array<i32>} : memref<40x768xf32, #tpu.memory_space<vmem>>, vector<1x16xf32>,
        %parallel_loop3A_95 = vector.shape_cast %parallel_loop3A_94 : vector<1x16xf32> to vector<16xf32>
        %parallel_loop3A_96 = vector.shape_cast %parallel_loop3A_91 : vector<16xf32> to vector<1x16xf32>
        tpu.vector_store %arg9[%parallel_loop3A_92, %parallel_loop3A_93], %parallel_loop3A_96 {strides = array<i32>} : memref<40x768xf32, #tpu.memory_space<vmem>>, vector<1x16xf32>,
        %parallel_loop3A_97 = arith.index_cast %parallel_loop3A_84 : i32 to index
        %parallel_loop3A_98 = arith.constant 16 : index
        %parallel_loop3A_99 = tpu.vector_load %arg7[%parallel_loop3A_97, %parallel_loop3A_98] {strides = array<i32>} : memref<40x768xf32, #tpu.memory_space<vmem>>, vector<1x16xf32>,
        %parallel_loop3A_100 = vector.shape_cast %parallel_loop3A_99 : vector<1x16xf32> to vector<16xf32>
        %parallel_loop3A_101 = arith.constant 27.7128124 : f32
        %parallel_loop3A_102 = vector.broadcast %parallel_loop3A_101 : f32 to vector<16xf32>
        %parallel_loop3A_103 = arith.mulf %parallel_loop3A_100, %parallel_loop3A_102 : vector<16xf32>
        %parallel_loop3A_104 = arith.index_cast %parallel_loop3A_84 : i32 to index
        %parallel_loop3A_105 = arith.constant 16 : index
        %parallel_loop3A_106 = tpu.vector_load %arg9[%parallel_loop3A_104, %parallel_loop3A_105] {strides = array<i32>} : memref<40x768xf32, #tpu.memory_space<vmem>>, vector<1x16xf32>,
        %parallel_loop3A_107 = vector.shape_cast %parallel_loop3A_106 : vector<1x16xf32> to vector<16xf32>
        %parallel_loop3A_108 = vector.shape_cast %parallel_loop3A_103 : vector<16xf32> to vector<1x16xf32>
        tpu.vector_store %arg9[%parallel_loop3A_104, %parallel_loop3A_105], %parallel_loop3A_108 {strides = array<i32>} : memref<40x768xf32, #tpu.memory_space<vmem>>, vector<1x16xf32>,
        %parallel_loop3A_109 = arith.index_cast %parallel_loop3A_84 : i32 to index
        %parallel_loop3A_110 = arith.constant 32 : index
        %parallel_loop3A_111 = tpu.vector_load %arg7[%parallel_loop3A_109, %parallel_loop3A_110] {strides = array<i32>} : memref<40x768xf32, #tpu.memory_space<vmem>>, vector<1x16xf32>,
        %parallel_loop3A_112 = vector.shape_cast %parallel_loop3A_111 : vector<1x16xf32> to vector<16xf32>
        %parallel_loop3A_113 = arith.constant 27.7128124 : f32
        %parallel_loop3A_114 = vector.broadcast %parallel_loop3A_113 : f32 to vector<16xf32>
        %parallel_loop3A_115 = arith.mulf %parallel_loop3A_112, %parallel_loop3A_114 : vector<16xf32>
        %parallel_loop3A_116 = arith.index_cast %parallel_loop3A_84 : i32 to index
        %parallel_loop3A_117 = arith.constant 32 : index
        %parallel_loop3A_118 = tpu.vector_load %arg9[%parallel_loop3A_116, %parallel_loop3A_117] {strides = array<i32>} : memref<40x768xf32, #tpu.memory_space<vmem>>, vector<1x16xf32>,
        %parallel_loop3A_119 = vector.shape_cast %parallel_loop3A_118 : vector<1x16xf32> to vector<16xf32>
        %parallel_loop3A_120 = vector.shape_cast %parallel_loop3A_115 : vector<16xf32> to vector<1x16xf32>
        tpu.vector_store %arg9[%parallel_loop3A_116, %parallel_loop3A_117], %parallel_loop3A_120 {strides = array<i32>} : memref<40x768xf32, #tpu.memory_space<vmem>>, vector<1x16xf32>,
        %parallel_loop3A_121 = arith.index_cast %parallel_loop3A_84 : i32 to index
        %parallel_loop3A_122 = arith.constant 48 : index
        %parallel_loop3A_123 = tpu.vector_load %arg7[%parallel_loop3A_121, %parallel_loop3A_122] {strides = array<i32>} : memref<40x768xf32, #tpu.memory_space<vmem>>, vector<1x16xf32>,
        %parallel_loop3A_124 = vector.shape_cast %parallel_loop3A_123 : vector<1x16xf32> to vector<16xf32>
        %parallel_loop3A_125 = arith.constant 27.7128124 : f32
        %parallel_loop3A_126 = vector.broadcast %parallel_loop3A_125 : f32 to vector<16xf32>
        %parallel_loop3A_127 = arith.mulf %parallel_loop3A_124, %parallel_loop3A_126 : vector<16xf32>
        %parallel_loop3A_128 = arith.index_cast %parallel_loop3A_84 : i32 to index
        %parallel_loop3A_129 = arith.constant 48 : index
        %parallel_loop3A_130 = tpu.vector_load %arg9[%parallel_loop3A_128, %parallel_loop3A_129] {strides = array<i32>} : memref<40x768xf32, #tpu.memory_space<vmem>>, vector<1x16xf32>,
        %parallel_loop3A_131 = vector.shape_cast %parallel_loop3A_130 : vector<1x16xf32> to vector<16xf32>
        %parallel_loop3A_132 = vector.shape_cast %parallel_loop3A_127 : vector<16xf32> to vector<1x16xf32>
        tpu.vector_store %arg9[%parallel_loop3A_128, %parallel_loop3A_129], %parallel_loop3A_132 {strides = array<i32>} : memref<40x768xf32, #tpu.memory_space<vmem>>, vector<1x16xf32>,
        %parallel_loop3A_133 = arith.index_cast %parallel_loop3A_84 : i32 to index
        %parallel_loop3A_134 = arith.constant 64 : index
        %parallel_loop3A_135 = tpu.vector_load %arg7[%parallel_loop3A_133, %parallel_loop3A_134] {strides = array<i32>} : memref<40x768xf32, #tpu.memory_space<vmem>>, vector<1x16xf32>,
        %parallel_loop3A_136 = vector.shape_cast %parallel_loop3A_135 : vector<1x16xf32> to vector<16xf32>
        %parallel_loop3A_137 = arith.constant 27.7128124 : f32
        %parallel_loop3A_138 = vector.broadcast %parallel_loop3A_137 : f32 to vector<16xf32>
        %parallel_loop3A_139 = arith.mulf %parallel_loop3A_136, %parallel_loop3A_138 : vector<16xf32>
        %parallel_loop3A_140 = arith.index_cast %parallel_loop3A_84 : i32 to index
        %parallel_loop3A_141 = arith.constant 64 : index
        %parallel_loop3A_142 = tpu.vector_load %arg9[%parallel_loop3A_140, %parallel_loop3A_141] {strides = array<i32>} : memref<40x768xf32, #tpu.memory_space<vmem>>, vector<1x16xf32>,
        %parallel_loop3A_143 = vector.shape_cast %parallel_loop3A_142 : vector<1x16xf32> to vector<16xf32>
        %parallel_loop3A_144 = vector.shape_cast %parallel_loop3A_139 : vector<16xf32> to vector<1x16xf32>
        tpu.vector_store %arg9[%parallel_loop3A_140, %parallel_loop3A_141], %parallel_loop3A_144 {strides = array<i32>} : memref<40x768xf32, #tpu.memory_space<vmem>>, vector<1x16xf32>,
        %parallel_loop3A_145 = arith.index_cast %parallel_loop3A_84 : i32 to index
        %parallel_loop3A_146 = arith.constant 80 : index
        %parallel_loop3A_147 = tpu.vector_load %arg7[%parallel_loop3A_145, %parallel_loop3A_146] {strides = array<i32>} : memref<40x768xf32, #tpu.memory_space<vmem>>, vector<1x16xf32>,
        %parallel_loop3A_148 = vector.shape_cast %parallel_loop3A_147 : vector<1x16xf32> to vector<16xf32>
        %parallel_loop3A_149 = arith.constant 27.7128124 : f32
        %parallel_loop3A_150 = vector.broadcast %parallel_loop3A_149 : f32 to vector<16xf32>
        %parallel_loop3A_151 = arith.mulf %parallel_loop3A_148, %parallel_loop3A_150 : vector<16xf32>
        %parallel_loop3A_152 = arith.index_cast %parallel_loop3A_84 : i32 to index
        %parallel_loop3A_153 = arith.constant 80 : index
        %parallel_loop3A_154 = tpu.vector_load %arg9[%parallel_loop3A_152, %parallel_loop3A_153] {strides = array<i32>} : memref<40x768xf32, #tpu.memory_space<vmem>>, vector<1x16xf32>,
        %parallel_loop3A_155 = vector.shape_cast %parallel_loop3A_154 : vector<1x16xf32> to vector<16xf32>
        %parallel_loop3A_156 = vector.shape_cast %parallel_loop3A_151 : vector<16xf32> to vector<1x16xf32>
        tpu.vector_store %arg9[%parallel_loop3A_152, %parallel_loop3A_153], %parallel_loop3A_156 {strides = array<i32>} : memref<40x768xf32, #tpu.memory_space<vmem>>, vector<1x16xf32>,
        %parallel_loop3A_157 = arith.index_cast %parallel_loop3A_84 : i32 to index
        %parallel_loop3A_158 = arith.constant 96 : index
        %parallel_loop3A_159 = tpu.vector_load %arg7[%parallel_loop3A_157, %parallel_loop3A_158] {strides = array<i32>} : memref<40x768xf32, #tpu.memory_space<vmem>>, vector<1x16xf32>,
        %parallel_loop3A_160 = vector.shape_cast %parallel_loop3A_159 : vector<1x16xf32> to vector<16xf32>
        %parallel_loop3A_161 = arith.constant 27.7128124 : f32
        %parallel_loop3A_162 = vector.broadcast %parallel_loop3A_161 : f32 to vector<16xf32>
        %parallel_loop3A_163 = arith.mulf %parallel_loop3A_160, %parallel_loop3A_162 : vector<16xf32>
        %parallel_loop3A_164 = arith.index_cast %parallel_loop3A_84 : i32 to index
        %parallel_loop3A_165 = arith.constant 96 : index
        %parallel_loop3A_166 = tpu.vector_load %arg9[%parallel_loop3A_164, %parallel_loop3A_165] {strides = array<i32>} : memref<40x768xf32, #tpu.memory_space<vmem>>, vector<1x16xf32>,
        %parallel_loop3A_167 = vector.shape_cast %parallel_loop3A_166 : vector<1x16xf32> to vector<16xf32>
        %parallel_loop3A_168 = vector.shape_cast %parallel_loop3A_163 : vector<16xf32> to vector<1x16xf32>
        tpu.vector_store %arg9[%parallel_loop3A_164, %parallel_loop3A_165], %parallel_loop3A_168 {strides = array<i32>} : memref<40x768xf32, #tpu.memory_space<vmem>>, vector<1x16xf32>,
        %parallel_loop3A_169 = arith.index_cast %parallel_loop3A_84 : i32 to index
        %parallel_loop3A_170 = arith.constant 112 : index
        %parallel_loop3A_171 = tpu.vector_load %arg7[%parallel_loop3A_169, %parallel_loop3A_170] {strides = array<i32>} : memref<40x768xf32, #tpu.memory_space<vmem>>, vector<1x16xf32>,
        %parallel_loop3A_172 = vector.shape_cast %parallel_loop3A_171 : vector<1x16xf32> to vector<16xf32>
        %parallel_loop3A_173 = arith.constant 27.7128124 : f32
        %parallel_loop3A_174 = vector.broadcast %parallel_loop3A_173 : f32 to vector<16xf32>
        %parallel_loop3A_175 = arith.mulf %parallel_loop3A_172, %parallel_loop3A_174 : vector<16xf32>
        %parallel_loop3A_176 = arith.index_cast %parallel_loop3A_84 : i32 to index
        %parallel_loop3A_177 = arith.constant 112 : index
        %parallel_loop3A_178 = tpu.vector_load %arg9[%parallel_loop3A_176, %parallel_loop3A_177] {strides = array<i32>} : memref<40x768xf32, #tpu.memory_space<vmem>>, vector<1x16xf32>,
        %parallel_loop3A_179 = vector.shape_cast %parallel_loop3A_178 : vector<1x16xf32> to vector<16xf32>
        %parallel_loop3A_180 = vector.shape_cast %parallel_loop3A_175 : vector<16xf32> to vector<1x16xf32>
        tpu.vector_store %arg9[%parallel_loop3A_176, %parallel_loop3A_177], %parallel_loop3A_180 {strides = array<i32>} : memref<40x768xf32, #tpu.memory_space<vmem>>, vector<1x16xf32>,
        %parallel_loop3A_181 = arith.index_cast %parallel_loop3A_84 : i32 to index
        %parallel_loop3A_182 = arith.constant 128 : index
        %parallel_loop3A_183 = tpu.vector_load %arg7[%parallel_loop3A_181, %parallel_loop3A_182] {strides = array<i32>} : memref<40x768xf32, #tpu.memory_space<vmem>>, vector<1x16xf32>,
        %parallel_loop3A_184 = vector.shape_cast %parallel_loop3A_183 : vector<1x16xf32> to vector<16xf32>
        %parallel_loop3A_185 = arith.constant 27.7128124 : f32
        %parallel_loop3A_186 = vector.broadcast %parallel_loop3A_185 : f32 to vector<16xf32>
        %parallel_loop3A_187 = arith.mulf %parallel_loop3A_184, %parallel_loop3A_186 : vector<16xf32>
        %parallel_loop3A_188 = arith.index_cast %parallel_loop3A_84 : i32 to index
        %parallel_loop3A_189 = arith.constant 128 : index
        %parallel_loop3A_190 = tpu.vector_load %arg9[%parallel_loop3A_188, %parallel_loop3A_189] {strides = array<i32>} : memref<40x768xf32, #tpu.memory_space<vmem>>, vector<1x16xf32>,
        %parallel_loop3A_191 = vector.shape_cast %parallel_loop3A_190 : vector<1x16xf32> to vector<16xf32>
        %parallel_loop3A_192 = vector.shape_cast %parallel_loop3A_187 : vector<16xf32> to vector<1x16xf32>
        tpu.vector_store %arg9[%parallel_loop3A_188, %parallel_loop3A_189], %parallel_loop3A_192 {strides = array<i32>} : memref<40x768xf32, #tpu.memory_space<vmem>>, vector<1x16xf32>,
        %parallel_loop3A_193 = arith.index_cast %parallel_loop3A_84 : i32 to index
        %parallel_loop3A_194 = arith.constant 144 : index
        %parallel_loop3A_195 = tpu.vector_load %arg7[%parallel_loop3A_193, %parallel_loop3A_194] {strides = array<i32>} : memref<40x768xf32, #tpu.memory_space<vmem>>, vector<1x16xf32>,
        %parallel_loop3A_196 = vector.shape_cast %parallel_loop3A_195 : vector<1x16xf32> to vector<16xf32>
        %parallel_loop3A_197 = arith.constant 27.7128124 : f32
        %parallel_loop3A_198 = vector.broadcast %parallel_loop3A_197 : f32 to vector<16xf32>
        %parallel_loop3A_199 = arith.mulf %parallel_loop3A_196, %parallel_loop3A_198 : vector<16xf32>
        %parallel_loop3A_200 = arith.index_cast %parallel_loop3A_84 : i32 to index
        %parallel_loop3A_201 = arith.constant 144 : index
        %parallel_loop3A_202 = tpu.vector_load %arg9[%parallel_loop3A_200, %parallel_loop3A_201] {strides = array<i32>} : memref<40x768xf32, #tpu.memory_space<vmem>>, vector<1x16xf32>,
        %parallel_loop3A_203 = vector.shape_cast %parallel_loop3A_202 : vector<1x16xf32> to vector<16xf32>
        %parallel_loop3A_204 = vector.shape_cast %parallel_loop3A_199 : vector<16xf32> to vector<1x16xf32>
        tpu.vector_store %arg9[%parallel_loop3A_200, %parallel_loop3A_201], %parallel_loop3A_204 {strides = array<i32>} : memref<40x768xf32, #tpu.memory_space<vmem>>, vector<1x16xf32>,
        %parallel_loop3A_205 = arith.index_cast %parallel_loop3A_84 : i32 to index
        %parallel_loop3A_206 = arith.constant 160 : index
        %parallel_loop3A_207 = tpu.vector_load %arg7[%parallel_loop3A_205, %parallel_loop3A_206] {strides = array<i32>} : memref<40x768xf32, #tpu.memory_space<vmem>>, vector<1x16xf32>,
        %parallel_loop3A_208 = vector.shape_cast %parallel_loop3A_207 : vector<1x16xf32> to vector<16xf32>
        %parallel_loop3A_209 = arith.constant 27.7128124 : f32
        %parallel_loop3A_210 = vector.broadcast %parallel_loop3A_209 : f32 to vector<16xf32>
        %parallel_loop3A_211 = arith.mulf %parallel_loop3A_208, %parallel_loop3A_210 : vector<16xf32>
        %parallel_loop3A_212 = arith.index_cast %parallel_loop3A_84 : i32 to index
        %parallel_loop3A_213 = arith.constant 160 : index
        %parallel_loop3A_214 = tpu.vector_load %arg9[%parallel_loop3A_212, %parallel_loop3A_213] {strides = array<i32>} : memref<40x768xf32, #tpu.memory_space<vmem>>, vector<1x16xf32>,
        %parallel_loop3A_215 = vector.shape_cast %parallel_loop3A_214 : vector<1x16xf32> to vector<16xf32>
        %parallel_loop3A_216 = vector.shape_cast %parallel_loop3A_211 : vector<16xf32> to vector<1x16xf32>
        tpu.vector_store %arg9[%parallel_loop3A_212, %parallel_loop3A_213], %parallel_loop3A_216 {strides = array<i32>} : memref<40x768xf32, #tpu.memory_space<vmem>>, vector<1x16xf32>,
        %parallel_loop3A_217 = arith.index_cast %parallel_loop3A_84 : i32 to index
        %parallel_loop3A_218 = arith.constant 176 : index
        %parallel_loop3A_219 = tpu.vector_load %arg7[%parallel_loop3A_217, %parallel_loop3A_218] {strides = array<i32>} : memref<40x768xf32, #tpu.memory_space<vmem>>, vector<1x16xf32>,
        %parallel_loop3A_220 = vector.shape_cast %parallel_loop3A_219 : vector<1x16xf32> to vector<16xf32>
        %parallel_loop3A_221 = arith.constant 27.7128124 : f32
        %parallel_loop3A_222 = vector.broadcast %parallel_loop3A_221 : f32 to vector<16xf32>
        %parallel_loop3A_223 = arith.mulf %parallel_loop3A_220, %parallel_loop3A_222 : vector<16xf32>
        %parallel_loop3A_224 = arith.index_cast %parallel_loop3A_84 : i32 to index
        %parallel_loop3A_225 = arith.constant 176 : index
        %parallel_loop3A_226 = tpu.vector_load %arg9[%parallel_loop3A_224, %parallel_loop3A_225] {strides = array<i32>} : memref<40x768xf32, #tpu.memory_space<vmem>>, vector<1x16xf32>,
        %parallel_loop3A_227 = vector.shape_cast %parallel_loop3A_226 : vector<1x16xf32> to vector<16xf32>
        %parallel_loop3A_228 = vector.shape_cast %parallel_loop3A_223 : vector<16xf32> to vector<1x16xf32>
        tpu.vector_store %arg9[%parallel_loop3A_224, %parallel_loop3A_225], %parallel_loop3A_228 {strides = array<i32>} : memref<40x768xf32, #tpu.memory_space<vmem>>, vector<1x16xf32>,
        %parallel_loop3A_229 = arith.index_cast %parallel_loop3A_84 : i32 to index
        %parallel_loop3A_230 = arith.constant 192 : index
        %parallel_loop3A_231 = tpu.vector_load %arg7[%parallel_loop3A_229, %parallel_loop3A_230] {strides = array<i32>} : memref<40x768xf32, #tpu.memory_space<vmem>>, vector<1x16xf32>,
        %parallel_loop3A_232 = vector.shape_cast %parallel_loop3A_231 : vector<1x16xf32> to vector<16xf32>
        %parallel_loop3A_233 = arith.constant 27.7128124 : f32
        %parallel_loop3A_234 = vector.broadcast %parallel_loop3A_233 : f32 to vector<16xf32>
        %parallel_loop3A_235 = arith.mulf %parallel_loop3A_232, %parallel_loop3A_234 : vector<16xf32>
        %parallel_loop3A_236 = arith.index_cast %parallel_loop3A_84 : i32 to index
        %parallel_loop3A_237 = arith.constant 192 : index
        %parallel_loop3A_238 = tpu.vector_load %arg9[%parallel_loop3A_236, %parallel_loop3A_237] {strides = array<i32>} : memref<40x768xf32, #tpu.memory_space<vmem>>, vector<1x16xf32>,
        %parallel_loop3A_239 = vector.shape_cast %parallel_loop3A_238 : vector<1x16xf32> to vector<16xf32>
        %parallel_loop3A_240 = vector.shape_cast %parallel_loop3A_235 : vector<16xf32> to vector<1x16xf32>
        tpu.vector_store %arg9[%parallel_loop3A_236, %parallel_loop3A_237], %parallel_loop3A_240 {strides = array<i32>} : memref<40x768xf32, #tpu.memory_space<vmem>>, vector<1x16xf32>,
        %parallel_loop3A_241 = arith.index_cast %parallel_loop3A_84 : i32 to index
        %parallel_loop3A_242 = arith.constant 208 : index
        %parallel_loop3A_243 = tpu.vector_load %arg7[%parallel_loop3A_241, %parallel_loop3A_242] {strides = array<i32>} : memref<40x768xf32, #tpu.memory_space<vmem>>, vector<1x16xf32>,
        %parallel_loop3A_244 = vector.shape_cast %parallel_loop3A_243 : vector<1x16xf32> to vector<16xf32>
        %parallel_loop3A_245 = arith.constant 27.7128124 : f32
        %parallel_loop3A_246 = vector.broadcast %parallel_loop3A_245 : f32 to vector<16xf32>
        %parallel_loop3A_247 = arith.mulf %parallel_loop3A_244, %parallel_loop3A_246 : vector<16xf32>
        %parallel_loop3A_248 = arith.index_cast %parallel_loop3A_84 : i32 to index
        %parallel_loop3A_249 = arith.constant 208 : index
        %parallel_loop3A_250 = tpu.vector_load %arg9[%parallel_loop3A_248, %parallel_loop3A_249] {strides = array<i32>} : memref<40x768xf32, #tpu.memory_space<vmem>>, vector<1x16xf32>,
        %parallel_loop3A_251 = vector.shape_cast %parallel_loop3A_250 : vector<1x16xf32> to vector<16xf32>
        %parallel_loop3A_252 = vector.shape_cast %parallel_loop3A_247 : vector<16xf32> to vector<1x16xf32>
        tpu.vector_store %arg9[%parallel_loop3A_248, %parallel_loop3A_249], %parallel_loop3A_252 {strides = array<i32>} : memref<40x768xf32, #tpu.memory_space<vmem>>, vector<1x16xf32>,
        %parallel_loop3A_253 = arith.index_cast %parallel_loop3A_84 : i32 to index
        %parallel_loop3A_254 = arith.constant 224 : index
        %parallel_loop3A_255 = tpu.vector_load %arg7[%parallel_loop3A_253, %parallel_loop3A_254] {strides = array<i32>} : memref<40x768xf32, #tpu.memory_space<vmem>>, vector<1x16xf32>,
        %parallel_loop3A_256 = vector.shape_cast %parallel_loop3A_255 : vector<1x16xf32> to vector<16xf32>
        %parallel_loop3A_257 = arith.constant 27.7128124 : f32
        %parallel_loop3A_258 = vector.broadcast %parallel_loop3A_257 : f32 to vector<16xf32>
        %parallel_loop3A_259 = arith.mulf %parallel_loop3A_256, %parallel_loop3A_258 : vector<16xf32>
        %parallel_loop3A_260 = arith.index_cast %parallel_loop3A_84 : i32 to index
        %parallel_loop3A_261 = arith.constant 224 : index
        %parallel_loop3A_262 = tpu.vector_load %arg9[%parallel_loop3A_260, %parallel_loop3A_261] {strides = array<i32>} : memref<40x768xf32, #tpu.memory_space<vmem>>, vector<1x16xf32>,
        %parallel_loop3A_263 = vector.shape_cast %parallel_loop3A_262 : vector<1x16xf32> to vector<16xf32>
        %parallel_loop3A_264 = vector.shape_cast %parallel_loop3A_259 : vector<16xf32> to vector<1x16xf32>
        tpu.vector_store %arg9[%parallel_loop3A_260, %parallel_loop3A_261], %parallel_loop3A_264 {strides = array<i32>} : memref<40x768xf32, #tpu.memory_space<vmem>>, vector<1x16xf32>,
        %parallel_loop3A_265 = arith.index_cast %parallel_loop3A_84 : i32 to index
        %parallel_loop3A_266 = arith.constant 240 : index
        %parallel_loop3A_267 = tpu.vector_load %arg7[%parallel_loop3A_265, %parallel_loop3A_266] {strides = array<i32>} : memref<40x768xf32, #tpu.memory_space<vmem>>, vector<1x16xf32>,
        %parallel_loop3A_268 = vector.shape_cast %parallel_loop3A_267 : vector<1x16xf32> to vector<16xf32>
        %parallel_loop3A_269 = arith.constant 27.7128124 : f32
        %parallel_loop3A_270 = vector.broadcast %parallel_loop3A_269 : f32 to vector<16xf32>
        %parallel_loop3A_271 = arith.mulf %parallel_loop3A_268, %parallel_loop3A_270 : vector<16xf32>
        %parallel_loop3A_272 = arith.index_cast %parallel_loop3A_84 : i32 to index
        %parallel_loop3A_273 = arith.constant 240 : index
        %parallel_loop3A_274 = tpu.vector_load %arg9[%parallel_loop3A_272, %parallel_loop3A_273] {strides = array<i32>} : memref<40x768xf32, #tpu.memory_space<vmem>>, vector<1x16xf32>,
        %parallel_loop3A_275 = vector.shape_cast %parallel_loop3A_274 : vector<1x16xf32> to vector<16xf32>
        %parallel_loop3A_276 = vector.shape_cast %parallel_loop3A_271 : vector<16xf32> to vector<1x16xf32>
        tpu.vector_store %arg9[%parallel_loop3A_272, %parallel_loop3A_273], %parallel_loop3A_276 {strides = array<i32>} : memref<40x768xf32, #tpu.memory_space<vmem>>, vector<1x16xf32>,
        %parallel_loop3A_277 = arith.index_cast %parallel_loop3A_84 : i32 to index
        %parallel_loop3A_278 = arith.constant 256 : index
        %parallel_loop3A_279 = tpu.vector_load %arg7[%parallel_loop3A_277, %parallel_loop3A_278] {strides = array<i32>} : memref<40x768xf32, #tpu.memory_space<vmem>>, vector<1x16xf32>,
        %parallel_loop3A_280 = vector.shape_cast %parallel_loop3A_279 : vector<1x16xf32> to vector<16xf32>
        %parallel_loop3A_281 = arith.constant 27.7128124 : f32
        %parallel_loop3A_282 = vector.broadcast %parallel_loop3A_281 : f32 to vector<16xf32>
        %parallel_loop3A_283 = arith.mulf %parallel_loop3A_280, %parallel_loop3A_282 : vector<16xf32>
        %parallel_loop3A_284 = arith.index_cast %parallel_loop3A_84 : i32 to index
        %parallel_loop3A_285 = arith.constant 256 : index
        %parallel_loop3A_286 = tpu.vector_load %arg9[%parallel_loop3A_284, %parallel_loop3A_285] {strides = array<i32>} : memref<40x768xf32, #tpu.memory_space<vmem>>, vector<1x16xf32>,
        %parallel_loop3A_287 = vector.shape_cast %parallel_loop3A_286 : vector<1x16xf32> to vector<16xf32>
        %parallel_loop3A_288 = vector.shape_cast %parallel_loop3A_283 : vector<16xf32> to vector<1x16xf32>
        tpu.vector_store %arg9[%parallel_loop3A_284, %parallel_loop3A_285], %parallel_loop3A_288 {strides = array<i32>} : memref<40x768xf32, #tpu.memory_space<vmem>>, vector<1x16xf32>,
        %parallel_loop3A_289 = arith.index_cast %parallel_loop3A_84 : i32 to index
        %parallel_loop3A_290 = arith.constant 272 : index
        %parallel_loop3A_291 = tpu.vector_load %arg7[%parallel_loop3A_289, %parallel_loop3A_290] {strides = array<i32>} : memref<40x768xf32, #tpu.memory_space<vmem>>, vector<1x16xf32>,
        %parallel_loop3A_292 = vector.shape_cast %parallel_loop3A_291 : vector<1x16xf32> to vector<16xf32>
        %parallel_loop3A_293 = arith.constant 27.7128124 : f32
        %parallel_loop3A_294 = vector.broadcast %parallel_loop3A_293 : f32 to vector<16xf32>
        %parallel_loop3A_295 = arith.mulf %parallel_loop3A_292, %parallel_loop3A_294 : vector<16xf32>
        %parallel_loop3A_296 = arith.index_cast %parallel_loop3A_84 : i32 to index
        %parallel_loop3A_297 = arith.constant 272 : index
        %parallel_loop3A_298 = tpu.vector_load %arg9[%parallel_loop3A_296, %parallel_loop3A_297] {strides = array<i32>} : memref<40x768xf32, #tpu.memory_space<vmem>>, vector<1x16xf32>,
        %parallel_loop3A_299 = vector.shape_cast %parallel_loop3A_298 : vector<1x16xf32> to vector<16xf32>
        %parallel_loop3A_300 = vector.shape_cast %parallel_loop3A_295 : vector<16xf32> to vector<1x16xf32>
        tpu.vector_store %arg9[%parallel_loop3A_296, %parallel_loop3A_297], %parallel_loop3A_300 {strides = array<i32>} : memref<40x768xf32, #tpu.memory_space<vmem>>, vector<1x16xf32>,
        %parallel_loop3A_301 = arith.index_cast %parallel_loop3A_84 : i32 to index
        %parallel_loop3A_302 = arith.constant 288 : index
        %parallel_loop3A_303 = tpu.vector_load %arg7[%parallel_loop3A_301, %parallel_loop3A_302] {strides = array<i32>} : memref<40x768xf32, #tpu.memory_space<vmem>>, vector<1x16xf32>,
        %parallel_loop3A_304 = vector.shape_cast %parallel_loop3A_303 : vector<1x16xf32> to vector<16xf32>
        %parallel_loop3A_305 = arith.constant 27.7128124 : f32
        %parallel_loop3A_306 = vector.broadcast %parallel_loop3A_305 : f32 to vector<16xf32>
        %parallel_loop3A_307 = arith.mulf %parallel_loop3A_304, %parallel_loop3A_306 : vector<16xf32>
        %parallel_loop3A_308 = arith.index_cast %parallel_loop3A_84 : i32 to index
        %parallel_loop3A_309 = arith.constant 288 : index
        %parallel_loop3A_310 = tpu.vector_load %arg9[%parallel_loop3A_308, %parallel_loop3A_309] {strides = array<i32>} : memref<40x768xf32, #tpu.memory_space<vmem>>, vector<1x16xf32>,
        %parallel_loop3A_311 = vector.shape_cast %parallel_loop3A_310 : vector<1x16xf32> to vector<16xf32>
        %parallel_loop3A_312 = vector.shape_cast %parallel_loop3A_307 : vector<16xf32> to vector<1x16xf32>
        tpu.vector_store %arg9[%parallel_loop3A_308, %parallel_loop3A_309], %parallel_loop3A_312 {strides = array<i32>} : memref<40x768xf32, #tpu.memory_space<vmem>>, vector<1x16xf32>,
        %parallel_loop3A_313 = arith.index_cast %parallel_loop3A_84 : i32 to index
        %parallel_loop3A_314 = arith.constant 304 : index
        %parallel_loop3A_315 = tpu.vector_load %arg7[%parallel_loop3A_313, %parallel_loop3A_314] {strides = array<i32>} : memref<40x768xf32, #tpu.memory_space<vmem>>, vector<1x16xf32>,
        %parallel_loop3A_316 = vector.shape_cast %parallel_loop3A_315 : vector<1x16xf32> to vector<16xf32>
        %parallel_loop3A_317 = arith.constant 27.7128124 : f32
        %parallel_loop3A_318 = vector.broadcast %parallel_loop3A_317 : f32 to vector<16xf32>
        %parallel_loop3A_319 = arith.mulf %parallel_loop3A_316, %parallel_loop3A_318 : vector<16xf32>
        %parallel_loop3A_320 = arith.index_cast %parallel_loop3A_84 : i32 to index
        %parallel_loop3A_321 = arith.constant 304 : index
        %parallel_loop3A_322 = tpu.vector_load %arg9[%parallel_loop3A_320, %parallel_loop3A_321] {strides = array<i32>} : memref<40x768xf32, #tpu.memory_space<vmem>>, vector<1x16xf32>,
        %parallel_loop3A_323 = vector.shape_cast %parallel_loop3A_322 : vector<1x16xf32> to vector<16xf32>
        %parallel_loop3A_324 = vector.shape_cast %parallel_loop3A_319 : vector<16xf32> to vector<1x16xf32>
        tpu.vector_store %arg9[%parallel_loop3A_320, %parallel_loop3A_321], %parallel_loop3A_324 {strides = array<i32>} : memref<40x768xf32, #tpu.memory_space<vmem>>, vector<1x16xf32>,
        %parallel_loop3A_325 = arith.index_cast %parallel_loop3A_84 : i32 to index
        %parallel_loop3A_326 = arith.constant 320 : index
        %parallel_loop3A_327 = tpu.vector_load %arg7[%parallel_loop3A_325, %parallel_loop3A_326] {strides = array<i32>} : memref<40x768xf32, #tpu.memory_space<vmem>>, vector<1x16xf32>,
        %parallel_loop3A_328 = vector.shape_cast %parallel_loop3A_327 : vector<1x16xf32> to vector<16xf32>
        %parallel_loop3A_329 = arith.constant 27.7128124 : f32
        %parallel_loop3A_330 = vector.broadcast %parallel_loop3A_329 : f32 to vector<16xf32>
        %parallel_loop3A_331 = arith.mulf %parallel_loop3A_328, %parallel_loop3A_330 : vector<16xf32>
        %parallel_loop3A_332 = arith.index_cast %parallel_loop3A_84 : i32 to index
        %parallel_loop3A_333 = arith.constant 320 : index
        %parallel_loop3A_334 = tpu.vector_load %arg9[%parallel_loop3A_332, %parallel_loop3A_333] {strides = array<i32>} : memref<40x768xf32, #tpu.memory_space<vmem>>, vector<1x16xf32>,
        %parallel_loop3A_335 = vector.shape_cast %parallel_loop3A_334 : vector<1x16xf32> to vector<16xf32>
        %parallel_loop3A_336 = vector.shape_cast %parallel_loop3A_331 : vector<16xf32> to vector<1x16xf32>
        tpu.vector_store %arg9[%parallel_loop3A_332, %parallel_loop3A_333], %parallel_loop3A_336 {strides = array<i32>} : memref<40x768xf32, #tpu.memory_space<vmem>>, vector<1x16xf32>,
        %parallel_loop3A_337 = arith.index_cast %parallel_loop3A_84 : i32 to index
        %parallel_loop3A_338 = arith.constant 336 : index
        %parallel_loop3A_339 = tpu.vector_load %arg7[%parallel_loop3A_337, %parallel_loop3A_338] {strides = array<i32>} : memref<40x768xf32, #tpu.memory_space<vmem>>, vector<1x16xf32>,
        %parallel_loop3A_340 = vector.shape_cast %parallel_loop3A_339 : vector<1x16xf32> to vector<16xf32>
        %parallel_loop3A_341 = arith.constant 27.7128124 : f32
        %parallel_loop3A_342 = vector.broadcast %parallel_loop3A_341 : f32 to vector<16xf32>
        %parallel_loop3A_343 = arith.mulf %parallel_loop3A_340, %parallel_loop3A_342 : vector<16xf32>
        %parallel_loop3A_344 = arith.index_cast %parallel_loop3A_84 : i32 to index
        %parallel_loop3A_345 = arith.constant 336 : index
        %parallel_loop3A_346 = tpu.vector_load %arg9[%parallel_loop3A_344, %parallel_loop3A_345] {strides = array<i32>} : memref<40x768xf32, #tpu.memory_space<vmem>>, vector<1x16xf32>,
        %parallel_loop3A_347 = vector.shape_cast %parallel_loop3A_346 : vector<1x16xf32> to vector<16xf32>
        %parallel_loop3A_348 = vector.shape_cast %parallel_loop3A_343 : vector<16xf32> to vector<1x16xf32>
        tpu.vector_store %arg9[%parallel_loop3A_344, %parallel_loop3A_345], %parallel_loop3A_348 {strides = array<i32>} : memref<40x768xf32, #tpu.memory_space<vmem>>, vector<1x16xf32>,
        %parallel_loop3A_349 = arith.index_cast %parallel_loop3A_84 : i32 to index
        %parallel_loop3A_350 = arith.constant 352 : index
        %parallel_loop3A_351 = tpu.vector_load %arg7[%parallel_loop3A_349, %parallel_loop3A_350] {strides = array<i32>} : memref<40x768xf32, #tpu.memory_space<vmem>>, vector<1x16xf32>,
        %parallel_loop3A_352 = vector.shape_cast %parallel_loop3A_351 : vector<1x16xf32> to vector<16xf32>
        %parallel_loop3A_353 = arith.constant 27.7128124 : f32
        %parallel_loop3A_354 = vector.broadcast %parallel_loop3A_353 : f32 to vector<16xf32>
        %parallel_loop3A_355 = arith.mulf %parallel_loop3A_352, %parallel_loop3A_354 : vector<16xf32>
        %parallel_loop3A_356 = arith.index_cast %parallel_loop3A_84 : i32 to index
        %parallel_loop3A_357 = arith.constant 352 : index
        %parallel_loop3A_358 = tpu.vector_load %arg9[%parallel_loop3A_356, %parallel_loop3A_357] {strides = array<i32>} : memref<40x768xf32, #tpu.memory_space<vmem>>, vector<1x16xf32>,
        %parallel_loop3A_359 = vector.shape_cast %parallel_loop3A_358 : vector<1x16xf32> to vector<16xf32>
        %parallel_loop3A_360 = vector.shape_cast %parallel_loop3A_355 : vector<16xf32> to vector<1x16xf32>
        tpu.vector_store %arg9[%parallel_loop3A_356, %parallel_loop3A_357], %parallel_loop3A_360 {strides = array<i32>} : memref<40x768xf32, #tpu.memory_space<vmem>>, vector<1x16xf32>,
        %parallel_loop3A_361 = arith.index_cast %parallel_loop3A_84 : i32 to index
        %parallel_loop3A_362 = arith.constant 368 : index
        %parallel_loop3A_363 = tpu.vector_load %arg7[%parallel_loop3A_361, %parallel_loop3A_362] {strides = array<i32>} : memref<40x768xf32, #tpu.memory_space<vmem>>, vector<1x16xf32>,
        %parallel_loop3A_364 = vector.shape_cast %parallel_loop3A_363 : vector<1x16xf32> to vector<16xf32>
        %parallel_loop3A_365 = arith.constant 27.7128124 : f32
        %parallel_loop3A_366 = vector.broadcast %parallel_loop3A_365 : f32 to vector<16xf32>
        %parallel_loop3A_367 = arith.mulf %parallel_loop3A_364, %parallel_loop3A_366 : vector<16xf32>
        %parallel_loop3A_368 = arith.index_cast %parallel_loop3A_84 : i32 to index
        %parallel_loop3A_369 = arith.constant 368 : index
        %parallel_loop3A_370 = tpu.vector_load %arg9[%parallel_loop3A_368, %parallel_loop3A_369] {strides = array<i32>} : memref<40x768xf32, #tpu.memory_space<vmem>>, vector<1x16xf32>,
        %parallel_loop3A_371 = vector.shape_cast %parallel_loop3A_370 : vector<1x16xf32> to vector<16xf32>
        %parallel_loop3A_372 = vector.shape_cast %parallel_loop3A_367 : vector<16xf32> to vector<1x16xf32>
        tpu.vector_store %arg9[%parallel_loop3A_368, %parallel_loop3A_369], %parallel_loop3A_372 {strides = array<i32>} : memref<40x768xf32, #tpu.memory_space<vmem>>, vector<1x16xf32>,
        %parallel_loop3A_373 = arith.index_cast %parallel_loop3A_84 : i32 to index
        %parallel_loop3A_374 = arith.constant 384 : index
        %parallel_loop3A_375 = tpu.vector_load %arg7[%parallel_loop3A_373, %parallel_loop3A_374] {strides = array<i32>} : memref<40x768xf32, #tpu.memory_space<vmem>>, vector<1x16xf32>,
        %parallel_loop3A_376 = vector.shape_cast %parallel_loop3A_375 : vector<1x16xf32> to vector<16xf32>
        %parallel_loop3A_377 = arith.constant 27.7128124 : f32
        %parallel_loop3A_378 = vector.broadcast %parallel_loop3A_377 : f32 to vector<16xf32>
        %parallel_loop3A_379 = arith.mulf %parallel_loop3A_376, %parallel_loop3A_378 : vector<16xf32>
        %parallel_loop3A_380 = arith.index_cast %parallel_loop3A_84 : i32 to index
        %parallel_loop3A_381 = arith.constant 384 : index
        %parallel_loop3A_382 = tpu.vector_load %arg9[%parallel_loop3A_380, %parallel_loop3A_381] {strides = array<i32>} : memref<40x768xf32, #tpu.memory_space<vmem>>, vector<1x16xf32>,
        %parallel_loop3A_383 = vector.shape_cast %parallel_loop3A_382 : vector<1x16xf32> to vector<16xf32>
        %parallel_loop3A_384 = vector.shape_cast %parallel_loop3A_379 : vector<16xf32> to vector<1x16xf32>
        tpu.vector_store %arg9[%parallel_loop3A_380, %parallel_loop3A_381], %parallel_loop3A_384 {strides = array<i32>} : memref<40x768xf32, #tpu.memory_space<vmem>>, vector<1x16xf32>,
        %parallel_loop3A_385 = arith.index_cast %parallel_loop3A_84 : i32 to index
        %parallel_loop3A_386 = arith.constant 400 : index
        %parallel_loop3A_387 = tpu.vector_load %arg7[%parallel_loop3A_385, %parallel_loop3A_386] {strides = array<i32>} : memref<40x768xf32, #tpu.memory_space<vmem>>, vector<1x16xf32>,
        %parallel_loop3A_388 = vector.shape_cast %parallel_loop3A_387 : vector<1x16xf32> to vector<16xf32>
        %parallel_loop3A_389 = arith.constant 27.7128124 : f32
        %parallel_loop3A_390 = vector.broadcast %parallel_loop3A_389 : f32 to vector<16xf32>
        %parallel_loop3A_391 = arith.mulf %parallel_loop3A_388, %parallel_loop3A_390 : vector<16xf32>
        %parallel_loop3A_392 = arith.index_cast %parallel_loop3A_84 : i32 to index
        %parallel_loop3A_393 = arith.constant 400 : index
        %parallel_loop3A_394 = tpu.vector_load %arg9[%parallel_loop3A_392, %parallel_loop3A_393] {strides = array<i32>} : memref<40x768xf32, #tpu.memory_space<vmem>>, vector<1x16xf32>,
        %parallel_loop3A_395 = vector.shape_cast %parallel_loop3A_394 : vector<1x16xf32> to vector<16xf32>
        %parallel_loop3A_396 = vector.shape_cast %parallel_loop3A_391 : vector<16xf32> to vector<1x16xf32>
        tpu.vector_store %arg9[%parallel_loop3A_392, %parallel_loop3A_393], %parallel_loop3A_396 {strides = array<i32>} : memref<40x768xf32, #tpu.memory_space<vmem>>, vector<1x16xf32>,
        %parallel_loop3A_397 = arith.index_cast %parallel_loop3A_84 : i32 to index
        %parallel_loop3A_398 = arith.constant 416 : index
        %parallel_loop3A_399 = tpu.vector_load %arg7[%parallel_loop3A_397, %parallel_loop3A_398] {strides = array<i32>} : memref<40x768xf32, #tpu.memory_space<vmem>>, vector<1x16xf32>,
        %parallel_loop3A_400 = vector.shape_cast %parallel_loop3A_399 : vector<1x16xf32> to vector<16xf32>
        %parallel_loop3A_401 = arith.constant 27.7128124 : f32
        %parallel_loop3A_402 = vector.broadcast %parallel_loop3A_401 : f32 to vector<16xf32>
        %parallel_loop3A_403 = arith.mulf %parallel_loop3A_400, %parallel_loop3A_402 : vector<16xf32>
        %parallel_loop3A_404 = arith.index_cast %parallel_loop3A_84 : i32 to index
        %parallel_loop3A_405 = arith.constant 416 : index
        %parallel_loop3A_406 = tpu.vector_load %arg9[%parallel_loop3A_404, %parallel_loop3A_405] {strides = array<i32>} : memref<40x768xf32, #tpu.memory_space<vmem>>, vector<1x16xf32>,
        %parallel_loop3A_407 = vector.shape_cast %parallel_loop3A_406 : vector<1x16xf32> to vector<16xf32>
        %parallel_loop3A_408 = vector.shape_cast %parallel_loop3A_403 : vector<16xf32> to vector<1x16xf32>
        tpu.vector_store %arg9[%parallel_loop3A_404, %parallel_loop3A_405], %parallel_loop3A_408 {strides = array<i32>} : memref<40x768xf32, #tpu.memory_space<vmem>>, vector<1x16xf32>,
        %parallel_loop3A_409 = arith.index_cast %parallel_loop3A_84 : i32 to index
        %parallel_loop3A_410 = arith.constant 432 : index
        %parallel_loop3A_411 = tpu.vector_load %arg7[%parallel_loop3A_409, %parallel_loop3A_410] {strides = array<i32>} : memref<40x768xf32, #tpu.memory_space<vmem>>, vector<1x16xf32>,
        %parallel_loop3A_412 = vector.shape_cast %parallel_loop3A_411 : vector<1x16xf32> to vector<16xf32>
        %parallel_loop3A_413 = arith.constant 27.7128124 : f32
        %parallel_loop3A_414 = vector.broadcast %parallel_loop3A_413 : f32 to vector<16xf32>
        %parallel_loop3A_415 = arith.mulf %parallel_loop3A_412, %parallel_loop3A_414 : vector<16xf32>
        %parallel_loop3A_416 = arith.index_cast %parallel_loop3A_84 : i32 to index
        %parallel_loop3A_417 = arith.constant 432 : index
        %parallel_loop3A_418 = tpu.vector_load %arg9[%parallel_loop3A_416, %parallel_loop3A_417] {strides = array<i32>} : memref<40x768xf32, #tpu.memory_space<vmem>>, vector<1x16xf32>,
        %parallel_loop3A_419 = vector.shape_cast %parallel_loop3A_418 : vector<1x16xf32> to vector<16xf32>
        %parallel_loop3A_420 = vector.shape_cast %parallel_loop3A_415 : vector<16xf32> to vector<1x16xf32>
        tpu.vector_store %arg9[%parallel_loop3A_416, %parallel_loop3A_417], %parallel_loop3A_420 {strides = array<i32>} : memref<40x768xf32, #tpu.memory_space<vmem>>, vector<1x16xf32>,
        %parallel_loop3A_421 = arith.index_cast %parallel_loop3A_84 : i32 to index
        %parallel_loop3A_422 = arith.constant 448 : index
        %parallel_loop3A_423 = tpu.vector_load %arg7[%parallel_loop3A_421, %parallel_loop3A_422] {strides = array<i32>} : memref<40x768xf32, #tpu.memory_space<vmem>>, vector<1x16xf32>,
        %parallel_loop3A_424 = vector.shape_cast %parallel_loop3A_423 : vector<1x16xf32> to vector<16xf32>
        %parallel_loop3A_425 = arith.constant 27.7128124 : f32
        %parallel_loop3A_426 = vector.broadcast %parallel_loop3A_425 : f32 to vector<16xf32>
        %parallel_loop3A_427 = arith.mulf %parallel_loop3A_424, %parallel_loop3A_426 : vector<16xf32>
        %parallel_loop3A_428 = arith.index_cast %parallel_loop3A_84 : i32 to index
        %parallel_loop3A_429 = arith.constant 448 : index
        %parallel_loop3A_430 = tpu.vector_load %arg9[%parallel_loop3A_428, %parallel_loop3A_429] {strides = array<i32>} : memref<40x768xf32, #tpu.memory_space<vmem>>, vector<1x16xf32>,
        %parallel_loop3A_431 = vector.shape_cast %parallel_loop3A_430 : vector<1x16xf32> to vector<16xf32>
        %parallel_loop3A_432 = vector.shape_cast %parallel_loop3A_427 : vector<16xf32> to vector<1x16xf32>
        tpu.vector_store %arg9[%parallel_loop3A_428, %parallel_loop3A_429], %parallel_loop3A_432 {strides = array<i32>} : memref<40x768xf32, #tpu.memory_space<vmem>>, vector<1x16xf32>,
        %parallel_loop3A_433 = arith.index_cast %parallel_loop3A_84 : i32 to index
        %parallel_loop3A_434 = arith.constant 464 : index
        %parallel_loop3A_435 = tpu.vector_load %arg7[%parallel_loop3A_433, %parallel_loop3A_434] {strides = array<i32>} : memref<40x768xf32, #tpu.memory_space<vmem>>, vector<1x16xf32>,
        %parallel_loop3A_436 = vector.shape_cast %parallel_loop3A_435 : vector<1x16xf32> to vector<16xf32>
        %parallel_loop3A_437 = arith.constant 27.7128124 : f32
        %parallel_loop3A_438 = vector.broadcast %parallel_loop3A_437 : f32 to vector<16xf32>
        %parallel_loop3A_439 = arith.mulf %parallel_loop3A_436, %parallel_loop3A_438 : vector<16xf32>
        %parallel_loop3A_440 = arith.index_cast %parallel_loop3A_84 : i32 to index
        %parallel_loop3A_441 = arith.constant 464 : index
        %parallel_loop3A_442 = tpu.vector_load %arg9[%parallel_loop3A_440, %parallel_loop3A_441] {strides = array<i32>} : memref<40x768xf32, #tpu.memory_space<vmem>>, vector<1x16xf32>,
        %parallel_loop3A_443 = vector.shape_cast %parallel_loop3A_442 : vector<1x16xf32> to vector<16xf32>
        %parallel_loop3A_444 = vector.shape_cast %parallel_loop3A_439 : vector<16xf32> to vector<1x16xf32>
        tpu.vector_store %arg9[%parallel_loop3A_440, %parallel_loop3A_441], %parallel_loop3A_444 {strides = array<i32>} : memref<40x768xf32, #tpu.memory_space<vmem>>, vector<1x16xf32>,
        %parallel_loop3A_445 = arith.index_cast %parallel_loop3A_84 : i32 to index
        %parallel_loop3A_446 = arith.constant 480 : index
        %parallel_loop3A_447 = tpu.vector_load %arg7[%parallel_loop3A_445, %parallel_loop3A_446] {strides = array<i32>} : memref<40x768xf32, #tpu.memory_space<vmem>>, vector<1x16xf32>,
        %parallel_loop3A_448 = vector.shape_cast %parallel_loop3A_447 : vector<1x16xf32> to vector<16xf32>
        %parallel_loop3A_449 = arith.constant 27.7128124 : f32
        %parallel_loop3A_450 = vector.broadcast %parallel_loop3A_449 : f32 to vector<16xf32>
        %parallel_loop3A_451 = arith.mulf %parallel_loop3A_448, %parallel_loop3A_450 : vector<16xf32>
        %parallel_loop3A_452 = arith.index_cast %parallel_loop3A_84 : i32 to index
        %parallel_loop3A_453 = arith.constant 480 : index
        %parallel_loop3A_454 = tpu.vector_load %arg9[%parallel_loop3A_452, %parallel_loop3A_453] {strides = array<i32>} : memref<40x768xf32, #tpu.memory_space<vmem>>, vector<1x16xf32>,
        %parallel_loop3A_455 = vector.shape_cast %parallel_loop3A_454 : vector<1x16xf32> to vector<16xf32>
        %parallel_loop3A_456 = vector.shape_cast %parallel_loop3A_451 : vector<16xf32> to vector<1x16xf32>
        tpu.vector_store %arg9[%parallel_loop3A_452, %parallel_loop3A_453], %parallel_loop3A_456 {strides = array<i32>} : memref<40x768xf32, #tpu.memory_space<vmem>>, vector<1x16xf32>,
        %parallel_loop3A_457 = arith.index_cast %parallel_loop3A_84 : i32 to index
        %parallel_loop3A_458 = arith.constant 496 : index
        %parallel_loop3A_459 = tpu.vector_load %arg7[%parallel_loop3A_457, %parallel_loop3A_458] {strides = array<i32>} : memref<40x768xf32, #tpu.memory_space<vmem>>, vector<1x16xf32>,
        %parallel_loop3A_460 = vector.shape_cast %parallel_loop3A_459 : vector<1x16xf32> to vector<16xf32>
        %parallel_loop3A_461 = arith.constant 27.7128124 : f32
        %parallel_loop3A_462 = vector.broadcast %parallel_loop3A_461 : f32 to vector<16xf32>
        %parallel_loop3A_463 = arith.mulf %parallel_loop3A_460, %parallel_loop3A_462 : vector<16xf32>
        %parallel_loop3A_464 = arith.index_cast %parallel_loop3A_84 : i32 to index
        %parallel_loop3A_465 = arith.constant 496 : index
        %parallel_loop3A_466 = tpu.vector_load %arg9[%parallel_loop3A_464, %parallel_loop3A_465] {strides = array<i32>} : memref<40x768xf32, #tpu.memory_space<vmem>>, vector<1x16xf32>,
        %parallel_loop3A_467 = vector.shape_cast %parallel_loop3A_466 : vector<1x16xf32> to vector<16xf32>
        %parallel_loop3A_468 = vector.shape_cast %parallel_loop3A_463 : vector<16xf32> to vector<1x16xf32>
        tpu.vector_store %arg9[%parallel_loop3A_464, %parallel_loop3A_465], %parallel_loop3A_468 {strides = array<i32>} : memref<40x768xf32, #tpu.memory_space<vmem>>, vector<1x16xf32>,
        %parallel_loop3A_469 = arith.index_cast %parallel_loop3A_84 : i32 to index
        %parallel_loop3A_470 = arith.constant 512 : index
        %parallel_loop3A_471 = tpu.vector_load %arg7[%parallel_loop3A_469, %parallel_loop3A_470] {strides = array<i32>} : memref<40x768xf32, #tpu.memory_space<vmem>>, vector<1x16xf32>,
        %parallel_loop3A_472 = vector.shape_cast %parallel_loop3A_471 : vector<1x16xf32> to vector<16xf32>
        %parallel_loop3A_473 = arith.constant 27.7128124 : f32
        %parallel_loop3A_474 = vector.broadcast %parallel_loop3A_473 : f32 to vector<16xf32>
        %parallel_loop3A_475 = arith.mulf %parallel_loop3A_472, %parallel_loop3A_474 : vector<16xf32>
        %parallel_loop3A_476 = arith.index_cast %parallel_loop3A_84 : i32 to index
        %parallel_loop3A_477 = arith.constant 512 : index
        %parallel_loop3A_478 = tpu.vector_load %arg9[%parallel_loop3A_476, %parallel_loop3A_477] {strides = array<i32>} : memref<40x768xf32, #tpu.memory_space<vmem>>, vector<1x16xf32>,
        %parallel_loop3A_479 = vector.shape_cast %parallel_loop3A_478 : vector<1x16xf32> to vector<16xf32>
        %parallel_loop3A_480 = vector.shape_cast %parallel_loop3A_475 : vector<16xf32> to vector<1x16xf32>
        tpu.vector_store %arg9[%parallel_loop3A_476, %parallel_loop3A_477], %parallel_loop3A_480 {strides = array<i32>} : memref<40x768xf32, #tpu.memory_space<vmem>>, vector<1x16xf32>,
        %parallel_loop3A_481 = arith.index_cast %parallel_loop3A_84 : i32 to index
        %parallel_loop3A_482 = arith.constant 528 : index
        %parallel_loop3A_483 = tpu.vector_load %arg7[%parallel_loop3A_481, %parallel_loop3A_482] {strides = array<i32>} : memref<40x768xf32, #tpu.memory_space<vmem>>, vector<1x16xf32>,
        %parallel_loop3A_484 = vector.shape_cast %parallel_loop3A_483 : vector<1x16xf32> to vector<16xf32>
        %parallel_loop3A_485 = arith.constant 27.7128124 : f32
        %parallel_loop3A_486 = vector.broadcast %parallel_loop3A_485 : f32 to vector<16xf32>
        %parallel_loop3A_487 = arith.mulf %parallel_loop3A_484, %parallel_loop3A_486 : vector<16xf32>
        %parallel_loop3A_488 = arith.index_cast %parallel_loop3A_84 : i32 to index
        %parallel_loop3A_489 = arith.constant 528 : index
        %parallel_loop3A_490 = tpu.vector_load %arg9[%parallel_loop3A_488, %parallel_loop3A_489] {strides = array<i32>} : memref<40x768xf32, #tpu.memory_space<vmem>>, vector<1x16xf32>,
        %parallel_loop3A_491 = vector.shape_cast %parallel_loop3A_490 : vector<1x16xf32> to vector<16xf32>
        %parallel_loop3A_492 = vector.shape_cast %parallel_loop3A_487 : vector<16xf32> to vector<1x16xf32>
        tpu.vector_store %arg9[%parallel_loop3A_488, %parallel_loop3A_489], %parallel_loop3A_492 {strides = array<i32>} : memref<40x768xf32, #tpu.memory_space<vmem>>, vector<1x16xf32>,
        %parallel_loop3A_493 = arith.index_cast %parallel_loop3A_84 : i32 to index
        %parallel_loop3A_494 = arith.constant 544 : index
        %parallel_loop3A_495 = tpu.vector_load %arg7[%parallel_loop3A_493, %parallel_loop3A_494] {strides = array<i32>} : memref<40x768xf32, #tpu.memory_space<vmem>>, vector<1x16xf32>,
        %parallel_loop3A_496 = vector.shape_cast %parallel_loop3A_495 : vector<1x16xf32> to vector<16xf32>
        %parallel_loop3A_497 = arith.constant 27.7128124 : f32
        %parallel_loop3A_498 = vector.broadcast %parallel_loop3A_497 : f32 to vector<16xf32>
        %parallel_loop3A_499 = arith.mulf %parallel_loop3A_496, %parallel_loop3A_498 : vector<16xf32>
        %parallel_loop3A_500 = arith.index_cast %parallel_loop3A_84 : i32 to index
        %parallel_loop3A_501 = arith.constant 544 : index
        %parallel_loop3A_502 = tpu.vector_load %arg9[%parallel_loop3A_500, %parallel_loop3A_501] {strides = array<i32>} : memref<40x768xf32, #tpu.memory_space<vmem>>, vector<1x16xf32>,
        %parallel_loop3A_503 = vector.shape_cast %parallel_loop3A_502 : vector<1x16xf32> to vector<16xf32>
        %parallel_loop3A_504 = vector.shape_cast %parallel_loop3A_499 : vector<16xf32> to vector<1x16xf32>
        tpu.vector_store %arg9[%parallel_loop3A_500, %parallel_loop3A_501], %parallel_loop3A_504 {strides = array<i32>} : memref<40x768xf32, #tpu.memory_space<vmem>>, vector<1x16xf32>,
        %parallel_loop3A_505 = arith.index_cast %parallel_loop3A_84 : i32 to index
        %parallel_loop3A_506 = arith.constant 560 : index
        %parallel_loop3A_507 = tpu.vector_load %arg7[%parallel_loop3A_505, %parallel_loop3A_506] {strides = array<i32>} : memref<40x768xf32, #tpu.memory_space<vmem>>, vector<1x16xf32>,
        %parallel_loop3A_508 = vector.shape_cast %parallel_loop3A_507 : vector<1x16xf32> to vector<16xf32>
        %parallel_loop3A_509 = arith.constant 27.7128124 : f32
        %parallel_loop3A_510 = vector.broadcast %parallel_loop3A_509 : f32 to vector<16xf32>
        %parallel_loop3A_511 = arith.mulf %parallel_loop3A_508, %parallel_loop3A_510 : vector<16xf32>
        %parallel_loop3A_512 = arith.index_cast %parallel_loop3A_84 : i32 to index
        %parallel_loop3A_513 = arith.constant 560 : index
        %parallel_loop3A_514 = tpu.vector_load %arg9[%parallel_loop3A_512, %parallel_loop3A_513] {strides = array<i32>} : memref<40x768xf32, #tpu.memory_space<vmem>>, vector<1x16xf32>,
        %parallel_loop3A_515 = vector.shape_cast %parallel_loop3A_514 : vector<1x16xf32> to vector<16xf32>
        %parallel_loop3A_516 = vector.shape_cast %parallel_loop3A_511 : vector<16xf32> to vector<1x16xf32>
        tpu.vector_store %arg9[%parallel_loop3A_512, %parallel_loop3A_513], %parallel_loop3A_516 {strides = array<i32>} : memref<40x768xf32, #tpu.memory_space<vmem>>, vector<1x16xf32>,
        %parallel_loop3A_517 = arith.index_cast %parallel_loop3A_84 : i32 to index
        %parallel_loop3A_518 = arith.constant 576 : index
        %parallel_loop3A_519 = tpu.vector_load %arg7[%parallel_loop3A_517, %parallel_loop3A_518] {strides = array<i32>} : memref<40x768xf32, #tpu.memory_space<vmem>>, vector<1x16xf32>,
        %parallel_loop3A_520 = vector.shape_cast %parallel_loop3A_519 : vector<1x16xf32> to vector<16xf32>
        %parallel_loop3A_521 = arith.constant 27.7128124 : f32
        %parallel_loop3A_522 = vector.broadcast %parallel_loop3A_521 : f32 to vector<16xf32>
        %parallel_loop3A_523 = arith.mulf %parallel_loop3A_520, %parallel_loop3A_522 : vector<16xf32>
        %parallel_loop3A_524 = arith.index_cast %parallel_loop3A_84 : i32 to index
        %parallel_loop3A_525 = arith.constant 576 : index
        %parallel_loop3A_526 = tpu.vector_load %arg9[%parallel_loop3A_524, %parallel_loop3A_525] {strides = array<i32>} : memref<40x768xf32, #tpu.memory_space<vmem>>, vector<1x16xf32>,
        %parallel_loop3A_527 = vector.shape_cast %parallel_loop3A_526 : vector<1x16xf32> to vector<16xf32>
        %parallel_loop3A_528 = vector.shape_cast %parallel_loop3A_523 : vector<16xf32> to vector<1x16xf32>
        tpu.vector_store %arg9[%parallel_loop3A_524, %parallel_loop3A_525], %parallel_loop3A_528 {strides = array<i32>} : memref<40x768xf32, #tpu.memory_space<vmem>>, vector<1x16xf32>,
        %parallel_loop3A_529 = arith.index_cast %parallel_loop3A_84 : i32 to index
        %parallel_loop3A_530 = arith.constant 592 : index
        %parallel_loop3A_531 = tpu.vector_load %arg7[%parallel_loop3A_529, %parallel_loop3A_530] {strides = array<i32>} : memref<40x768xf32, #tpu.memory_space<vmem>>, vector<1x16xf32>,
        %parallel_loop3A_532 = vector.shape_cast %parallel_loop3A_531 : vector<1x16xf32> to vector<16xf32>
        %parallel_loop3A_533 = arith.constant 27.7128124 : f32
        %parallel_loop3A_534 = vector.broadcast %parallel_loop3A_533 : f32 to vector<16xf32>
        %parallel_loop3A_535 = arith.mulf %parallel_loop3A_532, %parallel_loop3A_534 : vector<16xf32>
        %parallel_loop3A_536 = arith.index_cast %parallel_loop3A_84 : i32 to index
        %parallel_loop3A_537 = arith.constant 592 : index
        %parallel_loop3A_538 = tpu.vector_load %arg9[%parallel_loop3A_536, %parallel_loop3A_537] {strides = array<i32>} : memref<40x768xf32, #tpu.memory_space<vmem>>, vector<1x16xf32>,
        %parallel_loop3A_539 = vector.shape_cast %parallel_loop3A_538 : vector<1x16xf32> to vector<16xf32>
        %parallel_loop3A_540 = vector.shape_cast %parallel_loop3A_535 : vector<16xf32> to vector<1x16xf32>
        tpu.vector_store %arg9[%parallel_loop3A_536, %parallel_loop3A_537], %parallel_loop3A_540 {strides = array<i32>} : memref<40x768xf32, #tpu.memory_space<vmem>>, vector<1x16xf32>,
        %parallel_loop3A_541 = arith.index_cast %parallel_loop3A_84 : i32 to index
        %parallel_loop3A_542 = arith.constant 608 : index
        %parallel_loop3A_543 = tpu.vector_load %arg7[%parallel_loop3A_541, %parallel_loop3A_542] {strides = array<i32>} : memref<40x768xf32, #tpu.memory_space<vmem>>, vector<1x16xf32>,
        %parallel_loop3A_544 = vector.shape_cast %parallel_loop3A_543 : vector<1x16xf32> to vector<16xf32>
        %parallel_loop3A_545 = arith.constant 27.7128124 : f32
        %parallel_loop3A_546 = vector.broadcast %parallel_loop3A_545 : f32 to vector<16xf32>
        %parallel_loop3A_547 = arith.mulf %parallel_loop3A_544, %parallel_loop3A_546 : vector<16xf32>
        %parallel_loop3A_548 = arith.index_cast %parallel_loop3A_84 : i32 to index
        %parallel_loop3A_549 = arith.constant 608 : index
        %parallel_loop3A_550 = tpu.vector_load %arg9[%parallel_loop3A_548, %parallel_loop3A_549] {strides = array<i32>} : memref<40x768xf32, #tpu.memory_space<vmem>>, vector<1x16xf32>,
        %parallel_loop3A_551 = vector.shape_cast %parallel_loop3A_550 : vector<1x16xf32> to vector<16xf32>
        %parallel_loop3A_552 = vector.shape_cast %parallel_loop3A_547 : vector<16xf32> to vector<1x16xf32>
        tpu.vector_store %arg9[%parallel_loop3A_548, %parallel_loop3A_549], %parallel_loop3A_552 {strides = array<i32>} : memref<40x768xf32, #tpu.memory_space<vmem>>, vector<1x16xf32>,
        %parallel_loop3A_553 = arith.index_cast %parallel_loop3A_84 : i32 to index
        %parallel_loop3A_554 = arith.constant 624 : index
        %parallel_loop3A_555 = tpu.vector_load %arg7[%parallel_loop3A_553, %parallel_loop3A_554] {strides = array<i32>} : memref<40x768xf32, #tpu.memory_space<vmem>>, vector<1x16xf32>,
        %parallel_loop3A_556 = vector.shape_cast %parallel_loop3A_555 : vector<1x16xf32> to vector<16xf32>
        %parallel_loop3A_557 = arith.constant 27.7128124 : f32
        %parallel_loop3A_558 = vector.broadcast %parallel_loop3A_557 : f32 to vector<16xf32>
        %parallel_loop3A_559 = arith.mulf %parallel_loop3A_556, %parallel_loop3A_558 : vector<16xf32>
        %parallel_loop3A_560 = arith.index_cast %parallel_loop3A_84 : i32 to index
        %parallel_loop3A_561 = arith.constant 624 : index
        %parallel_loop3A_562 = tpu.vector_load %arg9[%parallel_loop3A_560, %parallel_loop3A_561] {strides = array<i32>} : memref<40x768xf32, #tpu.memory_space<vmem>>, vector<1x16xf32>,
        %parallel_loop3A_563 = vector.shape_cast %parallel_loop3A_562 : vector<1x16xf32> to vector<16xf32>
        %parallel_loop3A_564 = vector.shape_cast %parallel_loop3A_559 : vector<16xf32> to vector<1x16xf32>
        tpu.vector_store %arg9[%parallel_loop3A_560, %parallel_loop3A_561], %parallel_loop3A_564 {strides = array<i32>} : memref<40x768xf32, #tpu.memory_space<vmem>>, vector<1x16xf32>,
        %parallel_loop3A_565 = arith.index_cast %parallel_loop3A_84 : i32 to index
        %parallel_loop3A_566 = arith.constant 640 : index
        %parallel_loop3A_567 = tpu.vector_load %arg7[%parallel_loop3A_565, %parallel_loop3A_566] {strides = array<i32>} : memref<40x768xf32, #tpu.memory_space<vmem>>, vector<1x16xf32>,
        %parallel_loop3A_568 = vector.shape_cast %parallel_loop3A_567 : vector<1x16xf32> to vector<16xf32>
        %parallel_loop3A_569 = arith.constant 27.7128124 : f32
        %parallel_loop3A_570 = vector.broadcast %parallel_loop3A_569 : f32 to vector<16xf32>
        %parallel_loop3A_571 = arith.mulf %parallel_loop3A_568, %parallel_loop3A_570 : vector<16xf32>
        %parallel_loop3A_572 = arith.index_cast %parallel_loop3A_84 : i32 to index
        %parallel_loop3A_573 = arith.constant 640 : index
        %parallel_loop3A_574 = tpu.vector_load %arg9[%parallel_loop3A_572, %parallel_loop3A_573] {strides = array<i32>} : memref<40x768xf32, #tpu.memory_space<vmem>>, vector<1x16xf32>,
        %parallel_loop3A_575 = vector.shape_cast %parallel_loop3A_574 : vector<1x16xf32> to vector<16xf32>
        %parallel_loop3A_576 = vector.shape_cast %parallel_loop3A_571 : vector<16xf32> to vector<1x16xf32>
        tpu.vector_store %arg9[%parallel_loop3A_572, %parallel_loop3A_573], %parallel_loop3A_576 {strides = array<i32>} : memref<40x768xf32, #tpu.memory_space<vmem>>, vector<1x16xf32>,
        %parallel_loop3A_577 = arith.index_cast %parallel_loop3A_84 : i32 to index
        %parallel_loop3A_578 = arith.constant 656 : index
        %parallel_loop3A_579 = tpu.vector_load %arg7[%parallel_loop3A_577, %parallel_loop3A_578] {strides = array<i32>} : memref<40x768xf32, #tpu.memory_space<vmem>>, vector<1x16xf32>,
        %parallel_loop3A_580 = vector.shape_cast %parallel_loop3A_579 : vector<1x16xf32> to vector<16xf32>
        %parallel_loop3A_581 = arith.constant 27.7128124 : f32
        %parallel_loop3A_582 = vector.broadcast %parallel_loop3A_581 : f32 to vector<16xf32>
        %parallel_loop3A_583 = arith.mulf %parallel_loop3A_580, %parallel_loop3A_582 : vector<16xf32>
        %parallel_loop3A_584 = arith.index_cast %parallel_loop3A_84 : i32 to index
        %parallel_loop3A_585 = arith.constant 656 : index
        %parallel_loop3A_586 = tpu.vector_load %arg9[%parallel_loop3A_584, %parallel_loop3A_585] {strides = array<i32>} : memref<40x768xf32, #tpu.memory_space<vmem>>, vector<1x16xf32>,
        %parallel_loop3A_587 = vector.shape_cast %parallel_loop3A_586 : vector<1x16xf32> to vector<16xf32>
        %parallel_loop3A_588 = vector.shape_cast %parallel_loop3A_583 : vector<16xf32> to vector<1x16xf32>
        tpu.vector_store %arg9[%parallel_loop3A_584, %parallel_loop3A_585], %parallel_loop3A_588 {strides = array<i32>} : memref<40x768xf32, #tpu.memory_space<vmem>>, vector<1x16xf32>,
        %parallel_loop3A_589 = arith.index_cast %parallel_loop3A_84 : i32 to index
        %parallel_loop3A_590 = arith.constant 672 : index
        %parallel_loop3A_591 = tpu.vector_load %arg7[%parallel_loop3A_589, %parallel_loop3A_590] {strides = array<i32>} : memref<40x768xf32, #tpu.memory_space<vmem>>, vector<1x16xf32>,
        %parallel_loop3A_592 = vector.shape_cast %parallel_loop3A_591 : vector<1x16xf32> to vector<16xf32>
        %parallel_loop3A_593 = arith.constant 27.7128124 : f32
        %parallel_loop3A_594 = vector.broadcast %parallel_loop3A_593 : f32 to vector<16xf32>
        %parallel_loop3A_595 = arith.mulf %parallel_loop3A_592, %parallel_loop3A_594 : vector<16xf32>
        %parallel_loop3A_596 = arith.index_cast %parallel_loop3A_84 : i32 to index
        %parallel_loop3A_597 = arith.constant 672 : index
        %parallel_loop3A_598 = tpu.vector_load %arg9[%parallel_loop3A_596, %parallel_loop3A_597] {strides = array<i32>} : memref<40x768xf32, #tpu.memory_space<vmem>>, vector<1x16xf32>,
        %parallel_loop3A_599 = vector.shape_cast %parallel_loop3A_598 : vector<1x16xf32> to vector<16xf32>
        %parallel_loop3A_600 = vector.shape_cast %parallel_loop3A_595 : vector<16xf32> to vector<1x16xf32>
        tpu.vector_store %arg9[%parallel_loop3A_596, %parallel_loop3A_597], %parallel_loop3A_600 {strides = array<i32>} : memref<40x768xf32, #tpu.memory_space<vmem>>, vector<1x16xf32>,
        %parallel_loop3A_601 = arith.index_cast %parallel_loop3A_84 : i32 to index
        %parallel_loop3A_602 = arith.constant 688 : index
        %parallel_loop3A_603 = tpu.vector_load %arg7[%parallel_loop3A_601, %parallel_loop3A_602] {strides = array<i32>} : memref<40x768xf32, #tpu.memory_space<vmem>>, vector<1x16xf32>,
        %parallel_loop3A_604 = vector.shape_cast %parallel_loop3A_603 : vector<1x16xf32> to vector<16xf32>
        %parallel_loop3A_605 = arith.constant 27.7128124 : f32
        %parallel_loop3A_606 = vector.broadcast %parallel_loop3A_605 : f32 to vector<16xf32>
        %parallel_loop3A_607 = arith.mulf %parallel_loop3A_604, %parallel_loop3A_606 : vector<16xf32>
        %parallel_loop3A_608 = arith.index_cast %parallel_loop3A_84 : i32 to index
        %parallel_loop3A_609 = arith.constant 688 : index
        %parallel_loop3A_610 = tpu.vector_load %arg9[%parallel_loop3A_608, %parallel_loop3A_609] {strides = array<i32>} : memref<40x768xf32, #tpu.memory_space<vmem>>, vector<1x16xf32>,
        %parallel_loop3A_611 = vector.shape_cast %parallel_loop3A_610 : vector<1x16xf32> to vector<16xf32>
        %parallel_loop3A_612 = vector.shape_cast %parallel_loop3A_607 : vector<16xf32> to vector<1x16xf32>
        tpu.vector_store %arg9[%parallel_loop3A_608, %parallel_loop3A_609], %parallel_loop3A_612 {strides = array<i32>} : memref<40x768xf32, #tpu.memory_space<vmem>>, vector<1x16xf32>,
        %parallel_loop3A_613 = arith.index_cast %parallel_loop3A_84 : i32 to index
        %parallel_loop3A_614 = arith.constant 704 : index
        %parallel_loop3A_615 = tpu.vector_load %arg7[%parallel_loop3A_613, %parallel_loop3A_614] {strides = array<i32>} : memref<40x768xf32, #tpu.memory_space<vmem>>, vector<1x16xf32>,
        %parallel_loop3A_616 = vector.shape_cast %parallel_loop3A_615 : vector<1x16xf32> to vector<16xf32>
        %parallel_loop3A_617 = arith.constant 27.7128124 : f32
        %parallel_loop3A_618 = vector.broadcast %parallel_loop3A_617 : f32 to vector<16xf32>
        %parallel_loop3A_619 = arith.mulf %parallel_loop3A_616, %parallel_loop3A_618 : vector<16xf32>
        %parallel_loop3A_620 = arith.index_cast %parallel_loop3A_84 : i32 to index
        %parallel_loop3A_621 = arith.constant 704 : index
        %parallel_loop3A_622 = tpu.vector_load %arg9[%parallel_loop3A_620, %parallel_loop3A_621] {strides = array<i32>} : memref<40x768xf32, #tpu.memory_space<vmem>>, vector<1x16xf32>,
        %parallel_loop3A_623 = vector.shape_cast %parallel_loop3A_622 : vector<1x16xf32> to vector<16xf32>
        %parallel_loop3A_624 = vector.shape_cast %parallel_loop3A_619 : vector<16xf32> to vector<1x16xf32>
        tpu.vector_store %arg9[%parallel_loop3A_620, %parallel_loop3A_621], %parallel_loop3A_624 {strides = array<i32>} : memref<40x768xf32, #tpu.memory_space<vmem>>, vector<1x16xf32>,
        %parallel_loop3A_625 = arith.index_cast %parallel_loop3A_84 : i32 to index
        %parallel_loop3A_626 = arith.constant 720 : index
        %parallel_loop3A_627 = tpu.vector_load %arg7[%parallel_loop3A_625, %parallel_loop3A_626] {strides = array<i32>} : memref<40x768xf32, #tpu.memory_space<vmem>>, vector<1x16xf32>,
        %parallel_loop3A_628 = vector.shape_cast %parallel_loop3A_627 : vector<1x16xf32> to vector<16xf32>
        %parallel_loop3A_629 = arith.constant 27.7128124 : f32
        %parallel_loop3A_630 = vector.broadcast %parallel_loop3A_629 : f32 to vector<16xf32>
        %parallel_loop3A_631 = arith.mulf %parallel_loop3A_628, %parallel_loop3A_630 : vector<16xf32>
        %parallel_loop3A_632 = arith.index_cast %parallel_loop3A_84 : i32 to index
        %parallel_loop3A_633 = arith.constant 720 : index
        %parallel_loop3A_634 = tpu.vector_load %arg9[%parallel_loop3A_632, %parallel_loop3A_633] {strides = array<i32>} : memref<40x768xf32, #tpu.memory_space<vmem>>, vector<1x16xf32>,
        %parallel_loop3A_635 = vector.shape_cast %parallel_loop3A_634 : vector<1x16xf32> to vector<16xf32>
        %parallel_loop3A_636 = vector.shape_cast %parallel_loop3A_631 : vector<16xf32> to vector<1x16xf32>
        tpu.vector_store %arg9[%parallel_loop3A_632, %parallel_loop3A_633], %parallel_loop3A_636 {strides = array<i32>} : memref<40x768xf32, #tpu.memory_space<vmem>>, vector<1x16xf32>,
        %parallel_loop3A_637 = arith.index_cast %parallel_loop3A_84 : i32 to index
        %parallel_loop3A_638 = arith.constant 736 : index
        %parallel_loop3A_639 = tpu.vector_load %arg7[%parallel_loop3A_637, %parallel_loop3A_638] {strides = array<i32>} : memref<40x768xf32, #tpu.memory_space<vmem>>, vector<1x16xf32>,
        %parallel_loop3A_640 = vector.shape_cast %parallel_loop3A_639 : vector<1x16xf32> to vector<16xf32>
        %parallel_loop3A_641 = arith.constant 27.7128124 : f32
        %parallel_loop3A_642 = vector.broadcast %parallel_loop3A_641 : f32 to vector<16xf32>
        %parallel_loop3A_643 = arith.mulf %parallel_loop3A_640, %parallel_loop3A_642 : vector<16xf32>
        %parallel_loop3A_644 = arith.index_cast %parallel_loop3A_84 : i32 to index
        %parallel_loop3A_645 = arith.constant 736 : index
        %parallel_loop3A_646 = tpu.vector_load %arg9[%parallel_loop3A_644, %parallel_loop3A_645] {strides = array<i32>} : memref<40x768xf32, #tpu.memory_space<vmem>>, vector<1x16xf32>,
        %parallel_loop3A_647 = vector.shape_cast %parallel_loop3A_646 : vector<1x16xf32> to vector<16xf32>
        %parallel_loop3A_648 = vector.shape_cast %parallel_loop3A_643 : vector<16xf32> to vector<1x16xf32>
        tpu.vector_store %arg9[%parallel_loop3A_644, %parallel_loop3A_645], %parallel_loop3A_648 {strides = array<i32>} : memref<40x768xf32, #tpu.memory_space<vmem>>, vector<1x16xf32>,
        %parallel_loop3A_649 = arith.index_cast %parallel_loop3A_84 : i32 to index
        %parallel_loop3A_650 = arith.constant 752 : index
        %parallel_loop3A_651 = tpu.vector_load %arg7[%parallel_loop3A_649, %parallel_loop3A_650] {strides = array<i32>} : memref<40x768xf32, #tpu.memory_space<vmem>>, vector<1x16xf32>,
        %parallel_loop3A_652 = vector.shape_cast %parallel_loop3A_651 : vector<1x16xf32> to vector<16xf32>
        %parallel_loop3A_653 = arith.constant 27.7128124 : f32
        %parallel_loop3A_654 = vector.broadcast %parallel_loop3A_653 : f32 to vector<16xf32>
        %parallel_loop3A_655 = arith.mulf %parallel_loop3A_652, %parallel_loop3A_654 : vector<16xf32>
        %parallel_loop3A_656 = arith.index_cast %parallel_loop3A_84 : i32 to index
        %parallel_loop3A_657 = arith.constant 752 : index
        %parallel_loop3A_658 = tpu.vector_load %arg9[%parallel_loop3A_656, %parallel_loop3A_657] {strides = array<i32>} : memref<40x768xf32, #tpu.memory_space<vmem>>, vector<1x16xf32>,
        %parallel_loop3A_659 = vector.shape_cast %parallel_loop3A_658 : vector<1x16xf32> to vector<16xf32>
        %parallel_loop3A_660 = vector.shape_cast %parallel_loop3A_655 : vector<16xf32> to vector<1x16xf32>
        tpu.vector_store %arg9[%parallel_loop3A_656, %parallel_loop3A_657], %parallel_loop3A_660 {strides = array<i32>} : memref<40x768xf32, #tpu.memory_space<vmem>>, vector<1x16xf32>,
      } {sc.loop_unroll_factor = 2 : i64, sc.parallel_access}
      %mul3A_68 = arith.constant 40 : i32
      %mul3A_69 = arith.muli %add3A_54, %mul3A_68 : i32
      %add3A_70 = arith.addi %mul3A_2, %mul3A_69 : i32
      %multiple_of3A_71 = tpu.assume_multiple %add3A_70, 8 : i32
      %dma_start3A_72 = arith.constant 0 : i32
      %dma_start3A_73 = tpu.memref_slice %arg4[%multiple_of3A_71, %dma_start3A_72] : memref<51200x768xf32, #tpu.memory_space<hbm>> -> memref<40x768xf32, #tpu.memory_space<hbm>>
      %dma_start3A_74 = arith.constant 0 : i32
      %dma_start3A_75 = tpu.memref_slice %arg4[%multiple_of3A_71, %dma_start3A_74] : memref<51200x768xf32, #tpu.memory_space<hbm>> -> memref<40x768xf32, #tpu.memory_space<hbm>>
      tpu.enqueue_dma source(%arg9 : memref<40x768xf32, #tpu.memory_space<vmem>>) target(%dma_start3A_75 : memref<40x768xf32, #tpu.memory_space<hbm>>) target_semaphore(%arg13 : memref<!tpu.dma_semaphore, #tpu.memory_space<semaphore_mem>>)
      %add3A_76 = arith.constant 2 : i32
      %add3A_77 = arith.addi %add3A_54, %add3A_76 : i32
      %lt3A_78 = arith.constant 40 : i32
      %lt3A_79 = arith.cmpi slt, %add3A_77, %lt3A_78 : i32
      %convert_element_type3A_80 = arith.extui %lt3A_79 : i1 to i32
      %cond3A_81 = arith.constant 0 : i32
      %cond3A_82 = arith.cmpi ne, %convert_element_type3A_80, %cond3A_81 : i32
      scf.if %cond3A_82 {
        %add3A_84 = arith.constant 2 : i32
        %add3A_85 = arith.addi %add3A_54, %add3A_84 : i32
        %mul3A_86 = arith.constant 40 : i32
        %mul3A_87 = arith.muli %add3A_85, %mul3A_86 : i32
        %multiple_of3A_88 = tpu.assume_multiple %mul3A_87, 8 : i32
        %dma_start3A_89 = tpu.memref_slice %arg5[%multiple_of3A_88] : memref<1600xi32, #tpu.memory_space<vmem>> -> memref<40xi32, #tpu.memory_space<vmem>>
        %dma_start3A_90 = arith.constant 0 : i32
        %dma_start3A_91 = arith.constant 0 : i32
        %dma_start3A_92 = tpu.memref_slice %arg3[%dma_start3A_90, %dma_start3A_91] : memref<100000x768xf32, #tpu.memory_space<hbm>> -> memref<100000x768xf32, #tpu.memory_space<hbm>>
        tpu.enqueue_indirect_dma source(%dma_start3A_92 : memref<100000x768xf32, #tpu.memory_space<hbm>>) target(%arg7 : memref<40x768xf32, #tpu.memory_space<vmem>>) offsets(%dma_start3A_89 : memref<40xi32, #tpu.memory_space<vmem>>) semaphore(%arg11 : memref<!tpu.dma_semaphore, #tpu.memory_space<semaphore_mem>>)
      } else {
      }
      %scan3A_83 = arith.constant 0 : i32
      scf.yield %scan3A_83 : i32
    }
    %scan3A_18 = arith.constant 20 : i32
    %dma_wait3A = arith.constant 0 : i32
    %dma_wait3A_19 = tpu.memref_slice %arg4[%mul3A_2, %dma_wait3A] : memref<51200x768xf32, #tpu.memory_space<hbm>> -> memref<40x768xf32, #tpu.memory_space<hbm>>
    %dma_wait3A_20 = arith.constant 0 : i32
    %dma_wait3A_21 = tpu.memref_slice %arg4[%mul3A_2, %dma_wait3A_20] : memref<51200x768xf32, #tpu.memory_space<hbm>> -> memref<40x768xf32, #tpu.memory_space<hbm>>
    tpu.wait_dma2 semaphore(%arg12 : memref<!tpu.dma_semaphore, #tpu.memory_space<semaphore_mem>>) src(%arg8 : memref<40x768xf32, #tpu.memory_space<vmem>>) dst(%dma_wait3A_21 : memref<40x768xf32, #tpu.memory_space<hbm>>)
    %dma_wait3A_22 = arith.constant 0 : i32
    %dma_wait3A_23 = tpu.memref_slice %arg4[%mul3A_2, %dma_wait3A_22] : memref<51200x768xf32, #tpu.memory_space<hbm>> -> memref<40x768xf32, #tpu.memory_space<hbm>>
    %dma_wait3A_24 = arith.constant 0 : i32
    %dma_wait3A_25 = tpu.memref_slice %arg4[%mul3A_2, %dma_wait3A_24] : memref<51200x768xf32, #tpu.memory_space<hbm>> -> memref<40x768xf32, #tpu.memory_space<hbm>>
    tpu.wait_dma2 semaphore(%arg13 : memref<!tpu.dma_semaphore, #tpu.memory_space<semaphore_mem>>) src(%arg9 : memref<40x768xf32, #tpu.memory_space<vmem>>) dst(%dma_wait3A_25 : memref<40x768xf32, #tpu.memory_space<hbm>>)
    return
  }
}

</mosaic_0001>

<sc_bundles>
// kernel: _emb.3.cloned.1.call-start
scs
__scs_entry_jumppad:
0x0: {  	(pc) =	sbr.rel $0x88, $3  }
0x1: {  	(tag) =	ssettag $0x0;
	lr =	simm.s32 $0x1  }
0x2: {  	[smem:$0x3F9F] =	sst lr;
	_ =	strace $0xD0000000  }
0x3: {  	_ = 	snop  }
0x4: {  	_ = 	snop  }
0x5: {  	_ = 	snop  }
0x6: {  	_ = 	snop  }
0x7: {  	_ = 	snop  }
__scs_overlays_trampoline_lowered:
0x8: {  	[smem:$0x3FAE] =	sst s0  }
0x9: {  	[smem:$0x3FAF] =	sst s1  }
0xa: {  	[smem:$0x3FB0] =	sst s2  }
0xb: {  	[smem:$0x3FB1] =	sst s3  }
0xc: {  	[smem:$0x3FB2] =	sst s4  }
0xd: {  	[smem:$0x3FB3] =	sst s5  }
0xe: {  	[smem:$0x3FB4] =	sst s6  }
0xf: {  	[smem:$0x3FB5] =	sst s7  }
0x10: {  	[smem:$0x3FB6] =	sst s8  }
0x11: {  	[smem:$0x3FB7] =	sst s9;
	s0 =	simm.s32 @!p0 $0x0  }
0x12: {  	s1 =	sld [smem:$0x3F9D];
	s0 =	simm.s32 @p0 $0x1  }
0x13: {  	[smem:$0x3FB8] =	sst s0;
	s0 =	simm.s32 @!p1 $0x0  }
0x14: {  	s2 =	sld [smem:$0x3F9C];
	s0 =	simm.s32 @p1 $0x1  }
0x15: {  	[smem:$0x3FB9] =	sst s0;
	s0 =	simm.s32 @!p2 $0x0  }
0x16: {  	s3 =	sld [smem:$0x3FDB];
	s0 =	simm.s32 @p2 $0x1  }
0x17: {  	s4 =	simm.s32 $0x1BF5;
	[smem:$0x3FBB] =	sst s0  }
0x18: {  	s0 =	sld [smem:$0x3F9E];
	_ =	swait.ge [sflag:s4], $0x0  }
0x19: {  	s7 =	sld [smem:$0x3F9F]  }
0x1a: {  	s8 =	sadd.s32 $0xFFFFE003, lr  }
0x1b: {  	s9 =	sadd.s32 $0xFFFFFEF7, lr;
	s5 =	simm.s32 $0xFFFFFFFF;
	p2 =	slt.u32 s8, $0xFFFFF086  }
0x1c: {  	p1 =	slt.u32 s9, $0xF7A;
	s5 =	simm.s32 @!p2 $0x0  }
0x1d: {  	s5 =	simm.s32 @p1 $0x1;
	p0 =	seq.s32 s7, s2  }
0x1e: {  	s7 =	smul.u32 @!p0 $0xF7A, s2;
	p2 =	seq.s32 @!p0 s5, $0x0  }
0x1f: {  	s9 =	smul.u32 $0xF7A, s1;
	s8 =	simm.s32 @!p0 $0x1BF5;
	p2 =	por !p2, p0  }
0x20: {  	[sflag:s8] =	ssyncset.s32 @!p0 $0xFFFFF086;
	s6 =	sadd.s32 @!p0 s3, s7;
	s7 =	simm.s32 @!p0 $0x108  }
0x21: {  	s3 =	sadd.s32 s3, s9;
	s6 =	sadd.s32 @!p0 $0x88, s6;
	s7 =	simm.s32 @p2 $0x1082  }
0x22: {  	[simem:s7], [sflag:s8] =	dma.local @!p0 [hbm:s6], $0xF7A  }
0x23: {  	s9 =	sor.u32 $0xD0000000, s2;
	s6 =	simm.s32 $0x108;
	_ =	swait.ge @!p0 [sflag:s8], $0x0  }
0x24: {  	s3 =	sadd.s32 $0x88, s3;
	s6 =	simm.s32 @!p1 $0x1082;
	[sflag:s4] =	ssyncset.s32 $0xFFFFF086  }
0x25: {  	[simem:s6], [sflag:s4] =	dma.local [hbm:s3], $0xF7A  }
0x26: {  	[smem:$0x3F9F] =	sst s1;
	(tag) =	ssettag s2;
	_ =	strace s9  }
0x27: {  	s1 =	sld [smem:$0x3FAF]  }
0x28: {  	s2 =	sld [smem:$0x3FB0]  }
0x29: {  	s4 =	sld [smem:$0x3FB2]  }
0x2a: {  	p0 =	seq.s32 s5, $0x0;
	s5 =	sld [smem:$0x3FB3]  }
0x2b: {  	s6 =	sld [smem:$0x3FB4]  }
0x2c: {  	s7 =	sld [smem:$0x3FB5]  }
0x2d: {  	s3 =	simm.s32 $0x108;
	s8 =	sld [smem:$0x3FB6]  }
0x2e: {  	s3 =	simm.s32 @!p0 $0x1082;
	s9 =	sld [smem:$0x3FB7]  }
0x2f: {  	lr =	sadd.s32 s0, s3;
	s0 =	sld [smem:$0x3FAE]  }
0x30: {  	s3 =	sld [smem:$0x3FB1]  }
0x31: {  	[smem:$0x3FBA] =	sst s10  }
0x32: {  	s10 =	sld [smem:$0x3FB8];
	_ =	sdelay $0x3  }
0x33: {  	p0 =	seq.s32 s10, $0x1;
	s10 =	sld [smem:$0x3FBA];
	_ =	sdelay $0x3  }
0x34: {  	[smem:$0x3FBA] =	sst s10  }
0x35: {  	s10 =	sld [smem:$0x3FB9];
	_ =	sdelay $0x3  }
0x36: {  	p1 =	seq.s32 s10, $0x1;
	s10 =	sld [smem:$0x3FBA];
	_ =	sdelay $0x3  }
0x37: {  	[smem:$0x3FBA] =	sst s10  }
0x38: {  	s10 =	sld [smem:$0x3FBB]  }
0x39: {  	_ = 	snop;
	(pc) =	sbr.ind lr, $3  }
0x3a: {  	_ = 	snop  }
0x3b: {  	_ = 	snop  }
0x3c: {  	p2 =	seq.s32 s10, $0x1;
	s10 =	sld [smem:$0x3FBA]  }
0x3d: {  	_ =	shalt  }
0x3e: {  	_ =	shalt  }
0x3f: {  	_ =	shalt  }
0x40: {  	_ =	shalt  }
0x41: {  	_ =	shalt  }
0x42: {  	_ =	shalt  }
0x43: {  	_ =	shalt  }
0x44: {  	_ =	shalt  }
0x45: {  	_ =	shalt  }
0x46: {  	_ =	shalt  }
0x47: {  	_ =	shalt  }
0x48: {  	_ =	shalt  }
0x49: {  	_ =	shalt  }
0x4a: {  	_ =	shalt  }
0x4b: {  	_ =	shalt  }
0x4c: {  	_ =	shalt  }
0x4d: {  	_ =	shalt  }
0x4e: {  	_ =	shalt  }
0x4f: {  	_ =	shalt  }
0x50: {  	_ =	shalt  }
0x51: {  	_ =	shalt  }
0x52: {  	_ =	shalt  }
0x53: {  	_ =	shalt  }
0x54: {  	_ =	shalt  }
0x55: {  	_ =	shalt  }
0x56: {  	_ =	shalt  }
0x57: {  	_ =	shalt  }
0x58: {  	_ =	shalt  }
0x59: {  	_ =	shalt  }
0x5a: {  	_ =	shalt  }
0x5b: {  	_ =	shalt  }
0x5c: {  	_ =	shalt  }
0x5d: {  	_ =	shalt  }
0x5e: {  	_ =	shalt  }
0x5f: {  	_ =	shalt  }
0x60: {  	_ =	shalt  }
0x61: {  	_ =	shalt  }
0x62: {  	_ =	shalt  }
0x63: {  	_ =	shalt  }
0x64: {  	_ =	shalt  }
0x65: {  	_ =	shalt  }
0x66: {  	_ =	shalt  }
0x67: {  	_ =	shalt  }
0x68: {  	_ =	shalt  }
0x69: {  	_ =	shalt  }
0x6a: {  	_ =	shalt  }
0x6b: {  	_ =	shalt  }
0x6c: {  	_ =	shalt  }
0x6d: {  	_ =	shalt  }
0x6e: {  	_ =	shalt  }
0x6f: {  	_ =	shalt  }
0x70: {  	_ =	shalt  }
0x71: {  	_ =	shalt  }
0x72: {  	_ =	shalt  }
0x73: {  	_ =	shalt  }
0x74: {  	_ =	shalt  }
0x75: {  	_ =	shalt  }
0x76: {  	_ =	shalt  }
0x77: {  	_ =	shalt  }
0x78: {  	_ =	shalt  }
0x79: {  	_ =	shalt  }
0x7a: {  	_ =	shalt  }
0x7b: {  	_ =	shalt  }
0x7c: {  	_ =	shalt  }
0x7d: {  	_ =	shalt  }
0x7e: {  	_ =	shalt  }
0x7f: {  	_ =	shalt  }
0x80: {  	_ =	shalt  }
0x81: {  	_ =	shalt  }
0x82: {  	_ =	shalt  }
0x83: {  	_ =	shalt  }
0x84: {  	_ =	shalt  }
0x85: {  	_ =	shalt  }
0x86: {  	_ =	shalt  }
0x87: {  	_ =	shalt  }
.Lfunc_end0:
.L_simem_size_0:
called_computation_lowered:
.L_overlay_start_0:
0x88: {  	s2 =	sld [smem:$0x3FD9]  }
0x89: {  	s3 =	sld [smem:$0x3FFE];
	_ =	sdelay $0x1  }
0x8a: {  	s1 =	srdreg.scid  }
0x8b: {  	s0 =	sand.u32 $0x1, s1  }
0x8c: {  	s18 =	sshll.u32 s0, $0xA;
	s2 =	sadd.s32 s3, s2  }
0x8d: {  	s2 =	sadd.s32 s2, s18  }
0x8e: {  	[smem:$0x3FC6] =	sst s2  }
0x8f: {  	_ = 	snop  }
0x90: {  	s2 =	sld [smem:$0x3FC9]  }
0x91: {  	s19 =	sld [smem:$0x3FC8]  }
0x92: {  	s4 =	sld [smem:$0x3FD0];
	(tm) =	ssettm $0x1  }
0x93: {  	s5 =	sld [smem:$0x3FFB];
	_ =	sdelay $0x3  }
0x94: {  	_ =	strace s5  }
0x95: {  	s5 =	sld [smem:$0x3FFC];
	_ =	sdelay $0x3  }
0x96: {  	_ =	strace s5  }
0x97: {  	s5 =	sld [smem:$0x3FFD];
	_ =	sdelay $0x3  }
0x98: {  	_ =	strace s5  }
0x99: {  	_ =	strace $0x8FFFFFFF  }
0x9a: {  	s20 =	sld [smem:$0x3FDB];
	_ =	sdelay $0x1  }
0x9b: {  	s6 =	simm.s32 $_scs_section_size  }
0x9c: {  	s7 =	simm.s32 $_size__tile_overlayer_lowered;
	s8 =	simm.s32 $_tile_overlayer_lowered  }
0x9d: {  	s23 =	simm.s32 $0x1BFF;
	s22 =	sshll.u32 s8, $0x1;
	s5 =	sadd.s32 s6, s20  }
0x9e: {  	s9 =	simm.s32 $0x0;
	s21 =	sshll.u32 s7, $0x1;
	s7 =	sadd.s32 s22, s5  }
0x9f: {  	[timem:s9], [sflag:s23] =	dma.local [hbm:s7], s21  }
0xa0: {  	_ =	swait.ge [sflag:s23], s21  }
0xa1: {  	s6 =	ssub.s32 $0x0, s21;
	[sflag:s23] =	ssyncset.done $0x0  }
0xa2: {  	[sflag:s23] =	ssyncadd.s32 s6;
	_ =	sdelay $0x1  }
0xa3: {  	s24 =	simm.s32 $0x1B8B  }
0xa4: {  	_ =	swait.ge [sflag:s24], $0x1  }
0xa5: {  	[sflag:s24] =	ssyncset.done $0x0  }
0xa6: {  	s25 =	simm.s32 $0x1B8E;
	[sflag:s24] =	ssyncadd.s32 $0xFFFFFFFF  }
0xa7: {  	s26 =	simm.s32 $execute0_lowered;
	[smem:$0x3FD2] =	sst s25  }
0xa8: {  	s6 =	sshll.u32 s26, $0x1;
	_ =	strace $0x80000046;
	[dreg:$0x1] =	wrdreg $0xFFFFFFFF  }
0xa9: {  	s28 =	simm.s32 $_size_execute0_lowered;
	s5 =	sadd.s32 s5, s6;
	[dreg:$0x0] =	wrdreg $0x0  }
0xaa: {  	s6 =	sshll.u32 s28, $0x1;
	[dreg:$0x2] =	wrdreg s5  }
0xab: {  	[dreg:$0x3] =	wrdreg s6  }
0xac: {  	[dreg:$0x4] =	wrdreg $0xC0  }
0xad: {  	_ =	task [dreg:s9], $0x5FFFF  }
0xae: {  	[dreg:$0x1] =	wrdreg $0xFFFFFFFF  }
0xaf: {  	[dreg:$0x0] =	wrdreg $0x60  }
0xb0: {  	[dreg:$0x2] =	wrdreg s2  }
0xb1: {  	[dreg:$0x3] =	wrdreg s19  }
0xb2: {  	[dreg:$0x4] =	wrdreg s4  }
0xb3: {  	[dreg:$0x5] =	wrdreg $0x9  }
0xb4: {  	_ =	task.clear_ibuf [dreg:s9], $0x6FFFF;
	_ =	strace $0x90000046  }
0xb5: {  	s29 =	simm.s32 $0x9;
	_ =	strace $0x80000048  }
0xb6: {  	_ =	swait.ge [sflag:s29], $0x1  }
0xb7: {  	[sflag:s29] =	ssyncadd.s32 $0xFFFFFFFF  }
0xb8: {  	_ =	strace $0x90000048  }
0xb9: {  	_ =	sfence  }
0xba: {  	s30 =	sld [smem:$0x0];
	_ =	sdelay $0x2  }
0xbb: {  	s31 =	sshll.u32 s1, $0xD;
	s1 =	sshrl.u32 s1, $0x2  }
0xbc: {  	s3 =	sand.u32 $0x4000, s31;
	s1 =	sadd.s32 s1, s30  }
0xbd: {  	s0 =	sor.u32 s3, s0;
	s1 =	sshll.u32 s1, $0x11  }
0xbe: {  	s0 =	sor.u32 s1, s0  }
0xbf: {  	s0 =	sadd.s32 $0x8F2B, s0  }
0xc0: {  	[sflag:s0] =	ssyncadd.remote.s32 $0x1  }
0xc1: {  	_ =	sfence.sel $0xFFFF  }
0xc2: {  	[dreg:$0x0] =	wrdreg $0xFFFFFFFF;
	(pc) =	sbr.abs _section_cstart, $3  }
0xc3: {  	[dreg:$0x1] =	wrdreg $0xFFFFFFFF  }
0xc4: {  	_ =	task.clear_ibuf [dreg:s9], $0x2FFFF;
	_ =	strace $0x9FFFFFFF  }
0xc5: {  	(tm) =	ssettm $0x7FFFFFFF  }
tec
execute0_lowered:
.L_overlay_start_1:
0x0: {  	(tag) =	ssettag $0x1  }
0x1: {  	s0 =	srdreg.scid  }
0x2: {  	s2 =	stileid.u32;
	s1 =	rddreg [dreg:$0x0]  }
0x3: {  	s5 =	simm.s32 $0x0;
	s15 =	simm.s32 $0xDE80;
	s16 =	simm.s32 $0xE680  }
0x4: {  	s17 =	simm.s32 $0xEE80;
	s18 =	simm.s32 $0x1;
	s19 =	simm.s32 $0xF680  }
0x5: {  	s20 =	simm.s32 $0x2;
	s0 =	sand.u32 $0x1, s0;
	s3 =	sshll.u32 s2, $0x1  }
0x6: {  	s21 =	simm.s32 $0x4;
	s22 =	simm.s32 $0x16E80;
	s4 =	sor.u32 s0, s3  }
0x7: {  	s2 =	rddreg [dreg:$0x1];
	s0 =	ssub.s32 $0x2, s0;
	s4 =	smul.u32 $0x640, s4  }
.Ltmp0:
0x8: {  	[smem:$0x7FF] =	sst s5;
	s6 =	sshrl.u32 s0, $0x1;
	(pc) =	sbr.rel .LBB2_1-.Ltmp0, $4  }
0x9: {  	s3 =	rddreg [dreg:$0x2];
	_ =	strace $0x80000047;
	s0 =	ssub.s32 s0, s6  }
0xa: {  	v2 =	vlaneseq.u32;
	s8 =	sadd.s32 $0x200, s2;
	s7 =	sshrl.u32 s4, $0x3;
	s0 =	smax.u32 s0, $0x1  }
0xb: {  	vm0 =	vmmov $0xffff;
	v1 =	vshrl.u32 v2, $0x3;
	s9 =	sor.u32 $0x28, s4;
	s1 =	sadd.s32 s1, s7;
	[dreg:$0x5] =	wrdreg s0  }
0xc: {  	v0 =	vand.u32 $0x7, v2;
	v2 =	vor.u32 $0x8, v2;
	v1 =	vmul.u32 $0x8, v1;
	s7 =	sadd.s32 $0x100, s2;
	[dreg:$0x4] =	wrdreg s1;
	s1 =	simm.s32 $0x0  }
.LBB2_12:
0xd: {  	s0 =	simm.s32 $0x3  }
0xe: {  	_ =	swait.ge [sflag:s0], $0x7800  }
0xf: {  	[sflag:s0] =	ssyncset.done $0x0  }
0x10: {  	[sflag:s0] =	ssyncadd.s32 $0xFFFF8800  }
0x11: {  	_ =	swait.ge [sflag:s21], $0x7800  }
0x12: {  	s1 =	rddreg [dreg:$0x6]  }
0x13: {  	s31 =	rddreg [dreg:$0x5];
	s1 =	sadd.s32 $0x1, s1  }
0x14: {  	p0 =	sne.s32 s1, s31  }
.Ltmp1:
0x15: {  	_ = 	snop;
	(pc) =	sbr.rel @!p0 .LBB2_13-.Ltmp1, $3  }
0x16: {  	_ =	sdelay $0x1  }
0x17: {  	[sflag:s21] =	ssyncset.done $0x0  }
0x18: {  	[sflag:s21] =	ssyncadd.s32 $0xFFFF8800  }
.LBB2_1:
0x19: {  	[dreg:$0x6] =	wrdreg s1  }
0x1a: {  	s0 =	rddreg [dreg:$0x4];
	s10 =	simm.s32 $0x5  }
0x1b: {  	[tilespmem:s5], [sflag:$0x5] =	stream.linear.gather [hbm4b:s0+s5], $0x640, $0x38;
	[tilespmem:$0x1E680] =	vst v63  }
0x1c: {  	_ =	swait.ge [sflag:s10], $0x640  }
0x1d: {  	[sflag:s10] =	ssyncset.done $0x0  }
0x1e: {  	[sflag:s10] =	ssyncadd.s32 $0xFFFFF9C0  }
0x1f: {  	v3 =	vld [tilespmem:$0x0];
	_ =	sdelay $0x4  }
0x20: {  	v4 =	vshrl.u32 v3, $0x3  }
0x21: {  	v4 =	vmul.u32 $0x30, v4  }
0x22: {  	v3 =	vand.u32 $0x7, v3  }
0x23: {  	v3 =	vor.u32 v3, v4  }
0x24: {  	v4 =	vperm.xlane v3, v0;
	_ =	sdelay $0x1  }
0x25: {  	v4 =	vadd.s32 v1, v4;
	_ =	sdelay $0x3  }
0x26: {  	s11 =	simm.s32 $0x680;
	v3 =	vperm.xlane v3, v2  }
0x27: {  	[tilespmem:s11], [sflag:$0x1] =	stream.indirect_vreg.gather [hbm4b:s2+s5], $0x80, v4, vm0, $0xb8;
	[tilespmem:$0x1E680] =	vst v63  }
0x28: {  	s12 =	simm.s32 $0xE80;
	v3 =	vadd.s32 v1, v3  }
0x29: {  	[tilespmem:s12], [sflag:$0x1] =	stream.indirect_vreg.gather [hbm4b:s7+s5], $0x80, v4, vm0, $0xb8;
	[tilespmem:$0x1E680] =	vst v63  }
0x2a: {  	s13 =	simm.s32 $0x1680  }
0x2b: {  	[tilespmem:s13], [sflag:$0x1] =	stream.indirect_vreg.gather [hbm4b:s8+s5], $0x80, v4, vm0, $0xb8;
	[tilespmem:$0x1E680] =	vst v63  }
0x2c: {  	s14 =	simm.s32 $0x1E80  }
0x2d: {  	[tilespmem:s14], [sflag:$0x1] =	stream.indirect_vreg.gather [hbm4b:s2+s5], $0x80, v3, vm0, $0xb8;
	[tilespmem:$0x1E680] =	vst v63  }
0x2e: {  	s23 =	simm.s32 $0x2680  }
0x2f: {  	[tilespmem:s23], [sflag:$0x1] =	stream.indirect_vreg.gather [hbm4b:s7+s5], $0x80, v3, vm0, $0xb8;
	[tilespmem:$0x1E680] =	vst v63  }
0x30: {  	s24 =	simm.s32 $0x2E80  }
0x31: {  	[tilespmem:s24], [sflag:$0x1] =	stream.indirect_vreg.gather [hbm4b:s8+s5], $0x80, v3, vm0, $0xb8;
	[tilespmem:$0x1E680] =	vst v63  }
0x32: {  	v3 =	vld [tilespmem:$0x10];
	_ =	sdelay $0x4  }
0x33: {  	v59 =	vshrl.u32 v3, $0x3  }
0x34: {  	v4 =	vmul.u32 $0x30, v59  }
0x35: {  	v3 =	vand.u32 $0x7, v3  }
0x36: {  	v3 =	vor.u32 v3, v4  }
0x37: {  	v4 =	vperm.xlane v3, v0;
	_ =	sdelay $0x1  }
0x38: {  	v4 =	vadd.s32 v1, v4;
	_ =	sdelay $0x3  }
0x39: {  	s25 =	simm.s32 $0x3680;
	v3 =	vperm.xlane v3, v2  }
0x3a: {  	[tilespmem:s25], [sflag:$0x1] =	stream.indirect_vreg.gather [hbm4b:s2+s5], $0x80, v4, vm0, $0xb8;
	[tilespmem:$0x1E680] =	vst v63  }
0x3b: {  	s26 =	simm.s32 $0x3E80;
	v3 =	vadd.s32 v1, v3  }
0x3c: {  	[tilespmem:s26], [sflag:$0x1] =	stream.indirect_vreg.gather [hbm4b:s7+s5], $0x80, v4, vm0, $0xb8;
	[tilespmem:$0x1E680] =	vst v63  }
0x3d: {  	s28 =	simm.s32 $0x4680  }
0x3e: {  	[tilespmem:s28], [sflag:$0x1] =	stream.indirect_vreg.gather [hbm4b:s8+s5], $0x80, v4, vm0, $0xb8;
	[tilespmem:$0x1E680] =	vst v63  }
0x3f: {  	s29 =	simm.s32 $0x4E80  }
0x40: {  	[tilespmem:s29], [sflag:$0x1] =	stream.indirect_vreg.gather [hbm4b:s2+s5], $0x80, v3, vm0, $0xb8;
	[tilespmem:$0x1E680] =	vst v63  }
0x41: {  	s30 =	simm.s32 $0x5680  }
0x42: {  	[tilespmem:s30], [sflag:$0x1] =	stream.indirect_vreg.gather [hbm4b:s7+s5], $0x80, v3, vm0, $0xb8;
	[tilespmem:$0x1E680] =	vst v63  }
0x43: {  	s31 =	simm.s32 $0x5E80  }
0x44: {  	[tilespmem:s31], [sflag:$0x1] =	stream.indirect_vreg.gather [hbm4b:s8+s5], $0x80, v3, vm0, $0xb8;
	[tilespmem:$0x1E680] =	vst v63  }
0x45: {  	v3 =	vld.msk [tilespmem:$0x20], $0xff;
	_ =	sdelay $0x4  }
0x46: {  	v60 =	vshrl.u32 v3, $0x3  }
0x47: {  	v4 =	vmul.u32 $0x30, v60  }
0x48: {  	v3 =	vand.u32 $0x7, v3  }
0x49: {  	v3 =	vor.u32 v3, v4  }
0x4a: {  	v3 =	vperm.xlane v3, v0;
	_ =	sdelay $0x1  }
0x4b: {  	v3 =	vadd.s32 v1, v3;
	_ =	sdelay $0x3  }
0x4c: {  	s1 =	simm.s32 $0x6680  }
0x4d: {  	[tilespmem:s1], [sflag:$0x1] =	stream.indirect_vreg.gather [hbm4b:s2+s5], $0x80, v3, vm0, $0xb8;
	[tilespmem:$0x1E680] =	vst v63  }
0x4e: {  	s6 =	simm.s32 $0x6E80  }
0x4f: {  	[tilespmem:s6], [sflag:$0x1] =	stream.indirect_vreg.gather [hbm4b:s7+s5], $0x80, v3, vm0, $0xb8;
	[tilespmem:$0x1E680] =	vst v63  }
0x50: {  	s10 =	simm.s32 $0x7680  }
0x51: {  	[tilespmem:s10], [sflag:$0x1] =	stream.indirect_vreg.gather [hbm4b:s8+s5], $0x80, v3, vm0, $0xb8;
	[tilespmem:$0x1E680] =	vst v63  }
0x52: {  	v3 =	vld [tilespmem:$0x28];
	_ =	sdelay $0x4  }
0x53: {  	v61 =	vshrl.u32 v3, $0x3  }
0x54: {  	v4 =	vmul.u32 $0x30, v61  }
0x55: {  	v3 =	vand.u32 $0x7, v3  }
0x56: {  	v3 =	vor.u32 v3, v4  }
0x57: {  	v4 =	vperm.xlane v3, v0;
	_ =	sdelay $0x1  }
0x58: {  	v4 =	vadd.s32 v1, v4;
	_ =	sdelay $0x3  }
0x59: {  	s11 =	simm.s32 $0x7E80;
	v3 =	vperm.xlane v3, v2  }
0x5a: {  	[tilespmem:s11], [sflag:$0x2] =	stream.indirect_vreg.gather [hbm4b:s2+s5], $0x80, v4, vm0, $0xb8;
	[tilespmem:$0x1E680] =	vst v63  }
0x5b: {  	s12 =	simm.s32 $0x8680;
	v3 =	vadd.s32 v1, v3  }
0x5c: {  	[tilespmem:s12], [sflag:$0x2] =	stream.indirect_vreg.gather [hbm4b:s7+s5], $0x80, v4, vm0, $0xb8;
	[tilespmem:$0x1E680] =	vst v63  }
0x5d: {  	s13 =	simm.s32 $0x8E80  }
0x5e: {  	[tilespmem:s13], [sflag:$0x2] =	stream.indirect_vreg.gather [hbm4b:s8+s5], $0x80, v4, vm0, $0xb8;
	[tilespmem:$0x1E680] =	vst v63  }
0x5f: {  	s14 =	simm.s32 $0x9680  }
0x60: {  	[tilespmem:s14], [sflag:$0x2] =	stream.indirect_vreg.gather [hbm4b:s2+s5], $0x80, v3, vm0, $0xb8;
	[tilespmem:$0x1E680] =	vst v63  }
0x61: {  	s23 =	simm.s32 $0x9E80  }
0x62: {  	[tilespmem:s23], [sflag:$0x2] =	stream.indirect_vreg.gather [hbm4b:s7+s5], $0x80, v3, vm0, $0xb8;
	[tilespmem:$0x1E680] =	vst v63  }
0x63: {  	s24 =	simm.s32 $0xA680  }
0x64: {  	[tilespmem:s24], [sflag:$0x2] =	stream.indirect_vreg.gather [hbm4b:s8+s5], $0x80, v3, vm0, $0xb8;
	[tilespmem:$0x1E680] =	vst v63  }
0x65: {  	v3 =	vld [tilespmem:$0x38];
	_ =	sdelay $0x4  }
0x66: {  	v62 =	vshrl.u32 v3, $0x3  }
0x67: {  	v4 =	vmul.u32 $0x30, v62  }
0x68: {  	v3 =	vand.u32 $0x7, v3  }
0x69: {  	v3 =	vor.u32 v3, v4  }
0x6a: {  	v4 =	vperm.xlane v3, v0;
	_ =	sdelay $0x1  }
0x6b: {  	v4 =	vadd.s32 v1, v4;
	_ =	sdelay $0x3  }
0x6c: {  	s25 =	simm.s32 $0xAE80;
	v3 =	vperm.xlane v3, v2  }
0x6d: {  	[tilespmem:s25], [sflag:$0x2] =	stream.indirect_vreg.gather [hbm4b:s2+s5], $0x80, v4, vm0, $0xb8;
	[tilespmem:$0x1E680] =	vst v63  }
0x6e: {  	s26 =	simm.s32 $0xB680;
	v3 =	vadd.s32 v1, v3  }
0x6f: {  	[tilespmem:s26], [sflag:$0x2] =	stream.indirect_vreg.gather [hbm4b:s7+s5], $0x80, v4, vm0, $0xb8;
	[tilespmem:$0x1E680] =	vst v63  }
0x70: {  	s28 =	simm.s32 $0xBE80  }
0x71: {  	[tilespmem:s28], [sflag:$0x2] =	stream.indirect_vreg.gather [hbm4b:s8+s5], $0x80, v4, vm0, $0xb8;
	[tilespmem:$0x1E680] =	vst v63  }
0x72: {  	s29 =	simm.s32 $0xC680  }
0x73: {  	[tilespmem:s29], [sflag:$0x2] =	stream.indirect_vreg.gather [hbm4b:s2+s5], $0x80, v3, vm0, $0xb8;
	[tilespmem:$0x1E680] =	vst v63  }
0x74: {  	s30 =	simm.s32 $0xCE80  }
0x75: {  	[tilespmem:s30], [sflag:$0x2] =	stream.indirect_vreg.gather [hbm4b:s7+s5], $0x80, v3, vm0, $0xb8;
	[tilespmem:$0x1E680] =	vst v63  }
0x76: {  	s31 =	simm.s32 $0xD680  }
0x77: {  	[tilespmem:s31], [sflag:$0x2] =	stream.indirect_vreg.gather [hbm4b:s8+s5], $0x80, v3, vm0, $0xb8;
	[tilespmem:$0x1E680] =	vst v63  }
0x78: {  	v3 =	vld.msk [tilespmem:$0x48], $0xff;
	_ =	sdelay $0x4  }
0x79: {  	v63 =	vshrl.u32 v3, $0x3  }
0x7a: {  	v4 =	vmul.u32 $0x30, v63  }
0x7b: {  	v3 =	vand.u32 $0x7, v3  }
0x7c: {  	v3 =	vor.u32 v3, v4  }
0x7d: {  	v3 =	vperm.xlane v3, v0;
	_ =	sdelay $0x1  }
0x7e: {  	v3 =	vadd.s32 v1, v3;
	_ =	sdelay $0x4  }
0x7f: {  	[tilespmem:s15], [sflag:$0x2] =	stream.indirect_vreg.gather [hbm4b:s2+s5], $0x80, v3, vm0, $0xb8;
	[tilespmem:$0x1E680] =	vst v63  }
0x80: {  	_ = 	snop  }
0x81: {  	[tilespmem:s16], [sflag:$0x2] =	stream.indirect_vreg.gather [hbm4b:s7+s5], $0x80, v3, vm0, $0xb8;
	[tilespmem:$0x1E680] =	vst v63  }
0x82: {  	s23 =	simm.s32 $0x0  }
0x83: {  	[tilespmem:s17], [sflag:$0x2] =	stream.indirect_vreg.gather [hbm4b:s8+s5], $0x80, v3, vm0, $0xb8;
	[tilespmem:$0x1E680] =	vst v63  }
.LBB2_2:
0x84: {  	_ =	swait.ge [sflag:s18], $0x7800  }
0x85: {  	p0 =	seq.s32 s23, $0x0;
	s1 =	simm.s32 $0x0;
	[sflag:s18] =	ssyncset.done $0x0  }
0x86: {  	s0 =	simm.s32 $0x0;
	s6 =	simm.s32 @!p0 $0x3;
	[sflag:s18] =	ssyncadd.s32 $0xFFFF8800  }
0x87: {  	s0 =	smul.u32 $0x1800, s0;
	s25 =	sand.u32 $0x300, s1;
	_ =	swait.ge @!p0 [sflag:s6], $0x7800  }
0x88: {  	s1 =	sor.u32 $0x80, s25;
	[sflag:s6] =	ssyncset.done @!p0 $0x0  }
0x89: {  	s11 =	sor.u32 s0, s1;
	[sflag:s6] =	ssyncadd.s32 @!p0 $0xFFFF8800  }
0x8a: {  	v3 =	vld [tilespmem:s11+$0x680]  }
0x8b: {  	v4 =	vld [tilespmem:s11+$0x690]  }
0x8c: {  	v5 =	vld [tilespmem:s11+$0x6A0]  }
0x8d: {  	v6 =	vld [tilespmem:s11+$0x6B0]  }
0x8e: {  	v7 =	vld [tilespmem:s11+$0x6C0]  }
0x8f: {  	v8 =	vld [tilespmem:s11+$0x6D0];
	v3 =	vmul.f32 $2.771281240e+01, v3  }
0x90: {  	v9 =	vld [tilespmem:s11+$0x6E0];
	v4 =	vmul.f32 $2.771281240e+01, v4  }
0x91: {  	[tilespmem:s11+$0xF680] =	vst v3;
	v3 =	vmul.f32 $2.771281240e+01, v5;
	v5 =	vld [tilespmem:s11+$0x6F0]  }
0x92: {  	[tilespmem:s11+$0xF690] =	vst v4;
	v4 =	vmul.f32 $2.771281240e+01, v6;
	v6 =	vld [tilespmem:s11+$0xA80]  }
0x93: {  	[tilespmem:s11+$0xF6A0] =	vst v3;
	v3 =	vmul.f32 $2.771281240e+01, v7;
	v7 =	vld [tilespmem:s11+$0xA90]  }
0x94: {  	[tilespmem:s11+$0xF6B0] =	vst v4;
	v4 =	vmul.f32 $2.771281240e+01, v8;
	v8 =	vld [tilespmem:s11+$0xAA0]  }
0x95: {  	[tilespmem:s11+$0xF6C0] =	vst v3;
	v3 =	vmul.f32 $2.771281240e+01, v9;
	v9 =	vld [tilespmem:s11+$0xAB0]  }
0x96: {  	[tilespmem:s11+$0xF6D0] =	vst v4;
	v4 =	vmul.f32 $2.771281240e+01, v5;
	v5 =	vld [tilespmem:s11+$0xAC0]  }
0x97: {  	[tilespmem:s11+$0xF6E0] =	vst v3;
	v3 =	vmul.f32 $2.771281240e+01, v6;
	v6 =	vld [tilespmem:s11+$0xAD0]  }
0x98: {  	[tilespmem:s11+$0xF6F0] =	vst v4;
	v4 =	vmul.f32 $2.771281240e+01, v7;
	v7 =	vld [tilespmem:s11+$0xAE0]  }
0x99: {  	s14 =	sor.u32 s25, s0;
	[tilespmem:s11+$0xFA80] =	vst v3;
	v3 =	vmul.f32 $2.771281240e+01, v8;
	v8 =	vld [tilespmem:s11+$0xAF0]  }
0x9a: {  	v10 =	vld [tilespmem:s14+$0x680];
	[tilespmem:s11+$0xFA90] =	vst v4;
	v4 =	vmul.f32 $2.771281240e+01, v9  }
0x9b: {  	v9 =	vld [tilespmem:s14+$0x690];
	[tilespmem:s11+$0xFAA0] =	vst v3;
	v3 =	vmul.f32 $2.771281240e+01, v5  }
0x9c: {  	v5 =	vld [tilespmem:s14+$0x6A0];
	[tilespmem:s11+$0xFAB0] =	vst v4;
	v4 =	vmul.f32 $2.771281240e+01, v6  }
0x9d: {  	v6 =	vld [tilespmem:s14+$0x6B0];
	[tilespmem:s11+$0xFAC0] =	vst v3;
	v3 =	vmul.f32 $2.771281240e+01, v7  }
0x9e: {  	v7 =	vld [tilespmem:s14+$0x6C0];
	[tilespmem:s11+$0xFAD0] =	vst v4;
	v4 =	vmul.f32 $2.771281240e+01, v8  }
0x9f: {  	s10 =	sadd.s32 $0x800, s0;
	v8 =	vmul.f32 $2.771281240e+01, v10;
	v10 =	vld [tilespmem:s14+$0x6D0];
	[tilespmem:s11+$0xFAE0] =	vst v3  }
0xa0: {  	s24 =	sor.u32 s1, s10;
	v3 =	vmul.f32 $2.771281240e+01, v9;
	v9 =	vld [tilespmem:s14+$0x6E0];
	[tilespmem:s11+$0xFAF0] =	vst v4  }
0xa1: {  	[tilespmem:s14+$0xF680] =	vst v8;
	v4 =	vmul.f32 $2.771281240e+01, v5;
	v5 =	vld [tilespmem:s24+$0x680]  }
0xa2: {  	[tilespmem:s14+$0xF690] =	vst v3;
	v3 =	vmul.f32 $2.771281240e+01, v6;
	v6 =	vld [tilespmem:s24+$0x690]  }
0xa3: {  	[tilespmem:s14+$0xF6A0] =	vst v4;
	v4 =	vmul.f32 $2.771281240e+01, v7;
	v7 =	vld [tilespmem:s24+$0x6A0]  }
0xa4: {  	v8 =	vld [tilespmem:s24+$0x6B0];
	[tilespmem:s14+$0xF6B0] =	vst v3;
	v3 =	vmul.f32 $2.771281240e+01, v10  }
0xa5: {  	[tilespmem:s14+$0xF6C0] =	vst v4;
	v4 =	vmul.f32 $2.771281240e+01, v9;
	v9 =	vld [tilespmem:s24+$0x6C0]  }
0xa6: {  	[tilespmem:s14+$0xF6D0] =	vst v3;
	v3 =	vmul.f32 $2.771281240e+01, v5;
	v5 =	vld [tilespmem:s24+$0x6D0]  }
0xa7: {  	[tilespmem:s14+$0xF6E0] =	vst v4;
	v4 =	vmul.f32 $2.771281240e+01, v6;
	v6 =	vld [tilespmem:s24+$0x6E0]  }
0xa8: {  	[tilespmem:s24+$0xF680] =	vst v3;
	v3 =	vmul.f32 $2.771281240e+01, v7;
	v7 =	vld [tilespmem:s24+$0x6F0]  }
0xa9: {  	v10 =	vld [tilespmem:s14+$0x6F0];
	[tilespmem:s24+$0xF690] =	vst v4;
	v4 =	vmul.f32 $2.771281240e+01, v8  }
0xaa: {  	v8 =	vld [tilespmem:s14+$0xA80];
	[tilespmem:s24+$0xF6A0] =	vst v3;
	v3 =	vmul.f32 $2.771281240e+01, v9  }
0xab: {  	v9 =	vld [tilespmem:s14+$0xA90];
	[tilespmem:s24+$0xF6B0] =	vst v4;
	v4 =	vmul.f32 $2.771281240e+01, v5  }
0xac: {  	v5 =	vld [tilespmem:s14+$0xAA0];
	[tilespmem:s24+$0xF6C0] =	vst v3;
	v3 =	vmul.f32 $2.771281240e+01, v6  }
0xad: {  	v6 =	vld [tilespmem:s14+$0xAB0];
	[tilespmem:s24+$0xF6D0] =	vst v4;
	v4 =	vmul.f32 $2.771281240e+01, v7  }
0xae: {  	s12 =	sadd.s32 $0xC00, s0;
	v7 =	vmul.f32 $2.771281240e+01, v10;
	v10 =	vld [tilespmem:s14+$0xAC0];
	[tilespmem:s24+$0xF6E0] =	vst v3  }
0xaf: {  	v3 =	vmul.f32 $2.771281240e+01, v8;
	v8 =	vld [tilespmem:s14+$0xAD0];
	[tilespmem:s24+$0xF6F0] =	vst v4;
	s24 =	sor.u32 s1, s12  }
0xb0: {  	[tilespmem:s14+$0xF6F0] =	vst v7;
	v4 =	vmul.f32 $2.771281240e+01, v9;
	v7 =	vld [tilespmem:s24+$0x680]  }
0xb1: {  	[tilespmem:s14+$0xFA80] =	vst v3;
	v3 =	vmul.f32 $2.771281240e+01, v5;
	v5 =	vld [tilespmem:s24+$0x690]  }
0xb2: {  	[tilespmem:s14+$0xFA90] =	vst v4;
	v4 =	vmul.f32 $2.771281240e+01, v6;
	v6 =	vld [tilespmem:s24+$0x6A0]  }
0xb3: {  	v9 =	vld [tilespmem:s24+$0x6B0];
	[tilespmem:s14+$0xFAA0] =	vst v3;
	v3 =	vmul.f32 $2.771281240e+01, v10  }
0xb4: {  	[tilespmem:s14+$0xFAB0] =	vst v4;
	v4 =	vmul.f32 $2.771281240e+01, v8;
	v8 =	vld [tilespmem:s24+$0x6C0]  }
0xb5: {  	[tilespmem:s14+$0xFAC0] =	vst v3;
	v3 =	vmul.f32 $2.771281240e+01, v7;
	v7 =	vld [tilespmem:s24+$0x6D0]  }
0xb6: {  	[tilespmem:s14+$0xFAD0] =	vst v4;
	v4 =	vmul.f32 $2.771281240e+01, v5;
	v5 =	vld [tilespmem:s24+$0x6E0]  }
0xb7: {  	v10 =	vld [tilespmem:s14+$0xAE0];
	[tilespmem:s24+$0xF680] =	vst v3;
	v3 =	vmul.f32 $2.771281240e+01, v6  }
0xb8: {  	v6 =	vld [tilespmem:s24+$0x6F0];
	[tilespmem:s24+$0xF690] =	vst v4;
	v4 =	vmul.f32 $2.771281240e+01, v9  }
0xb9: {  	v9 =	vld [tilespmem:s14+$0xAF0];
	[tilespmem:s24+$0xF6A0] =	vst v3;
	v3 =	vmul.f32 $2.771281240e+01, v8  }
0xba: {  	[tilespmem:s24+$0xF6B0] =	vst v4;
	v4 =	vmul.f32 $2.771281240e+01, v7  }
0xbb: {  	[tilespmem:s24+$0xF6C0] =	vst v3;
	v3 =	vmul.f32 $2.771281240e+01, v5  }
0xbc: {  	v5 =	vmul.f32 $2.771281240e+01, v10;
	[tilespmem:s24+$0xF6D0] =	vst v4  }
0xbd: {  	v4 =	vmul.f32 $2.771281240e+01, v6;
	[tilespmem:s24+$0xF6E0] =	vst v3  }
0xbe: {  	s26 =	sadd.s32 $0x1000, s0;
	v3 =	vmul.f32 $2.771281240e+01, v9;
	[tilespmem:s14+$0xFAE0] =	vst v5  }
0xbf: {  	s30 =	sor.u32 s1, s26;
	[tilespmem:s24+$0xF6F0] =	vst v4  }
0xc0: {  	s10 =	sor.u32 s25, s10;
	v4 =	vld [tilespmem:s30+$0x680];
	[tilespmem:s14+$0xFAF0] =	vst v3  }
0xc1: {  	v3 =	vld [tilespmem:s10+$0x680]  }
0xc2: {  	v5 =	vld [tilespmem:s10+$0x690]  }
0xc3: {  	v6 =	vld [tilespmem:s10+$0x6A0]  }
0xc4: {  	v7 =	vld [tilespmem:s10+$0x6B0]  }
0xc5: {  	v8 =	vld [tilespmem:s10+$0x6C0];
	v4 =	vmul.f32 $2.771281240e+01, v4  }
0xc6: {  	v9 =	vld [tilespmem:s10+$0x6D0];
	v3 =	vmul.f32 $2.771281240e+01, v3  }
0xc7: {  	[tilespmem:s30+$0xF680] =	vst v4;
	v4 =	vmul.f32 $2.771281240e+01, v5;
	v5 =	vld [tilespmem:s10+$0x6E0]  }
0xc8: {  	[tilespmem:s10+$0xF680] =	vst v3;
	v3 =	vmul.f32 $2.771281240e+01, v6;
	v6 =	vld [tilespmem:s10+$0x6F0]  }
0xc9: {  	v10 =	vld [tilespmem:s30+$0x690];
	[tilespmem:s10+$0xF690] =	vst v4;
	v4 =	vmul.f32 $2.771281240e+01, v7  }
0xca: {  	v7 =	vld [tilespmem:s30+$0x6A0];
	[tilespmem:s10+$0xF6A0] =	vst v3;
	v3 =	vmul.f32 $2.771281240e+01, v8  }
0xcb: {  	v8 =	vld [tilespmem:s30+$0x6B0];
	[tilespmem:s10+$0xF6B0] =	vst v4;
	v4 =	vmul.f32 $2.771281240e+01, v9  }
0xcc: {  	v9 =	vld [tilespmem:s30+$0x6C0];
	[tilespmem:s10+$0xF6C0] =	vst v3;
	v3 =	vmul.f32 $2.771281240e+01, v5  }
0xcd: {  	v5 =	vld [tilespmem:s30+$0x6D0];
	[tilespmem:s10+$0xF6D0] =	vst v4;
	v4 =	vmul.f32 $2.771281240e+01, v6  }
0xce: {  	v6 =	vmul.f32 $2.771281240e+01, v10;
	v10 =	vld [tilespmem:s30+$0x6E0];
	[tilespmem:s10+$0xF6E0] =	vst v3  }
0xcf: {  	s31 =	sor.u32 s25, s12;
	v3 =	vmul.f32 $2.771281240e+01, v7;
	v7 =	vld [tilespmem:s30+$0x6F0];
	[tilespmem:s10+$0xF6F0] =	vst v4  }
0xd0: {  	[tilespmem:s30+$0xF690] =	vst v6;
	v4 =	vmul.f32 $2.771281240e+01, v8;
	v6 =	vld [tilespmem:s31+$0x680]  }
0xd1: {  	[tilespmem:s30+$0xF6A0] =	vst v3;
	v3 =	vmul.f32 $2.771281240e+01, v9;
	v8 =	vld [tilespmem:s31+$0x690]  }
0xd2: {  	[tilespmem:s30+$0xF6B0] =	vst v4;
	v4 =	vmul.f32 $2.771281240e+01, v5;
	v5 =	vld [tilespmem:s31+$0x6A0]  }
0xd3: {  	v9 =	vld [tilespmem:s31+$0x6B0];
	[tilespmem:s30+$0xF6C0] =	vst v3;
	v3 =	vmul.f32 $2.771281240e+01, v10  }
0xd4: {  	[tilespmem:s30+$0xF6D0] =	vst v4;
	v4 =	vmul.f32 $2.771281240e+01, v7;
	v7 =	vld [tilespmem:s31+$0x6C0]  }
0xd5: {  	[tilespmem:s30+$0xF6E0] =	vst v3;
	v3 =	vmul.f32 $2.771281240e+01, v6;
	v6 =	vld [tilespmem:s31+$0x6D0]  }
0xd6: {  	s0 =	sadd.s32 $0x1400, s0;
	[tilespmem:s30+$0xF6F0] =	vst v4;
	v4 =	vmul.f32 $2.771281240e+01, v8;
	v8 =	vld [tilespmem:s31+$0x6E0]  }
0xd7: {  	s1 =	sor.u32 s1, s0;
	[tilespmem:s31+$0xF680] =	vst v3;
	v3 =	vmul.f32 $2.771281240e+01, v5;
	v5 =	vld [tilespmem:s31+$0x6F0]  }
0xd8: {  	v10 =	vld [tilespmem:s1+$0x6F0];
	[tilespmem:s31+$0xF690] =	vst v4;
	v4 =	vmul.f32 $2.771281240e+01, v9  }
0xd9: {  	[tilespmem:s31+$0xF6A0] =	vst v3;
	v3 =	vmul.f32 $2.771281240e+01, v7;
	v7 =	vld [tilespmem:s1+$0x680]  }
0xda: {  	[tilespmem:s31+$0xF6B0] =	vst v4;
	v4 =	vmul.f32 $2.771281240e+01, v6;
	v6 =	vld [tilespmem:s1+$0x690]  }
0xdb: {  	[tilespmem:s31+$0xF6C0] =	vst v3;
	v3 =	vmul.f32 $2.771281240e+01, v8;
	v8 =	vld [tilespmem:s1+$0x6A0]  }
0xdc: {  	[tilespmem:s31+$0xF6D0] =	vst v4;
	v4 =	vmul.f32 $2.771281240e+01, v5;
	v5 =	vld [tilespmem:s1+$0x6B0]  }
0xdd: {  	v9 =	vmul.f32 $2.771281240e+01, v10;
	[tilespmem:s31+$0xF6E0] =	vst v3;
	v3 =	vld [tilespmem:s1+$0x6C0]  }
0xde: {  	s11 =	sor.u32 s25, s26;
	[tilespmem:s31+$0xF6F0] =	vst v4;
	v4 =	vld [tilespmem:s1+$0x6D0];
	v7 =	vmul.f32 $2.771281240e+01, v7  }
0xdf: {  	s12 =	simm.s32 $0x0;
	s24 =	simm.s32 $0x100;
	[tilespmem:s1+$0xF6F0] =	vst v9;
	v10 =	vld [tilespmem:s11+$0x680];
	v6 =	vmul.f32 $2.771281240e+01, v6  }
0xe0: {  	s6 =	smul.u32 $0x1800, s12;
	s30 =	sand.u32 $0x300, s24;
	v9 =	vld [tilespmem:s11+$0x690];
	[tilespmem:s1+$0xF680] =	vst v7;
	v7 =	vmul.f32 $2.771281240e+01, v8  }
0xe1: {  	s10 =	sor.u32 $0x80, s30;
	v8 =	vld [tilespmem:s11+$0x6A0];
	[tilespmem:s1+$0xF690] =	vst v6;
	v5 =	vmul.f32 $2.771281240e+01, v5  }
0xe2: {  	s28 =	sor.u32 s6, s10;
	v6 =	vld [tilespmem:s11+$0x6B0];
	[tilespmem:s1+$0xF6A0] =	vst v7;
	v3 =	vmul.f32 $2.771281240e+01, v3  }
0xe3: {  	v7 =	vld [tilespmem:s28+$0x680];
	[tilespmem:s1+$0xF6B0] =	vst v5;
	v4 =	vmul.f32 $2.771281240e+01, v4  }
0xe4: {  	v5 =	vld [tilespmem:s28+$0x690];
	v10 =	vmul.f32 $2.771281240e+01, v10;
	[tilespmem:s1+$0xF6C0] =	vst v3  }
0xe5: {  	v3 =	vld [tilespmem:s28+$0x6A0];
	v9 =	vmul.f32 $2.771281240e+01, v9;
	[tilespmem:s1+$0xF6D0] =	vst v4  }
0xe6: {  	v4 =	vld [tilespmem:s28+$0x6B0];
	v8 =	vmul.f32 $2.771281240e+01, v8;
	[tilespmem:s11+$0xF680] =	vst v10  }
0xe7: {  	v10 =	vld [tilespmem:s28+$0x6C0];
	[tilespmem:s11+$0xF690] =	vst v9;
	v6 =	vmul.f32 $2.771281240e+01, v6  }
0xe8: {  	v9 =	vld [tilespmem:s28+$0x6D0];
	v7 =	vmul.f32 $2.771281240e+01, v7;
	[tilespmem:s11+$0xF6A0] =	vst v8  }
0xe9: {  	v8 =	vld [tilespmem:s28+$0x6E0];
	v5 =	vmul.f32 $2.771281240e+01, v5;
	[tilespmem:s11+$0xF6B0] =	vst v6  }
0xea: {  	[tilespmem:s28+$0xF680] =	vst v7;
	v3 =	vmul.f32 $2.771281240e+01, v3;
	v7 =	vld [tilespmem:s28+$0x6F0]  }
0xeb: {  	[tilespmem:s28+$0xF690] =	vst v5;
	v4 =	vmul.f32 $2.771281240e+01, v4;
	v5 =	vld [tilespmem:s28+$0xA80]  }
0xec: {  	[tilespmem:s28+$0xF6A0] =	vst v3;
	v3 =	vmul.f32 $2.771281240e+01, v10;
	v10 =	vld [tilespmem:s28+$0xA90]  }
0xed: {  	[tilespmem:s28+$0xF6B0] =	vst v4;
	v4 =	vmul.f32 $2.771281240e+01, v9;
	v9 =	vld [tilespmem:s28+$0xAA0]  }
0xee: {  	[tilespmem:s28+$0xF6C0] =	vst v3;
	v3 =	vmul.f32 $2.771281240e+01, v8;
	v8 =	vld [tilespmem:s28+$0xAB0]  }
0xef: {  	[tilespmem:s28+$0xF6D0] =	vst v4;
	v4 =	vmul.f32 $2.771281240e+01, v7;
	v7 =	vld [tilespmem:s28+$0xAC0]  }
0xf0: {  	[tilespmem:s28+$0xF6E0] =	vst v3;
	v3 =	vmul.f32 $2.771281240e+01, v5;
	v5 =	vld [tilespmem:s28+$0xAD0]  }
0xf1: {  	[tilespmem:s28+$0xF6F0] =	vst v4;
	v4 =	vmul.f32 $2.771281240e+01, v10;
	v10 =	vld [tilespmem:s28+$0xAE0]  }
0xf2: {  	s26 =	sor.u32 s30, s6;
	[tilespmem:s28+$0xFA80] =	vst v3;
	v3 =	vmul.f32 $2.771281240e+01, v9;
	v9 =	vld [tilespmem:s28+$0xAF0]  }
0xf3: {  	[tilespmem:s28+$0xFA90] =	vst v4;
	v4 =	vld [tilespmem:s26+$0x680];
	v8 =	vmul.f32 $2.771281240e+01, v8  }
0xf4: {  	[tilespmem:s28+$0xFAA0] =	vst v3;
	v3 =	vld [tilespmem:s26+$0x690];
	v7 =	vmul.f32 $2.771281240e+01, v7  }
0xf5: {  	[tilespmem:s28+$0xFAB0] =	vst v8;
	v8 =	vld [tilespmem:s26+$0x6A0];
	v5 =	vmul.f32 $2.771281240e+01, v5  }
0xf6: {  	[tilespmem:s28+$0xFAC0] =	vst v7;
	v7 =	vld [tilespmem:s26+$0x6B0];
	v10 =	vmul.f32 $2.771281240e+01, v10  }
0xf7: {  	[tilespmem:s28+$0xFAD0] =	vst v5;
	v5 =	vld [tilespmem:s26+$0x6C0];
	v9 =	vmul.f32 $2.771281240e+01, v9  }
0xf8: {  	s13 =	sadd.s32 $0x800, s6;
	[tilespmem:s28+$0xFAE0] =	vst v10;
	v10 =	vld [tilespmem:s26+$0x6D0];
	v4 =	vmul.f32 $2.771281240e+01, v4  }
0xf9: {  	s29 =	sor.u32 s10, s13;
	[tilespmem:s28+$0xFAF0] =	vst v9;
	v9 =	vld [tilespmem:s26+$0x6E0];
	v3 =	vmul.f32 $2.771281240e+01, v3  }
0xfa: {  	v6 =	vld [tilespmem:s29+$0x680];
	[tilespmem:s26+$0xF680] =	vst v4;
	v4 =	vmul.f32 $2.771281240e+01, v8  }
0xfb: {  	v8 =	vld [tilespmem:s29+$0x690];
	[tilespmem:s26+$0xF690] =	vst v3;
	v3 =	vmul.f32 $2.771281240e+01, v7  }
0xfc: {  	v7 =	vld [tilespmem:s29+$0x6A0];
	[tilespmem:s26+$0xF6A0] =	vst v4;
	v4 =	vmul.f32 $2.771281240e+01, v5  }
0xfd: {  	v5 =	vld [tilespmem:s29+$0x6B0];
	[tilespmem:s26+$0xF6B0] =	vst v3;
	v3 =	vmul.f32 $2.771281240e+01, v10  }
0xfe: {  	v10 =	vld [tilespmem:s29+$0x6C0];
	[tilespmem:s26+$0xF6C0] =	vst v4;
	v9 =	vmul.f32 $2.771281240e+01, v9  }
0xff: {  	v4 =	vmul.f32 $2.771281240e+01, v6;
	v6 =	vld [tilespmem:s29+$0x6D0];
	[tilespmem:s26+$0xF6D0] =	vst v3  }
0x100: {  	v3 =	vmul.f32 $2.771281240e+01, v8;
	v8 =	vld [tilespmem:s29+$0x6E0];
	[tilespmem:s26+$0xF6E0] =	vst v9  }
0x101: {  	[tilespmem:s29+$0xF680] =	vst v4;
	v4 =	vmul.f32 $2.771281240e+01, v7;
	v7 =	vld [tilespmem:s29+$0x6F0]  }
0x102: {  	[tilespmem:s29+$0xF690] =	vst v3;
	v3 =	vld [tilespmem:s26+$0x6F0];
	v5 =	vmul.f32 $2.771281240e+01, v5  }
0x103: {  	v10 =	vmul.f32 $2.771281240e+01, v10;
	[tilespmem:s29+$0xF6A0] =	vst v4;
	v4 =	vld [tilespmem:s26+$0xA80]  }
0x104: {  	[tilespmem:s29+$0xF6B0] =	vst v5;
	v5 =	vld [tilespmem:s26+$0xA90];
	v6 =	vmul.f32 $2.771281240e+01, v6  }
0x105: {  	[tilespmem:s29+$0xF6C0] =	vst v10;
	v10 =	vld [tilespmem:s26+$0xAA0];
	v8 =	vmul.f32 $2.771281240e+01, v8  }
0x106: {  	[tilespmem:s29+$0xF6D0] =	vst v6;
	v6 =	vld [tilespmem:s26+$0xAB0];
	v7 =	vmul.f32 $2.771281240e+01, v7  }
0x107: {  	s28 =	sadd.s32 $0xC00, s6;
	[tilespmem:s29+$0xF6E0] =	vst v8;
	v8 =	vld [tilespmem:s26+$0xAC0];
	v3 =	vmul.f32 $2.771281240e+01, v3  }
0x108: {  	[tilespmem:s29+$0xF6F0] =	vst v7;
	v7 =	vld [tilespmem:s26+$0xAD0];
	s29 =	sor.u32 s10, s28;
	v4 =	vmul.f32 $2.771281240e+01, v4  }
0x109: {  	[tilespmem:s26+$0xF6F0] =	vst v3;
	v3 =	vmul.f32 $2.771281240e+01, v5;
	v9 =	vld [tilespmem:s29+$0x680]  }
0x10a: {  	v5 =	vld [tilespmem:s29+$0x690];
	[tilespmem:s26+$0xFA80] =	vst v4;
	v4 =	vmul.f32 $2.771281240e+01, v10  }
0x10b: {  	v10 =	vld [tilespmem:s29+$0x6A0];
	[tilespmem:s26+$0xFA90] =	vst v3;
	v3 =	vmul.f32 $2.771281240e+01, v6  }
0x10c: {  	v6 =	vld [tilespmem:s29+$0x6B0];
	[tilespmem:s26+$0xFAA0] =	vst v4;
	v4 =	vmul.f32 $2.771281240e+01, v8  }
0x10d: {  	v8 =	vld [tilespmem:s29+$0x6C0];
	[tilespmem:s26+$0xFAB0] =	vst v3;
	v7 =	vmul.f32 $2.771281240e+01, v7  }
0x10e: {  	v3 =	vmul.f32 $2.771281240e+01, v9;
	v9 =	vld [tilespmem:s29+$0x6D0];
	[tilespmem:s26+$0xFAC0] =	vst v4  }
0x10f: {  	v4 =	vmul.f32 $2.771281240e+01, v5;
	v5 =	vld [tilespmem:s29+$0x6E0];
	[tilespmem:s26+$0xFAD0] =	vst v7  }
0x110: {  	[tilespmem:s29+$0xF680] =	vst v3;
	v3 =	vmul.f32 $2.771281240e+01, v10;
	v10 =	vld [tilespmem:s29+$0x6F0]  }
0x111: {  	[tilespmem:s29+$0xF690] =	vst v4;
	v4 =	vld [tilespmem:s26+$0xAE0];
	v6 =	vmul.f32 $2.771281240e+01, v6  }
0x112: {  	v8 =	vmul.f32 $2.771281240e+01, v8;
	[tilespmem:s29+$0xF6A0] =	vst v3;
	v3 =	vld [tilespmem:s26+$0xAF0]  }
0x113: {  	[tilespmem:s29+$0xF6B0] =	vst v6;
	v6 =	vmul.f32 $2.771281240e+01, v9;
	v9 =	vld [tilespmem:s11+$0x6C0]  }
0x114: {  	[tilespmem:s29+$0xF6C0] =	vst v8;
	v5 =	vmul.f32 $2.771281240e+01, v5;
	v8 =	vld [tilespmem:s11+$0x6D0]  }
0x115: {  	[tilespmem:s29+$0xF6D0] =	vst v6;
	v6 =	vmul.f32 $2.771281240e+01, v10;
	v10 =	vld [tilespmem:s11+$0x6E0]  }
0x116: {  	s31 =	sadd.s32 $0x1000, s6;
	[tilespmem:s29+$0xF6E0] =	vst v5;
	v5 =	vld [tilespmem:s11+$0x6F0];
	v4 =	vmul.f32 $2.771281240e+01, v4  }
0x117: {  	[tilespmem:s29+$0xF6F0] =	vst v6;
	s29 =	sor.u32 s10, s31;
	v6 =	vld [tilespmem:s1+$0x6E0];
	v3 =	vmul.f32 $2.771281240e+01, v3  }
0x118: {  	[tilespmem:s26+$0xFAE0] =	vst v4;
	v7 =	vld [tilespmem:s29+$0x680];
	v4 =	vmul.f32 $2.771281240e+01, v9  }
0x119: {  	v9 =	vld [tilespmem:s29+$0x690];
	[tilespmem:s26+$0xFAF0] =	vst v3;
	v3 =	vmul.f32 $2.771281240e+01, v8  }
0x11a: {  	v8 =	vld [tilespmem:s29+$0x6A0];
	[tilespmem:s11+$0xF6C0] =	vst v4;
	v4 =	vmul.f32 $2.771281240e+01, v10  }
0x11b: {  	v10 =	vld [tilespmem:s29+$0x6B0];
	[tilespmem:s11+$0xF6D0] =	vst v3;
	v3 =	vmul.f32 $2.771281240e+01, v5  }
0x11c: {  	v5 =	vld [tilespmem:s29+$0x6C0];
	[tilespmem:s11+$0xF6E0] =	vst v4;
	v6 =	vmul.f32 $2.771281240e+01, v6  }
0x11d: {  	v4 =	vmul.f32 $2.771281240e+01, v7;
	v7 =	vld [tilespmem:s29+$0x6D0];
	[tilespmem:s11+$0xF6F0] =	vst v3  }
0x11e: {  	v3 =	vmul.f32 $2.771281240e+01, v9;
	v9 =	vld [tilespmem:s29+$0x6E0];
	[tilespmem:s1+$0xF6E0] =	vst v6  }
0x11f: {  	s14 =	sor.u32 s30, s13;
	[tilespmem:s29+$0xF680] =	vst v4;
	v4 =	vmul.f32 $2.771281240e+01, v8;
	v8 =	vld [tilespmem:s29+$0x6F0]  }
0x120: {  	[tilespmem:s29+$0xF690] =	vst v3;
	v3 =	vld [tilespmem:s14+$0x680];
	v10 =	vmul.f32 $2.771281240e+01, v10  }
0x121: {  	v5 =	vmul.f32 $2.771281240e+01, v5;
	[tilespmem:s29+$0xF6A0] =	vst v4;
	v4 =	vld [tilespmem:s14+$0x690]  }
0x122: {  	[tilespmem:s29+$0xF6B0] =	vst v10;
	v10 =	vld [tilespmem:s14+$0x6A0];
	v7 =	vmul.f32 $2.771281240e+01, v7  }
0x123: {  	[tilespmem:s29+$0xF6C0] =	vst v5;
	v5 =	vld [tilespmem:s14+$0x6B0];
	v9 =	vmul.f32 $2.771281240e+01, v9  }
0x124: {  	[tilespmem:s29+$0xF6D0] =	vst v7;
	v7 =	vld [tilespmem:s14+$0x6C0];
	v8 =	vmul.f32 $2.771281240e+01, v8  }
0x125: {  	[tilespmem:s29+$0xF6E0] =	vst v9;
	v9 =	vld [tilespmem:s14+$0x6D0];
	v3 =	vmul.f32 $2.771281240e+01, v3  }
0x126: {  	s6 =	sadd.s32 $0x1400, s6;
	[tilespmem:s29+$0xF6F0] =	vst v8;
	v8 =	vld [tilespmem:s14+$0x6E0];
	v4 =	vmul.f32 $2.771281240e+01, v4  }
0x127: {  	s26 =	sor.u32 s10, s6;
	[tilespmem:s14+$0xF680] =	vst v3;
	v3 =	vmul.f32 $2.771281240e+01, v10;
	v10 =	vld [tilespmem:s14+$0x6F0]  }
0x128: {  	s25 =	sor.u32 s25, s0;
	v6 =	vld [tilespmem:s26+$0x6F0];
	[tilespmem:s14+$0xF690] =	vst v4;
	v4 =	vmul.f32 $2.771281240e+01, v5  }
0x129: {  	v5 =	vld [tilespmem:s25+$0x680];
	[tilespmem:s14+$0xF6A0] =	vst v3;
	v3 =	vmul.f32 $2.771281240e+01, v7  }
0x12a: {  	v7 =	vld [tilespmem:s25+$0x690];
	[tilespmem:s14+$0xF6B0] =	vst v4;
	v4 =	vmul.f32 $2.771281240e+01, v9  }
0x12b: {  	v9 =	vld [tilespmem:s25+$0x6A0];
	[tilespmem:s14+$0xF6C0] =	vst v3;
	v3 =	vmul.f32 $2.771281240e+01, v8  }
0x12c: {  	v8 =	vld [tilespmem:s25+$0x6B0];
	[tilespmem:s14+$0xF6D0] =	vst v4;
	v4 =	vmul.f32 $2.771281240e+01, v10  }
0x12d: {  	v10 =	vld [tilespmem:s25+$0x6C0];
	v6 =	vmul.f32 $2.771281240e+01, v6;
	[tilespmem:s14+$0xF6E0] =	vst v3  }
0x12e: {  	v3 =	vld [tilespmem:s25+$0x6D0];
	v5 =	vmul.f32 $2.771281240e+01, v5;
	[tilespmem:s14+$0xF6F0] =	vst v4  }
0x12f: {  	s0 =	sor.u32 s30, s28;
	v4 =	vld [tilespmem:s25+$0x6E0];
	[tilespmem:s26+$0xF6F0] =	vst v6;
	v6 =	vmul.f32 $2.771281240e+01, v7  }
0x130: {  	v7 =	vld [tilespmem:s0+$0x680];
	[tilespmem:s25+$0xF680] =	vst v5;
	v5 =	vmul.f32 $2.771281240e+01, v9  }
0x131: {  	v9 =	vld [tilespmem:s0+$0x690];
	[tilespmem:s25+$0xF690] =	vst v6;
	v6 =	vmul.f32 $2.771281240e+01, v8  }
0x132: {  	v8 =	vld [tilespmem:s0+$0x6A0];
	[tilespmem:s25+$0xF6A0] =	vst v5;
	v5 =	vmul.f32 $2.771281240e+01, v10  }
0x133: {  	v10 =	vld [tilespmem:s0+$0x6B0];
	[tilespmem:s25+$0xF6B0] =	vst v6;
	v3 =	vmul.f32 $2.771281240e+01, v3  }
0x134: {  	v6 =	vld [tilespmem:s0+$0x6C0];
	[tilespmem:s25+$0xF6C0] =	vst v5;
	v4 =	vmul.f32 $2.771281240e+01, v4  }
0x135: {  	v5 =	vmul.f32 $2.771281240e+01, v7;
	v7 =	vld [tilespmem:s0+$0x6D0];
	[tilespmem:s25+$0xF6D0] =	vst v3  }
0x136: {  	v3 =	vld [tilespmem:s0+$0x6E0];
	v9 =	vmul.f32 $2.771281240e+01, v9;
	[tilespmem:s25+$0xF6E0] =	vst v4  }
0x137: {  	v4 =	vmul.f32 $2.771281240e+01, v8;
	[tilespmem:s0+$0xF680] =	vst v5;
	v5 =	vld [tilespmem:s0+$0x6F0]  }
0x138: {  	[tilespmem:s0+$0xF690] =	vst v9;
	v9 =	vmul.f32 $2.771281240e+01, v10;
	v10 =	vld [tilespmem:s25+$0x6F0]  }
0x139: {  	v8 =	vld [tilespmem:s26+$0x680];
	[tilespmem:s0+$0xF6A0] =	vst v4;
	v4 =	vmul.f32 $2.771281240e+01, v6  }
0x13a: {  	[tilespmem:s0+$0xF6B0] =	vst v9;
	v9 =	vmul.f32 $2.771281240e+01, v7;
	v7 =	vld [tilespmem:s26+$0x690]  }
0x13b: {  	v6 =	vld [tilespmem:s26+$0x6A0];
	[tilespmem:s0+$0xF6C0] =	vst v4;
	v3 =	vmul.f32 $2.771281240e+01, v3  }
0x13c: {  	v4 =	vld [tilespmem:s26+$0x6B0];
	[tilespmem:s0+$0xF6D0] =	vst v9;
	v9 =	vmul.f32 $2.771281240e+01, v5  }
0x13d: {  	s28 =	sor.u32 s30, s31;
	s6 =	sor.u32 s30, s6;
	s29 =	simm.s32 $0x2;
	[tilespmem:s0+$0xF6E0] =	vst v3;
	v5 =	vld [tilespmem:s26+$0x6C0];
	v3 =	vmul.f32 $2.771281240e+01, v10  }
.LBB2_3:
0x13e: {  	s29 =	sadd.s32 $0x2, s29;
	[tilespmem:s0+$0xF6F0] =	vst v9;
	v8 =	vmul.f32 $2.771281240e+01, v8;
	v9 =	vld [tilespmem:s26+$0x6D0]  }
0x13f: {  	s24 =	sadd.s32 $0x100, s24;
	s0 =	sshrl.u32 s29, $0x3;
	p1 =	slt.u32 s29, $0x26;
	v10 =	vld [tilespmem:s28+$0x680];
	v7 =	vmul.f32 $2.771281240e+01, v7;
	[tilespmem:s25+$0xF6F0] =	vst v3  }
0x140: {  	s30 =	sand.u32 $0x300, s24;
	s25 =	smov.u32 s6;
	s31 =	smul.u32 $0x1800, s0;
	v3 =	vld [tilespmem:s28+$0x690];
	[tilespmem:s26+$0xF680] =	vst v8;
	v6 =	vmul.f32 $2.771281240e+01, v6  }
0x141: {  	s1 =	sor.u32 $0x80, s30;
	v8 =	vld [tilespmem:s28+$0x6A0];
	[tilespmem:s26+$0xF690] =	vst v7;
	v4 =	vmul.f32 $2.771281240e+01, v4  }
0x142: {  	s6 =	sor.u32 s30, s31;
	s0 =	sor.u32 s31, s1;
	v7 =	vld [tilespmem:s28+$0x6B0];
	[tilespmem:s26+$0xF6A0] =	vst v6;
	v5 =	vmul.f32 $2.771281240e+01, v5  }
0x143: {  	v6 =	vld [tilespmem:s0+$0x680];
	[tilespmem:s26+$0xF6B0] =	vst v4;
	v4 =	vmul.f32 $2.771281240e+01, v9  }
0x144: {  	v9 =	vld [tilespmem:s0+$0x690];
	v10 =	vmul.f32 $2.771281240e+01, v10;
	[tilespmem:s26+$0xF6C0] =	vst v5  }
0x145: {  	v5 =	vld [tilespmem:s0+$0x6A0];
	v3 =	vmul.f32 $2.771281240e+01, v3;
	[tilespmem:s26+$0xF6D0] =	vst v4  }
0x146: {  	v4 =	vld [tilespmem:s0+$0x6B0];
	[tilespmem:s28+$0xF680] =	vst v10;
	v8 =	vmul.f32 $2.771281240e+01, v8  }
0x147: {  	v10 =	vld [tilespmem:s0+$0x6C0];
	[tilespmem:s28+$0xF690] =	vst v3;
	v3 =	vmul.f32 $2.771281240e+01, v7  }
0x148: {  	v6 =	vmul.f32 $2.771281240e+01, v6;
	v7 =	vld [tilespmem:s0+$0x6D0];
	[tilespmem:s28+$0xF6A0] =	vst v8  }
0x149: {  	v8 =	vmul.f32 $2.771281240e+01, v9;
	v9 =	vld [tilespmem:s0+$0x6E0];
	[tilespmem:s28+$0xF6B0] =	vst v3  }
0x14a: {  	[tilespmem:s0+$0xF680] =	vst v6;
	v3 =	vmul.f32 $2.771281240e+01, v5;
	v5 =	vld [tilespmem:s0+$0x6F0]  }
0x14b: {  	[tilespmem:s0+$0xF690] =	vst v8;
	v4 =	vmul.f32 $2.771281240e+01, v4;
	v6 =	vld [tilespmem:s0+$0xA80]  }
0x14c: {  	[tilespmem:s0+$0xF6A0] =	vst v3;
	v3 =	vmul.f32 $2.771281240e+01, v10;
	v8 =	vld [tilespmem:s0+$0xA90]  }
0x14d: {  	[tilespmem:s0+$0xF6B0] =	vst v4;
	v4 =	vmul.f32 $2.771281240e+01, v7;
	v7 =	vld [tilespmem:s0+$0xAA0]  }
0x14e: {  	[tilespmem:s0+$0xF6C0] =	vst v3;
	v3 =	vmul.f32 $2.771281240e+01, v9;
	v9 =	vld [tilespmem:s0+$0xAB0]  }
0x14f: {  	[tilespmem:s0+$0xF6D0] =	vst v4;
	v4 =	vmul.f32 $2.771281240e+01, v5;
	v5 =	vld [tilespmem:s0+$0xAC0]  }
0x150: {  	[tilespmem:s0+$0xF6E0] =	vst v3;
	v3 =	vmul.f32 $2.771281240e+01, v6;
	v6 =	vld [tilespmem:s0+$0xAD0]  }
0x151: {  	[tilespmem:s0+$0xF6F0] =	vst v4;
	v4 =	vmul.f32 $2.771281240e+01, v8;
	v8 =	vld [tilespmem:s0+$0xAE0]  }
0x152: {  	[tilespmem:s0+$0xFA80] =	vst v3;
	v3 =	vmul.f32 $2.771281240e+01, v7;
	v7 =	vld [tilespmem:s0+$0xAF0]  }
0x153: {  	v10 =	vld [tilespmem:s6+$0x680];
	[tilespmem:s0+$0xFA90] =	vst v4;
	v4 =	vmul.f32 $2.771281240e+01, v9  }
0x154: {  	v9 =	vld [tilespmem:s6+$0x690];
	[tilespmem:s0+$0xFAA0] =	vst v3;
	v3 =	vmul.f32 $2.771281240e+01, v5  }
0x155: {  	v5 =	vld [tilespmem:s6+$0x6A0];
	[tilespmem:s0+$0xFAB0] =	vst v4;
	v4 =	vmul.f32 $2.771281240e+01, v6  }
0x156: {  	v6 =	vld [tilespmem:s6+$0x6B0];
	[tilespmem:s0+$0xFAC0] =	vst v3;
	v3 =	vmul.f32 $2.771281240e+01, v8  }
0x157: {  	v8 =	vld [tilespmem:s6+$0x6C0];
	[tilespmem:s0+$0xFAD0] =	vst v4;
	v4 =	vmul.f32 $2.771281240e+01, v7  }
0x158: {  	s11 =	sadd.s32 $0x800, s31;
	v7 =	vmul.f32 $2.771281240e+01, v10;
	v10 =	vld [tilespmem:s6+$0x6D0];
	[tilespmem:s0+$0xFAE0] =	vst v3  }
0x159: {  	s10 =	sor.u32 s30, s11;
	s11 =	sor.u32 s1, s11;
	v3 =	vmul.f32 $2.771281240e+01, v9;
	v9 =	vld [tilespmem:s6+$0x6E0];
	[tilespmem:s0+$0xFAF0] =	vst v4  }
0x15a: {  	[tilespmem:s6+$0xF680] =	vst v7;
	v4 =	vmul.f32 $2.771281240e+01, v5;
	v5 =	vld [tilespmem:s11+$0x680]  }
0x15b: {  	[tilespmem:s6+$0xF690] =	vst v3;
	v3 =	vmul.f32 $2.771281240e+01, v6;
	v6 =	vld [tilespmem:s11+$0x690]  }
0x15c: {  	[tilespmem:s6+$0xF6A0] =	vst v4;
	v4 =	vmul.f32 $2.771281240e+01, v8;
	v7 =	vld [tilespmem:s11+$0x6A0]  }
0x15d: {  	[tilespmem:s6+$0xF6B0] =	vst v3;
	v3 =	vmul.f32 $2.771281240e+01, v10;
	v8 =	vld [tilespmem:s11+$0x6B0]  }
0x15e: {  	[tilespmem:s6+$0xF6C0] =	vst v4;
	v4 =	vmul.f32 $2.771281240e+01, v9;
	v9 =	vld [tilespmem:s11+$0x6C0]  }
0x15f: {  	[tilespmem:s6+$0xF6D0] =	vst v3;
	v3 =	vmul.f32 $2.771281240e+01, v5;
	v5 =	vld [tilespmem:s11+$0x6D0]  }
0x160: {  	[tilespmem:s6+$0xF6E0] =	vst v4;
	v4 =	vmul.f32 $2.771281240e+01, v6;
	v6 =	vld [tilespmem:s11+$0x6E0]  }
0x161: {  	[tilespmem:s11+$0xF680] =	vst v3;
	v3 =	vmul.f32 $2.771281240e+01, v7;
	v7 =	vld [tilespmem:s11+$0x6F0]  }
0x162: {  	v10 =	vld [tilespmem:s6+$0x6F0];
	[tilespmem:s11+$0xF690] =	vst v4;
	v4 =	vmul.f32 $2.771281240e+01, v8  }
0x163: {  	v8 =	vld [tilespmem:s6+$0xA80];
	[tilespmem:s11+$0xF6A0] =	vst v3;
	v3 =	vmul.f32 $2.771281240e+01, v9  }
0x164: {  	v9 =	vld [tilespmem:s6+$0xA90];
	[tilespmem:s11+$0xF6B0] =	vst v4;
	v4 =	vmul.f32 $2.771281240e+01, v5  }
0x165: {  	v5 =	vld [tilespmem:s6+$0xAA0];
	[tilespmem:s11+$0xF6C0] =	vst v3;
	v3 =	vmul.f32 $2.771281240e+01, v6  }
0x166: {  	v6 =	vld [tilespmem:s6+$0xAB0];
	[tilespmem:s11+$0xF6D0] =	vst v4;
	v4 =	vmul.f32 $2.771281240e+01, v7  }
0x167: {  	s12 =	sadd.s32 $0xC00, s31;
	v7 =	vmul.f32 $2.771281240e+01, v10;
	v10 =	vld [tilespmem:s6+$0xAC0];
	[tilespmem:s11+$0xF6E0] =	vst v3  }
0x168: {  	s0 =	sor.u32 s30, s12;
	v3 =	vmul.f32 $2.771281240e+01, v8;
	v8 =	vld [tilespmem:s6+$0xAD0];
	[tilespmem:s11+$0xF6F0] =	vst v4;
	s11 =	sor.u32 s1, s12  }
0x169: {  	[tilespmem:s6+$0xF6F0] =	vst v7;
	v4 =	vmul.f32 $2.771281240e+01, v9;
	v7 =	vld [tilespmem:s11+$0x680]  }
0x16a: {  	[tilespmem:s6+$0xFA80] =	vst v3;
	v3 =	vmul.f32 $2.771281240e+01, v5;
	v5 =	vld [tilespmem:s11+$0x690]  }
0x16b: {  	[tilespmem:s6+$0xFA90] =	vst v4;
	v4 =	vmul.f32 $2.771281240e+01, v6;
	v6 =	vld [tilespmem:s11+$0x6A0]  }
0x16c: {  	[tilespmem:s6+$0xFAA0] =	vst v3;
	v3 =	vmul.f32 $2.771281240e+01, v10;
	v9 =	vld [tilespmem:s11+$0x6B0]  }
0x16d: {  	[tilespmem:s6+$0xFAB0] =	vst v4;
	v4 =	vmul.f32 $2.771281240e+01, v8;
	v8 =	vld [tilespmem:s11+$0x6C0]  }
0x16e: {  	[tilespmem:s6+$0xFAC0] =	vst v3;
	v3 =	vmul.f32 $2.771281240e+01, v7;
	v7 =	vld [tilespmem:s11+$0x6D0]  }
0x16f: {  	[tilespmem:s6+$0xFAD0] =	vst v4;
	v4 =	vmul.f32 $2.771281240e+01, v5;
	v5 =	vld [tilespmem:s11+$0x6E0]  }
0x170: {  	[tilespmem:s11+$0xF680] =	vst v3;
	v3 =	vmul.f32 $2.771281240e+01, v6;
	v6 =	vld [tilespmem:s11+$0x6F0]  }
0x171: {  	v10 =	vld [tilespmem:s6+$0xAE0];
	[tilespmem:s11+$0xF690] =	vst v4;
	v4 =	vmul.f32 $2.771281240e+01, v9  }
0x172: {  	v9 =	vld [tilespmem:s6+$0xAF0];
	[tilespmem:s11+$0xF6A0] =	vst v3;
	v3 =	vmul.f32 $2.771281240e+01, v8  }
0x173: {  	[tilespmem:s11+$0xF6B0] =	vst v4;
	v4 =	vmul.f32 $2.771281240e+01, v7;
	v7 =	vld [tilespmem:s28+$0x6C0]  }
0x174: {  	[tilespmem:s11+$0xF6C0] =	vst v3;
	v3 =	vmul.f32 $2.771281240e+01, v5;
	v5 =	vld [tilespmem:s28+$0x6D0]  }
0x175: {  	[tilespmem:s11+$0xF6D0] =	vst v4;
	v4 =	vmul.f32 $2.771281240e+01, v6;
	v6 =	vld [tilespmem:s28+$0x6E0]  }
0x176: {  	s12 =	sadd.s32 $0x1000, s31;
	v8 =	vmul.f32 $2.771281240e+01, v10;
	[tilespmem:s11+$0xF6E0] =	vst v3;
	v3 =	vld [tilespmem:s28+$0x6F0]  }
0x177: {  	s13 =	sor.u32 s30, s12;
	v9 =	vmul.f32 $2.771281240e+01, v9;
	[tilespmem:s11+$0xF6F0] =	vst v4;
	s11 =	sor.u32 s1, s12;
	v4 =	vld [tilespmem:s26+$0x6E0]  }
0x178: {  	[tilespmem:s6+$0xFAE0] =	vst v8;
	v8 =	vld [tilespmem:s11+$0x680];
	v7 =	vmul.f32 $2.771281240e+01, v7  }
0x179: {  	[tilespmem:s6+$0xFAF0] =	vst v9;
	v9 =	vld [tilespmem:s11+$0x690];
	v5 =	vmul.f32 $2.771281240e+01, v5  }
0x17a: {  	v10 =	vld [tilespmem:s11+$0x6A0];
	[tilespmem:s28+$0xF6C0] =	vst v7;
	v6 =	vmul.f32 $2.771281240e+01, v6  }
0x17b: {  	v7 =	vld [tilespmem:s11+$0x6B0];
	[tilespmem:s28+$0xF6D0] =	vst v5;
	v3 =	vmul.f32 $2.771281240e+01, v3  }
0x17c: {  	v5 =	vld [tilespmem:s11+$0x6C0];
	[tilespmem:s28+$0xF6E0] =	vst v6;
	v4 =	vmul.f32 $2.771281240e+01, v4  }
0x17d: {  	v6 =	vmul.f32 $2.771281240e+01, v8;
	v8 =	vld [tilespmem:s11+$0x6D0];
	[tilespmem:s28+$0xF6F0] =	vst v3;
	s28 =	smov.u32 s13  }
0x17e: {  	v3 =	vmul.f32 $2.771281240e+01, v9;
	v9 =	vld [tilespmem:s11+$0x6E0];
	[tilespmem:s26+$0xF6E0] =	vst v4  }
0x17f: {  	[tilespmem:s11+$0xF680] =	vst v6;
	v4 =	vmul.f32 $2.771281240e+01, v10;
	v6 =	vld [tilespmem:s11+$0x6F0]  }
0x180: {  	v10 =	vld [tilespmem:s10+$0x680];
	[tilespmem:s11+$0xF690] =	vst v3;
	v3 =	vmul.f32 $2.771281240e+01, v7  }
0x181: {  	v7 =	vld [tilespmem:s10+$0x690];
	[tilespmem:s11+$0xF6A0] =	vst v4;
	v4 =	vmul.f32 $2.771281240e+01, v5  }
0x182: {  	v5 =	vld [tilespmem:s10+$0x6A0];
	[tilespmem:s11+$0xF6B0] =	vst v3;
	v3 =	vmul.f32 $2.771281240e+01, v8  }
0x183: {  	v8 =	vld [tilespmem:s10+$0x6B0];
	[tilespmem:s11+$0xF6C0] =	vst v4;
	v4 =	vmul.f32 $2.771281240e+01, v9  }
0x184: {  	v9 =	vld [tilespmem:s10+$0x6C0];
	[tilespmem:s11+$0xF6D0] =	vst v3;
	v3 =	vmul.f32 $2.771281240e+01, v6  }
0x185: {  	s12 =	sadd.s32 $0x1400, s31;
	v6 =	vmul.f32 $2.771281240e+01, v10;
	v10 =	vld [tilespmem:s10+$0x6D0];
	[tilespmem:s11+$0xF6E0] =	vst v4  }
0x186: {  	s6 =	sor.u32 s30, s12;
	s26 =	sor.u32 s1, s12;
	v4 =	vmul.f32 $2.771281240e+01, v7;
	v7 =	vld [tilespmem:s10+$0x6E0];
	[tilespmem:s11+$0xF6F0] =	vst v3  }
0x187: {  	[tilespmem:s10+$0xF680] =	vst v6;
	v3 =	vmul.f32 $2.771281240e+01, v5;
	v5 =	vld [tilespmem:s26+$0x6F0]  }
0x188: {  	[tilespmem:s10+$0xF690] =	vst v4;
	v4 =	vmul.f32 $2.771281240e+01, v8;
	v6 =	vld [tilespmem:s10+$0x6F0]  }
0x189: {  	[tilespmem:s10+$0xF6A0] =	vst v3;
	v3 =	vmul.f32 $2.771281240e+01, v9;
	v8 =	vld [tilespmem:s25+$0x680]  }
0x18a: {  	[tilespmem:s10+$0xF6B0] =	vst v4;
	v4 =	vmul.f32 $2.771281240e+01, v10;
	v9 =	vld [tilespmem:s25+$0x690]  }
0x18b: {  	[tilespmem:s10+$0xF6C0] =	vst v3;
	v3 =	vmul.f32 $2.771281240e+01, v7;
	v7 =	vld [tilespmem:s25+$0x6A0]  }
0x18c: {  	[tilespmem:s10+$0xF6D0] =	vst v4;
	v4 =	vmul.f32 $2.771281240e+01, v5;
	v5 =	vld [tilespmem:s25+$0x6B0]  }
0x18d: {  	[tilespmem:s10+$0xF6E0] =	vst v3;
	v3 =	vmul.f32 $2.771281240e+01, v6;
	v6 =	vld [tilespmem:s25+$0x6C0]  }
0x18e: {  	[tilespmem:s26+$0xF6F0] =	vst v4;
	v4 =	vmul.f32 $2.771281240e+01, v8;
	v8 =	vld [tilespmem:s25+$0x6D0]  }
0x18f: {  	[tilespmem:s10+$0xF6F0] =	vst v3;
	v3 =	vmul.f32 $2.771281240e+01, v9;
	v9 =	vld [tilespmem:s25+$0x6E0]  }
0x190: {  	v10 =	vld [tilespmem:s0+$0x680];
	[tilespmem:s25+$0xF680] =	vst v4;
	v4 =	vmul.f32 $2.771281240e+01, v7  }
0x191: {  	v7 =	vld [tilespmem:s0+$0x690];
	[tilespmem:s25+$0xF690] =	vst v3;
	v3 =	vmul.f32 $2.771281240e+01, v5  }
0x192: {  	v5 =	vld [tilespmem:s0+$0x6A0];
	[tilespmem:s25+$0xF6A0] =	vst v4;
	v4 =	vmul.f32 $2.771281240e+01, v6  }
0x193: {  	v6 =	vld [tilespmem:s0+$0x6B0];
	[tilespmem:s25+$0xF6B0] =	vst v3;
	v3 =	vmul.f32 $2.771281240e+01, v8  }
0x194: {  	v8 =	vld [tilespmem:s0+$0x6C0];
	[tilespmem:s25+$0xF6C0] =	vst v4;
	v4 =	vmul.f32 $2.771281240e+01, v9  }
0x195: {  	v9 =	vmul.f32 $2.771281240e+01, v10;
	v10 =	vld [tilespmem:s0+$0x6D0];
	[tilespmem:s25+$0xF6D0] =	vst v3  }
0x196: {  	v3 =	vmul.f32 $2.771281240e+01, v7;
	v11 =	vld [tilespmem:s0+$0x6E0];
	[tilespmem:s25+$0xF6E0] =	vst v4  }
0x197: {  	[tilespmem:s0+$0xF680] =	vst v9;
	v4 =	vmul.f32 $2.771281240e+01, v5;
	v5 =	vld [tilespmem:s0+$0x6F0]  }
0x198: {  	[tilespmem:s0+$0xF690] =	vst v3;
	v3 =	vmul.f32 $2.771281240e+01, v6;
	v12 =	vld [tilespmem:s25+$0x6F0]  }
.Ltmp2:
0x199: {  	[tilespmem:s0+$0xF6A0] =	vst v4;
	v4 =	vmul.f32 $2.771281240e+01, v8;
	v8 =	vld [tilespmem:s26+$0x680];
	(pc) =	sbr.rel @p1 .LBB2_3-.Ltmp2, $4  }
0x19a: {  	[tilespmem:s0+$0xF6B0] =	vst v3;
	v3 =	vmul.f32 $2.771281240e+01, v10;
	v7 =	vld [tilespmem:s26+$0x690]  }
0x19b: {  	[tilespmem:s0+$0xF6C0] =	vst v4;
	v10 =	vmul.f32 $2.771281240e+01, v11;
	v6 =	vld [tilespmem:s26+$0x6A0]  }
0x19c: {  	[tilespmem:s0+$0xF6D0] =	vst v3;
	v9 =	vmul.f32 $2.771281240e+01, v5;
	v4 =	vld [tilespmem:s26+$0x6B0]  }
0x19d: {  	[tilespmem:s0+$0xF6E0] =	vst v10;
	v5 =	vld [tilespmem:s26+$0x6C0];
	v3 =	vmul.f32 $2.771281240e+01, v12  }
0x19e: {  	[tilespmem:s0+$0xF6F0] =	vst v9  }
0x19f: {  	v9 =	vld [tilespmem:s28+$0x680]  }
0x1a0: {  	v10 =	vld [tilespmem:s28+$0x690]  }
0x1a1: {  	v11 =	vld [tilespmem:s28+$0x6A0]  }
0x1a2: {  	v12 =	vld [tilespmem:s28+$0x6B0]  }
0x1a3: {  	v43 =	vld [tilespmem:s28+$0x6E0]  }
0x1a4: {  	v44 =	vld [tilespmem:s28+$0x6F0];
	v9 =	vmul.f32 $2.771281240e+01, v9  }
0x1a5: {  	v41 =	vld [tilespmem:s28+$0x6C0];
	[tilespmem:s25+$0xF6F0] =	vst v3;
	v10 =	vmul.f32 $2.771281240e+01, v10  }
0x1a6: {  	v42 =	vld [tilespmem:s28+$0x6D0];
	v39 =	vmul.f32 $2.771281240e+01, v11;
	[tilespmem:s28+$0xF680] =	vst v9  }
0x1a7: {  	v40 =	vmul.f32 $2.771281240e+01, v12;
	[tilespmem:s28+$0xF690] =	vst v10  }
0x1a8: {  	v45 =	vmul.f32 $2.771281240e+01, v43;
	[tilespmem:s28+$0xF6A0] =	vst v39  }
0x1a9: {  	v46 =	vmul.f32 $2.771281240e+01, v44;
	[tilespmem:s28+$0xF6B0] =	vst v40  }
0x1aa: {  	v9 =	vmul.f32 $2.771281240e+01, v41;
	[tilespmem:s28+$0xF6E0] =	vst v45  }
0x1ab: {  	v10 =	vmul.f32 $2.771281240e+01, v42;
	[tilespmem:s28+$0xF6F0] =	vst v46  }
0x1ac: {  	v8 =	vmul.f32 $2.771281240e+01, v8;
	v47 =	vld [tilespmem:s26+$0x6D0];
	[tilespmem:s28+$0xF6C0] =	vst v9  }
0x1ad: {  	v62 =	vld [tilespmem:s26+$0x6E0];
	v7 =	vmul.f32 $2.771281240e+01, v7;
	[tilespmem:s28+$0xF6D0] =	vst v10  }
0x1ae: {  	[tilespmem:s26+$0xF680] =	vst v8;
	v6 =	vmul.f32 $2.771281240e+01, v6;
	v10 =	vld [tilespmem:s6+$0x680]  }
0x1af: {  	[tilespmem:s26+$0xF690] =	vst v7;
	v4 =	vmul.f32 $2.771281240e+01, v4;
	v48 =	vld [tilespmem:s6+$0x690]  }
0x1b0: {  	[tilespmem:s26+$0xF6A0] =	vst v6;
	v5 =	vmul.f32 $2.771281240e+01, v5;
	v49 =	vld [tilespmem:s6+$0x6A0]  }
0x1b1: {  	[tilespmem:s26+$0xF6B0] =	vst v4;
	v51 =	vmul.f32 $2.771281240e+01, v47;
	v50 =	vld [tilespmem:s6+$0x6B0]  }
0x1b2: {  	v4 =	vmul.f32 $2.771281240e+01, v62;
	[tilespmem:s26+$0xF6C0] =	vst v5;
	v52 =	vld [tilespmem:s6+$0x6C0]  }
0x1b3: {  	[tilespmem:s26+$0xF6D0] =	vst v51;
	v54 =	vld [tilespmem:s6+$0x6D0];
	v53 =	vmul.f32 $2.771281240e+01, v10  }
0x1b4: {  	[tilespmem:s26+$0xF6E0] =	vst v4;
	v56 =	vld [tilespmem:s6+$0x6E0];
	v55 =	vmul.f32 $2.771281240e+01, v48  }
0x1b5: {  	v63 =	vld [tilespmem:s6+$0x6F0];
	v57 =	vmul.f32 $2.771281240e+01, v49;
	[tilespmem:s6+$0xF680] =	vst v53  }
0x1b6: {  	s24 =	smul.u32 $0x50, s23;
	v58 =	vmul.f32 $2.771281240e+01, v50;
	[tilespmem:s6+$0xF690] =	vst v55  }
0x1b7: {  	v59 =	vmul.f32 $2.771281240e+01, v52;
	[tilespmem:s6+$0xF6A0] =	vst v57  }
0x1b8: {  	p1 =	sne.s32 s23, $0x13;
	s31 =	sadd.s32 s4, s24;
	v60 =	vmul.f32 $2.771281240e+01, v54;
	[tilespmem:s6+$0xF6B0] =	vst v58  }
.Ltmp3:
0x1b9: {  	s0 =	sshrl.u32 s31, $0x3;
	v61 =	vmul.f32 $2.771281240e+01, v56;
	[tilespmem:s6+$0xF6C0] =	vst v59;
	(pc) =	sbr.rel @p1 .LBB2_6-.Ltmp3, $4  }
0x1ba: {  	s0 =	smul.u32 $0x300, s0;
	v3 =	vmul.f32 $2.771281240e+01, v63;
	[tilespmem:s6+$0xF6D0] =	vst v60  }
0x1bb: {  	[tilespmem:s6+$0xF6E0] =	vst v61  }
0x1bc: {  	s0 =	sadd.s32 s3, s0;
	[tilespmem:s6+$0xF6F0] =	vst v3  }
0x1bd: {  	[hbm4b:s0+s5] =	stream.linear.scatter [tilespmem:s19], [sflag:$0x3], $0x7800, $0x38;
	[tilespmem:$0x1E680] =	vst v63  }
.Ltmp4:
0x1be: {  	(pc) =	sbr.rel .LBB2_7-.Ltmp4, $4  }
0x1bf: {  	_ = 	snop  }
0x1c0: {  	_ =	swait.ge [sflag:s20], $0x7800  }
0x1c1: {  	[sflag:s20] =	ssyncset.done $0x0  }
0x1c2: {  	[sflag:s20] =	ssyncadd.s32 $0xFFFF8800  }
.LBB2_6:
0x1c3: {  	s0 =	smul.u32 $0x140, s23;
	_ =	sdelay $0x1  }
0x1c4: {  	s0 =	sshra.s32 s0, $0x2  }
0x1c5: {  	v3 =	vld [tilespmem:s0+$0x50];
	_ =	sdelay $0x4  }
0x1c6: {  	v4 =	vshrl.u32 v3, $0x3  }
0x1c7: {  	v4 =	vmul.u32 $0x30, v4  }
0x1c8: {  	v3 =	vand.u32 $0x7, v3  }
0x1c9: {  	v3 =	vor.u32 v3, v4  }
0x1ca: {  	v4 =	vperm.xlane v3, v0;
	_ =	sdelay $0x1  }
0x1cb: {  	v4 =	vadd.s32 v1, v4;
	_ =	sdelay $0x3  }
0x1cc: {  	s1 =	simm.s32 $0x680;
	v3 =	vperm.xlane v3, v2  }
0x1cd: {  	[tilespmem:s1], [sflag:$0x1] =	stream.indirect_vreg.gather [hbm4b:s2+s5], $0x80, v4, vm0, $0xb8;
	[tilespmem:$0x1E680] =	vst v63  }
0x1ce: {  	s30 =	simm.s32 $0xE80;
	v3 =	vadd.s32 v1, v3  }
0x1cf: {  	[tilespmem:s30], [sflag:$0x1] =	stream.indirect_vreg.gather [hbm4b:s7+s5], $0x80, v4, vm0, $0xb8;
	[tilespmem:$0x1E680] =	vst v63  }
0x1d0: {  	s31 =	simm.s32 $0x1680  }
0x1d1: {  	[tilespmem:s31], [sflag:$0x1] =	stream.indirect_vreg.gather [hbm4b:s8+s5], $0x80, v4, vm0, $0xb8;
	[tilespmem:$0x1E680] =	vst v63  }
0x1d2: {  	s6 =	simm.s32 $0x1E80  }
0x1d3: {  	[tilespmem:s6], [sflag:$0x1] =	stream.indirect_vreg.gather [hbm4b:s2+s5], $0x80, v3, vm0, $0xb8;
	[tilespmem:$0x1E680] =	vst v63  }
0x1d4: {  	s10 =	simm.s32 $0x2680  }
0x1d5: {  	[tilespmem:s10], [sflag:$0x1] =	stream.indirect_vreg.gather [hbm4b:s7+s5], $0x80, v3, vm0, $0xb8;
	[tilespmem:$0x1E680] =	vst v63  }
0x1d6: {  	s11 =	simm.s32 $0x2E80  }
0x1d7: {  	[tilespmem:s11], [sflag:$0x1] =	stream.indirect_vreg.gather [hbm4b:s8+s5], $0x80, v3, vm0, $0xb8;
	[tilespmem:$0x1E680] =	vst v63  }
0x1d8: {  	v3 =	vld [tilespmem:s0+$0x60];
	_ =	sdelay $0x4  }
0x1d9: {  	v62 =	vshrl.u32 v3, $0x3  }
0x1da: {  	v4 =	vmul.u32 $0x30, v62  }
0x1db: {  	v3 =	vand.u32 $0x7, v3  }
0x1dc: {  	v3 =	vor.u32 v3, v4  }
0x1dd: {  	v4 =	vperm.xlane v3, v0;
	_ =	sdelay $0x1  }
0x1de: {  	v4 =	vadd.s32 v1, v4;
	_ =	sdelay $0x3  }
0x1df: {  	s12 =	simm.s32 $0x3680;
	v3 =	vperm.xlane v3, v2  }
0x1e0: {  	[tilespmem:s12], [sflag:$0x1] =	stream.indirect_vreg.gather [hbm4b:s2+s5], $0x80, v4, vm0, $0xb8;
	[tilespmem:$0x1E680] =	vst v63  }
0x1e1: {  	s13 =	simm.s32 $0x3E80;
	v3 =	vadd.s32 v1, v3  }
0x1e2: {  	[tilespmem:s13], [sflag:$0x1] =	stream.indirect_vreg.gather [hbm4b:s7+s5], $0x80, v4, vm0, $0xb8;
	[tilespmem:$0x1E680] =	vst v63  }
0x1e3: {  	s14 =	simm.s32 $0x4680  }
0x1e4: {  	[tilespmem:s14], [sflag:$0x1] =	stream.indirect_vreg.gather [hbm4b:s8+s5], $0x80, v4, vm0, $0xb8;
	[tilespmem:$0x1E680] =	vst v63  }
0x1e5: {  	s25 =	simm.s32 $0x4E80  }
0x1e6: {  	[tilespmem:s25], [sflag:$0x1] =	stream.indirect_vreg.gather [hbm4b:s2+s5], $0x80, v3, vm0, $0xb8;
	[tilespmem:$0x1E680] =	vst v63  }
0x1e7: {  	s26 =	simm.s32 $0x5680  }
0x1e8: {  	[tilespmem:s26], [sflag:$0x1] =	stream.indirect_vreg.gather [hbm4b:s7+s5], $0x80, v3, vm0, $0xb8;
	[tilespmem:$0x1E680] =	vst v63  }
0x1e9: {  	s28 =	simm.s32 $0x5E80  }
0x1ea: {  	[tilespmem:s28], [sflag:$0x1] =	stream.indirect_vreg.gather [hbm4b:s8+s5], $0x80, v3, vm0, $0xb8;
	[tilespmem:$0x1E680] =	vst v63  }
0x1eb: {  	v3 =	vld.msk [tilespmem:s0+$0x70], $0xff;
	_ =	sdelay $0x4  }
0x1ec: {  	v63 =	vshrl.u32 v3, $0x3  }
0x1ed: {  	v4 =	vmul.u32 $0x30, v63  }
0x1ee: {  	v3 =	vand.u32 $0x7, v3  }
0x1ef: {  	v3 =	vor.u32 v3, v4  }
0x1f0: {  	v3 =	vperm.xlane v3, v0;
	_ =	sdelay $0x1  }
0x1f1: {  	v3 =	vadd.s32 v1, v3;
	_ =	sdelay $0x3  }
0x1f2: {  	s29 =	simm.s32 $0x6680  }
0x1f3: {  	[tilespmem:s29], [sflag:$0x1] =	stream.indirect_vreg.gather [hbm4b:s2+s5], $0x80, v3, vm0, $0xb8;
	[tilespmem:$0x1E680] =	vst v63  }
0x1f4: {  	s30 =	simm.s32 $0x6E80  }
0x1f5: {  	[tilespmem:s30], [sflag:$0x1] =	stream.indirect_vreg.gather [hbm4b:s7+s5], $0x80, v3, vm0, $0xb8;
	[tilespmem:$0x1E680] =	vst v63  }
.Ltmp5:
0x1f6: {  	s31 =	simm.s32 $0x7680;
	(pc) =	sbr.rel @p0 .LBB2_8-.Ltmp5, $4  }
0x1f7: {  	[tilespmem:s31], [sflag:$0x1] =	stream.indirect_vreg.gather [hbm4b:s8+s5], $0x80, v3, vm0, $0xb8;
	[tilespmem:$0x1E680] =	vst v63  }
0x1f8: {  	_ =	swait.ge [sflag:s20], $0x7800  }
0x1f9: {  	[sflag:s20] =	ssyncset.done $0x0  }
0x1fa: {  	[sflag:s20] =	ssyncadd.s32 $0xFFFF8800  }
.LBB2_7:
0x1fb: {  	_ =	swait.ge [sflag:s21], $0x7800  }
0x1fc: {  	[sflag:s21] =	ssyncset.done $0x0  }
0x1fd: {  	[sflag:s21] =	ssyncadd.s32 $0xFFFF8800  }
.LBB2_8:
0x1fe: {  	s1 =	simm.s32 $0x0;
	s0 =	simm.s32 $0x0  }
0x1ff: {  	s0 =	smul.u32 $0x1800, s0;
	s26 =	sand.u32 $0x300, s1  }
0x200: {  	s1 =	sor.u32 $0x80, s26  }
0x201: {  	s11 =	sor.u32 s0, s1  }
0x202: {  	v3 =	vld [tilespmem:s11+$0x7E80]  }
0x203: {  	v4 =	vld [tilespmem:s11+$0x7E90]  }
0x204: {  	v5 =	vld [tilespmem:s11+$0x7EA0]  }
0x205: {  	v6 =	vld [tilespmem:s11+$0x7EB0]  }
0x206: {  	v7 =	vld [tilespmem:s11+$0x7EC0]  }
0x207: {  	v8 =	vld [tilespmem:s11+$0x7ED0];
	v3 =	vmul.f32 $2.771281240e+01, v3  }
0x208: {  	v9 =	vld [tilespmem:s11+$0x7EE0];
	v4 =	vmul.f32 $2.771281240e+01, v4  }
0x209: {  	[tilespmem:s11+$0x16E80] =	vst v3;
	v3 =	vmul.f32 $2.771281240e+01, v5;
	v5 =	vld [tilespmem:s11+$0x7EF0]  }
0x20a: {  	[tilespmem:s11+$0x16E90] =	vst v4;
	v4 =	vmul.f32 $2.771281240e+01, v6;
	v6 =	vld [tilespmem:s11+$0x8280]  }
0x20b: {  	[tilespmem:s11+$0x16EA0] =	vst v3;
	v3 =	vmul.f32 $2.771281240e+01, v7;
	v7 =	vld [tilespmem:s11+$0x8290]  }
0x20c: {  	[tilespmem:s11+$0x16EB0] =	vst v4;
	v4 =	vmul.f32 $2.771281240e+01, v8;
	v8 =	vld [tilespmem:s11+$0x82A0]  }
0x20d: {  	[tilespmem:s11+$0x16EC0] =	vst v3;
	v3 =	vmul.f32 $2.771281240e+01, v9;
	v9 =	vld [tilespmem:s11+$0x82B0]  }
0x20e: {  	[tilespmem:s11+$0x16ED0] =	vst v4;
	v4 =	vmul.f32 $2.771281240e+01, v5;
	v5 =	vld [tilespmem:s11+$0x82C0]  }
0x20f: {  	[tilespmem:s11+$0x16EE0] =	vst v3;
	v3 =	vmul.f32 $2.771281240e+01, v6;
	v6 =	vld [tilespmem:s11+$0x82D0]  }
0x210: {  	[tilespmem:s11+$0x16EF0] =	vst v4;
	v4 =	vmul.f32 $2.771281240e+01, v7;
	v7 =	vld [tilespmem:s11+$0x82E0]  }
0x211: {  	s6 =	sor.u32 s26, s0;
	[tilespmem:s11+$0x17280] =	vst v3;
	v3 =	vmul.f32 $2.771281240e+01, v8;
	v8 =	vld [tilespmem:s11+$0x82F0]  }
0x212: {  	v10 =	vld [tilespmem:s6+$0x7E80];
	[tilespmem:s11+$0x17290] =	vst v4;
	v4 =	vmul.f32 $2.771281240e+01, v9  }
0x213: {  	v9 =	vld [tilespmem:s6+$0x7E90];
	[tilespmem:s11+$0x172A0] =	vst v3;
	v3 =	vmul.f32 $2.771281240e+01, v5  }
0x214: {  	v5 =	vld [tilespmem:s6+$0x7EA0];
	[tilespmem:s11+$0x172B0] =	vst v4;
	v4 =	vmul.f32 $2.771281240e+01, v6  }
0x215: {  	v6 =	vld [tilespmem:s6+$0x7EB0];
	[tilespmem:s11+$0x172C0] =	vst v3;
	v3 =	vmul.f32 $2.771281240e+01, v7  }
0x216: {  	v7 =	vld [tilespmem:s6+$0x7EC0];
	[tilespmem:s11+$0x172D0] =	vst v4;
	v4 =	vmul.f32 $2.771281240e+01, v8  }
0x217: {  	s10 =	sadd.s32 $0x800, s0;
	v8 =	vmul.f32 $2.771281240e+01, v10;
	v10 =	vld [tilespmem:s6+$0x7ED0];
	[tilespmem:s11+$0x172E0] =	vst v3  }
0x218: {  	s14 =	sor.u32 s1, s10;
	v3 =	vmul.f32 $2.771281240e+01, v9;
	v9 =	vld [tilespmem:s6+$0x7EE0];
	[tilespmem:s11+$0x172F0] =	vst v4  }
0x219: {  	[tilespmem:s6+$0x16E80] =	vst v8;
	v4 =	vmul.f32 $2.771281240e+01, v5;
	v5 =	vld [tilespmem:s14+$0x7E80]  }
0x21a: {  	[tilespmem:s6+$0x16E90] =	vst v3;
	v3 =	vmul.f32 $2.771281240e+01, v6;
	v6 =	vld [tilespmem:s14+$0x7E90]  }
0x21b: {  	[tilespmem:s6+$0x16EA0] =	vst v4;
	v4 =	vmul.f32 $2.771281240e+01, v7;
	v7 =	vld [tilespmem:s14+$0x7EA0]  }
0x21c: {  	v8 =	vld [tilespmem:s14+$0x7EB0];
	[tilespmem:s6+$0x16EB0] =	vst v3;
	v3 =	vmul.f32 $2.771281240e+01, v10  }
0x21d: {  	[tilespmem:s6+$0x16EC0] =	vst v4;
	v4 =	vmul.f32 $2.771281240e+01, v9;
	v9 =	vld [tilespmem:s14+$0x7EC0]  }
0x21e: {  	[tilespmem:s6+$0x16ED0] =	vst v3;
	v3 =	vmul.f32 $2.771281240e+01, v5;
	v5 =	vld [tilespmem:s14+$0x7ED0]  }
0x21f: {  	[tilespmem:s6+$0x16EE0] =	vst v4;
	v4 =	vmul.f32 $2.771281240e+01, v6;
	v6 =	vld [tilespmem:s14+$0x7EE0]  }
0x220: {  	[tilespmem:s14+$0x16E80] =	vst v3;
	v3 =	vmul.f32 $2.771281240e+01, v7;
	v7 =	vld [tilespmem:s14+$0x7EF0]  }
0x221: {  	v10 =	vld [tilespmem:s6+$0x7EF0];
	[tilespmem:s14+$0x16E90] =	vst v4;
	v4 =	vmul.f32 $2.771281240e+01, v8  }
0x222: {  	v8 =	vld [tilespmem:s6+$0x8280];
	[tilespmem:s14+$0x16EA0] =	vst v3;
	v3 =	vmul.f32 $2.771281240e+01, v9  }
0x223: {  	v9 =	vld [tilespmem:s6+$0x8290];
	[tilespmem:s14+$0x16EB0] =	vst v4;
	v4 =	vmul.f32 $2.771281240e+01, v5  }
0x224: {  	v5 =	vld [tilespmem:s6+$0x82A0];
	[tilespmem:s14+$0x16EC0] =	vst v3;
	v3 =	vmul.f32 $2.771281240e+01, v6  }
0x225: {  	v6 =	vld [tilespmem:s6+$0x82B0];
	[tilespmem:s14+$0x16ED0] =	vst v4;
	v4 =	vmul.f32 $2.771281240e+01, v7  }
0x226: {  	s12 =	sadd.s32 $0xC00, s0;
	v7 =	vmul.f32 $2.771281240e+01, v10;
	v10 =	vld [tilespmem:s6+$0x82C0];
	[tilespmem:s14+$0x16EE0] =	vst v3  }
0x227: {  	s13 =	sor.u32 s1, s12;
	v3 =	vmul.f32 $2.771281240e+01, v8;
	v8 =	vld [tilespmem:s6+$0x82D0];
	[tilespmem:s14+$0x16EF0] =	vst v4  }
0x228: {  	[tilespmem:s6+$0x16EF0] =	vst v7;
	v4 =	vmul.f32 $2.771281240e+01, v9;
	v7 =	vld [tilespmem:s13+$0x7E80]  }
0x229: {  	[tilespmem:s6+$0x17280] =	vst v3;
	v3 =	vmul.f32 $2.771281240e+01, v5;
	v5 =	vld [tilespmem:s13+$0x7E90]  }
0x22a: {  	[tilespmem:s6+$0x17290] =	vst v4;
	v4 =	vmul.f32 $2.771281240e+01, v6;
	v6 =	vld [tilespmem:s13+$0x7EA0]  }
0x22b: {  	v9 =	vld [tilespmem:s13+$0x7EB0];
	[tilespmem:s6+$0x172A0] =	vst v3;
	v3 =	vmul.f32 $2.771281240e+01, v10  }
0x22c: {  	[tilespmem:s6+$0x172B0] =	vst v4;
	v4 =	vmul.f32 $2.771281240e+01, v8;
	v8 =	vld [tilespmem:s13+$0x7EC0]  }
0x22d: {  	[tilespmem:s6+$0x172C0] =	vst v3;
	v3 =	vmul.f32 $2.771281240e+01, v7;
	v7 =	vld [tilespmem:s13+$0x7ED0]  }
0x22e: {  	[tilespmem:s6+$0x172D0] =	vst v4;
	v4 =	vmul.f32 $2.771281240e+01, v5;
	v5 =	vld [tilespmem:s13+$0x7EE0]  }
0x22f: {  	v10 =	vld [tilespmem:s6+$0x82E0];
	[tilespmem:s13+$0x16E80] =	vst v3;
	v3 =	vmul.f32 $2.771281240e+01, v6  }
0x230: {  	v6 =	vld [tilespmem:s13+$0x7EF0];
	[tilespmem:s13+$0x16E90] =	vst v4;
	v4 =	vmul.f32 $2.771281240e+01, v9  }
0x231: {  	v9 =	vld [tilespmem:s6+$0x82F0];
	[tilespmem:s13+$0x16EA0] =	vst v3;
	v3 =	vmul.f32 $2.771281240e+01, v8  }
0x232: {  	[tilespmem:s13+$0x16EB0] =	vst v4;
	v4 =	vmul.f32 $2.771281240e+01, v7  }
0x233: {  	[tilespmem:s13+$0x16EC0] =	vst v3;
	v3 =	vmul.f32 $2.771281240e+01, v5  }
0x234: {  	v5 =	vmul.f32 $2.771281240e+01, v10;
	[tilespmem:s13+$0x16ED0] =	vst v4  }
0x235: {  	v4 =	vmul.f32 $2.771281240e+01, v6;
	[tilespmem:s13+$0x16EE0] =	vst v3  }
0x236: {  	s25 =	sadd.s32 $0x1000, s0;
	v3 =	vmul.f32 $2.771281240e+01, v9;
	[tilespmem:s6+$0x172E0] =	vst v5  }
0x237: {  	s31 =	sor.u32 s1, s25;
	[tilespmem:s13+$0x16EF0] =	vst v4  }
0x238: {  	s10 =	sor.u32 s26, s10;
	v4 =	vld [tilespmem:s31+$0x7E80];
	[tilespmem:s6+$0x172F0] =	vst v3  }
0x239: {  	v3 =	vld [tilespmem:s10+$0x7E80]  }
0x23a: {  	v5 =	vld [tilespmem:s10+$0x7E90]  }
0x23b: {  	v6 =	vld [tilespmem:s10+$0x7EA0]  }
0x23c: {  	v7 =	vld [tilespmem:s10+$0x7EB0]  }
0x23d: {  	v8 =	vld [tilespmem:s10+$0x7EC0];
	v4 =	vmul.f32 $2.771281240e+01, v4  }
0x23e: {  	v9 =	vld [tilespmem:s10+$0x7ED0];
	v3 =	vmul.f32 $2.771281240e+01, v3  }
0x23f: {  	[tilespmem:s31+$0x16E80] =	vst v4;
	v4 =	vmul.f32 $2.771281240e+01, v5;
	v5 =	vld [tilespmem:s10+$0x7EE0]  }
0x240: {  	[tilespmem:s10+$0x16E80] =	vst v3;
	v3 =	vmul.f32 $2.771281240e+01, v6;
	v6 =	vld [tilespmem:s10+$0x7EF0]  }
0x241: {  	v10 =	vld [tilespmem:s31+$0x7E90];
	[tilespmem:s10+$0x16E90] =	vst v4;
	v4 =	vmul.f32 $2.771281240e+01, v7  }
0x242: {  	v7 =	vld [tilespmem:s31+$0x7EA0];
	[tilespmem:s10+$0x16EA0] =	vst v3;
	v3 =	vmul.f32 $2.771281240e+01, v8  }
0x243: {  	v8 =	vld [tilespmem:s31+$0x7EB0];
	[tilespmem:s10+$0x16EB0] =	vst v4;
	v4 =	vmul.f32 $2.771281240e+01, v9  }
0x244: {  	v9 =	vld [tilespmem:s31+$0x7EC0];
	[tilespmem:s10+$0x16EC0] =	vst v3;
	v3 =	vmul.f32 $2.771281240e+01, v5  }
0x245: {  	v5 =	vld [tilespmem:s31+$0x7ED0];
	[tilespmem:s10+$0x16ED0] =	vst v4;
	v4 =	vmul.f32 $2.771281240e+01, v6  }
0x246: {  	v6 =	vmul.f32 $2.771281240e+01, v10;
	v10 =	vld [tilespmem:s31+$0x7EE0];
	[tilespmem:s10+$0x16EE0] =	vst v3  }
0x247: {  	s12 =	sor.u32 s26, s12;
	v3 =	vmul.f32 $2.771281240e+01, v7;
	v7 =	vld [tilespmem:s31+$0x7EF0];
	[tilespmem:s10+$0x16EF0] =	vst v4  }
0x248: {  	[tilespmem:s31+$0x16E90] =	vst v6;
	v4 =	vmul.f32 $2.771281240e+01, v8;
	v6 =	vld [tilespmem:s12+$0x7E80]  }
0x249: {  	[tilespmem:s31+$0x16EA0] =	vst v3;
	v3 =	vmul.f32 $2.771281240e+01, v9;
	v8 =	vld [tilespmem:s12+$0x7E90]  }
0x24a: {  	[tilespmem:s31+$0x16EB0] =	vst v4;
	v4 =	vmul.f32 $2.771281240e+01, v5;
	v5 =	vld [tilespmem:s12+$0x7EA0]  }
0x24b: {  	v9 =	vld [tilespmem:s12+$0x7EB0];
	[tilespmem:s31+$0x16EC0] =	vst v3;
	v3 =	vmul.f32 $2.771281240e+01, v10  }
0x24c: {  	[tilespmem:s31+$0x16ED0] =	vst v4;
	v4 =	vmul.f32 $2.771281240e+01, v7;
	v7 =	vld [tilespmem:s12+$0x7EC0]  }
0x24d: {  	[tilespmem:s31+$0x16EE0] =	vst v3;
	v3 =	vmul.f32 $2.771281240e+01, v6;
	v6 =	vld [tilespmem:s12+$0x7ED0]  }
0x24e: {  	s0 =	sadd.s32 $0x1400, s0;
	[tilespmem:s31+$0x16EF0] =	vst v4;
	v4 =	vmul.f32 $2.771281240e+01, v8;
	v8 =	vld [tilespmem:s12+$0x7EE0]  }
0x24f: {  	s1 =	sor.u32 s1, s0;
	[tilespmem:s12+$0x16E80] =	vst v3;
	v3 =	vmul.f32 $2.771281240e+01, v5;
	v5 =	vld [tilespmem:s12+$0x7EF0]  }
0x250: {  	v10 =	vld [tilespmem:s1+$0x7EF0];
	[tilespmem:s12+$0x16E90] =	vst v4;
	v4 =	vmul.f32 $2.771281240e+01, v9  }
0x251: {  	[tilespmem:s12+$0x16EA0] =	vst v3;
	v3 =	vmul.f32 $2.771281240e+01, v7;
	v7 =	vld [tilespmem:s1+$0x7E80]  }
0x252: {  	[tilespmem:s12+$0x16EB0] =	vst v4;
	v4 =	vmul.f32 $2.771281240e+01, v6;
	v6 =	vld [tilespmem:s1+$0x7E90]  }
0x253: {  	[tilespmem:s12+$0x16EC0] =	vst v3;
	v3 =	vmul.f32 $2.771281240e+01, v8;
	v8 =	vld [tilespmem:s1+$0x7EA0]  }
0x254: {  	[tilespmem:s12+$0x16ED0] =	vst v4;
	v4 =	vmul.f32 $2.771281240e+01, v5;
	v5 =	vld [tilespmem:s1+$0x7EB0]  }
0x255: {  	v9 =	vmul.f32 $2.771281240e+01, v10;
	[tilespmem:s12+$0x16EE0] =	vst v3;
	v3 =	vld [tilespmem:s1+$0x7EC0]  }
0x256: {  	s11 =	sor.u32 s26, s25;
	[tilespmem:s12+$0x16EF0] =	vst v4;
	v4 =	vld [tilespmem:s1+$0x7ED0];
	v7 =	vmul.f32 $2.771281240e+01, v7  }
0x257: {  	s25 =	simm.s32 $0x100;
	s13 =	simm.s32 $0x0;
	[tilespmem:s1+$0x16EF0] =	vst v9;
	v10 =	vld [tilespmem:s11+$0x7E80];
	v6 =	vmul.f32 $2.771281240e+01, v6  }
0x258: {  	s6 =	smul.u32 $0x1800, s13;
	s31 =	sand.u32 $0x300, s25;
	v9 =	vld [tilespmem:s11+$0x7E90];
	[tilespmem:s1+$0x16E80] =	vst v7;
	v7 =	vmul.f32 $2.771281240e+01, v8  }
0x259: {  	s10 =	sor.u32 $0x80, s31;
	v8 =	vld [tilespmem:s11+$0x7EA0];
	[tilespmem:s1+$0x16E90] =	vst v6;
	v5 =	vmul.f32 $2.771281240e+01, v5  }
0x25a: {  	s14 =	sor.u32 s6, s10;
	v6 =	vld [tilespmem:s11+$0x7EB0];
	[tilespmem:s1+$0x16EA0] =	vst v7;
	v3 =	vmul.f32 $2.771281240e+01, v3  }
0x25b: {  	v7 =	vld [tilespmem:s14+$0x7E80];
	[tilespmem:s1+$0x16EB0] =	vst v5;
	v4 =	vmul.f32 $2.771281240e+01, v4  }
0x25c: {  	v5 =	vld [tilespmem:s14+$0x7E90];
	v10 =	vmul.f32 $2.771281240e+01, v10;
	[tilespmem:s1+$0x16EC0] =	vst v3  }
0x25d: {  	v3 =	vld [tilespmem:s14+$0x7EA0];
	v9 =	vmul.f32 $2.771281240e+01, v9;
	[tilespmem:s1+$0x16ED0] =	vst v4  }
0x25e: {  	v4 =	vld [tilespmem:s14+$0x7EB0];
	v8 =	vmul.f32 $2.771281240e+01, v8;
	[tilespmem:s11+$0x16E80] =	vst v10  }
0x25f: {  	v10 =	vld [tilespmem:s14+$0x7EC0];
	[tilespmem:s11+$0x16E90] =	vst v9;
	v6 =	vmul.f32 $2.771281240e+01, v6  }
0x260: {  	v9 =	vld [tilespmem:s14+$0x7ED0];
	v7 =	vmul.f32 $2.771281240e+01, v7;
	[tilespmem:s11+$0x16EA0] =	vst v8  }
0x261: {  	v8 =	vld [tilespmem:s14+$0x7EE0];
	v5 =	vmul.f32 $2.771281240e+01, v5;
	[tilespmem:s11+$0x16EB0] =	vst v6  }
0x262: {  	[tilespmem:s14+$0x16E80] =	vst v7;
	v3 =	vmul.f32 $2.771281240e+01, v3;
	v7 =	vld [tilespmem:s14+$0x7EF0]  }
0x263: {  	[tilespmem:s14+$0x16E90] =	vst v5;
	v4 =	vmul.f32 $2.771281240e+01, v4;
	v5 =	vld [tilespmem:s14+$0x8280]  }
0x264: {  	[tilespmem:s14+$0x16EA0] =	vst v3;
	v3 =	vmul.f32 $2.771281240e+01, v10;
	v10 =	vld [tilespmem:s14+$0x8290]  }
0x265: {  	[tilespmem:s14+$0x16EB0] =	vst v4;
	v4 =	vmul.f32 $2.771281240e+01, v9;
	v9 =	vld [tilespmem:s14+$0x82A0]  }
0x266: {  	[tilespmem:s14+$0x16EC0] =	vst v3;
	v3 =	vmul.f32 $2.771281240e+01, v8;
	v8 =	vld [tilespmem:s14+$0x82B0]  }
0x267: {  	[tilespmem:s14+$0x16ED0] =	vst v4;
	v4 =	vmul.f32 $2.771281240e+01, v7;
	v7 =	vld [tilespmem:s14+$0x82C0]  }
0x268: {  	[tilespmem:s14+$0x16EE0] =	vst v3;
	v3 =	vmul.f32 $2.771281240e+01, v5;
	v5 =	vld [tilespmem:s14+$0x82D0]  }
0x269: {  	[tilespmem:s14+$0x16EF0] =	vst v4;
	v4 =	vmul.f32 $2.771281240e+01, v10;
	v10 =	vld [tilespmem:s14+$0x82E0]  }
0x26a: {  	s28 =	sor.u32 s31, s6;
	[tilespmem:s14+$0x17280] =	vst v3;
	v3 =	vmul.f32 $2.771281240e+01, v9;
	v9 =	vld [tilespmem:s14+$0x82F0]  }
0x26b: {  	[tilespmem:s14+$0x17290] =	vst v4;
	v4 =	vld [tilespmem:s28+$0x7E80];
	v8 =	vmul.f32 $2.771281240e+01, v8  }
0x26c: {  	[tilespmem:s14+$0x172A0] =	vst v3;
	v3 =	vld [tilespmem:s28+$0x7E90];
	v7 =	vmul.f32 $2.771281240e+01, v7  }
0x26d: {  	[tilespmem:s14+$0x172B0] =	vst v8;
	v8 =	vld [tilespmem:s28+$0x7EA0];
	v5 =	vmul.f32 $2.771281240e+01, v5  }
0x26e: {  	[tilespmem:s14+$0x172C0] =	vst v7;
	v7 =	vld [tilespmem:s28+$0x7EB0];
	v10 =	vmul.f32 $2.771281240e+01, v10  }
0x26f: {  	[tilespmem:s14+$0x172D0] =	vst v5;
	v5 =	vld [tilespmem:s28+$0x7EC0];
	v9 =	vmul.f32 $2.771281240e+01, v9  }
0x270: {  	s30 =	sadd.s32 $0x800, s6;
	[tilespmem:s14+$0x172E0] =	vst v10;
	v10 =	vld [tilespmem:s28+$0x7ED0];
	v4 =	vmul.f32 $2.771281240e+01, v4  }
0x271: {  	s13 =	sor.u32 s10, s30;
	[tilespmem:s14+$0x172F0] =	vst v9;
	v9 =	vld [tilespmem:s28+$0x7EE0];
	v3 =	vmul.f32 $2.771281240e+01, v3  }
0x272: {  	v6 =	vld [tilespmem:s13+$0x7E80];
	[tilespmem:s28+$0x16E80] =	vst v4;
	v4 =	vmul.f32 $2.771281240e+01, v8  }
0x273: {  	v8 =	vld [tilespmem:s13+$0x7E90];
	[tilespmem:s28+$0x16E90] =	vst v3;
	v3 =	vmul.f32 $2.771281240e+01, v7  }
0x274: {  	v7 =	vld [tilespmem:s13+$0x7EA0];
	[tilespmem:s28+$0x16EA0] =	vst v4;
	v4 =	vmul.f32 $2.771281240e+01, v5  }
0x275: {  	v5 =	vld [tilespmem:s13+$0x7EB0];
	[tilespmem:s28+$0x16EB0] =	vst v3;
	v3 =	vmul.f32 $2.771281240e+01, v10  }
0x276: {  	v10 =	vld [tilespmem:s13+$0x7EC0];
	[tilespmem:s28+$0x16EC0] =	vst v4;
	v9 =	vmul.f32 $2.771281240e+01, v9  }
0x277: {  	v4 =	vmul.f32 $2.771281240e+01, v6;
	v6 =	vld [tilespmem:s13+$0x7ED0];
	[tilespmem:s28+$0x16ED0] =	vst v3  }
0x278: {  	v3 =	vmul.f32 $2.771281240e+01, v8;
	v8 =	vld [tilespmem:s13+$0x7EE0];
	[tilespmem:s28+$0x16EE0] =	vst v9  }
0x279: {  	[tilespmem:s13+$0x16E80] =	vst v4;
	v4 =	vmul.f32 $2.771281240e+01, v7;
	v7 =	vld [tilespmem:s13+$0x7EF0]  }
0x27a: {  	[tilespmem:s13+$0x16E90] =	vst v3;
	v3 =	vld [tilespmem:s28+$0x7EF0];
	v5 =	vmul.f32 $2.771281240e+01, v5  }
0x27b: {  	v10 =	vmul.f32 $2.771281240e+01, v10;
	[tilespmem:s13+$0x16EA0] =	vst v4;
	v4 =	vld [tilespmem:s28+$0x8280]  }
0x27c: {  	[tilespmem:s13+$0x16EB0] =	vst v5;
	v5 =	vld [tilespmem:s28+$0x8290];
	v6 =	vmul.f32 $2.771281240e+01, v6  }
0x27d: {  	[tilespmem:s13+$0x16EC0] =	vst v10;
	v10 =	vld [tilespmem:s28+$0x82A0];
	v8 =	vmul.f32 $2.771281240e+01, v8  }
0x27e: {  	[tilespmem:s13+$0x16ED0] =	vst v6;
	v6 =	vld [tilespmem:s28+$0x82B0];
	v7 =	vmul.f32 $2.771281240e+01, v7  }
0x27f: {  	s29 =	sadd.s32 $0xC00, s6;
	[tilespmem:s13+$0x16EE0] =	vst v8;
	v8 =	vld [tilespmem:s28+$0x82C0];
	v3 =	vmul.f32 $2.771281240e+01, v3  }
0x280: {  	s14 =	sor.u32 s10, s29;
	[tilespmem:s13+$0x16EF0] =	vst v7;
	v7 =	vld [tilespmem:s28+$0x82D0];
	v4 =	vmul.f32 $2.771281240e+01, v4  }
0x281: {  	[tilespmem:s28+$0x16EF0] =	vst v3;
	v3 =	vmul.f32 $2.771281240e+01, v5;
	v9 =	vld [tilespmem:s14+$0x7E80]  }
0x282: {  	v5 =	vld [tilespmem:s14+$0x7E90];
	[tilespmem:s28+$0x17280] =	vst v4;
	v4 =	vmul.f32 $2.771281240e+01, v10  }
0x283: {  	v10 =	vld [tilespmem:s14+$0x7EA0];
	[tilespmem:s28+$0x17290] =	vst v3;
	v3 =	vmul.f32 $2.771281240e+01, v6  }
0x284: {  	v6 =	vld [tilespmem:s14+$0x7EB0];
	[tilespmem:s28+$0x172A0] =	vst v4;
	v4 =	vmul.f32 $2.771281240e+01, v8  }
0x285: {  	v8 =	vld [tilespmem:s14+$0x7EC0];
	[tilespmem:s28+$0x172B0] =	vst v3;
	v7 =	vmul.f32 $2.771281240e+01, v7  }
0x286: {  	v3 =	vmul.f32 $2.771281240e+01, v9;
	v9 =	vld [tilespmem:s14+$0x7ED0];
	[tilespmem:s28+$0x172C0] =	vst v4  }
0x287: {  	v4 =	vmul.f32 $2.771281240e+01, v5;
	v5 =	vld [tilespmem:s14+$0x7EE0];
	[tilespmem:s28+$0x172D0] =	vst v7  }
0x288: {  	[tilespmem:s14+$0x16E80] =	vst v3;
	v3 =	vmul.f32 $2.771281240e+01, v10;
	v10 =	vld [tilespmem:s14+$0x7EF0]  }
0x289: {  	[tilespmem:s14+$0x16E90] =	vst v4;
	v4 =	vld [tilespmem:s28+$0x82E0];
	v6 =	vmul.f32 $2.771281240e+01, v6  }
0x28a: {  	v8 =	vmul.f32 $2.771281240e+01, v8;
	[tilespmem:s14+$0x16EA0] =	vst v3;
	v3 =	vld [tilespmem:s28+$0x82F0]  }
0x28b: {  	[tilespmem:s14+$0x16EB0] =	vst v6;
	v6 =	vmul.f32 $2.771281240e+01, v9;
	v9 =	vld [tilespmem:s11+$0x7EC0]  }
0x28c: {  	[tilespmem:s14+$0x16EC0] =	vst v8;
	v5 =	vmul.f32 $2.771281240e+01, v5;
	v8 =	vld [tilespmem:s11+$0x7ED0]  }
0x28d: {  	[tilespmem:s14+$0x16ED0] =	vst v6;
	v6 =	vmul.f32 $2.771281240e+01, v10;
	v10 =	vld [tilespmem:s11+$0x7EE0]  }
0x28e: {  	s12 =	sadd.s32 $0x1000, s6;
	[tilespmem:s14+$0x16EE0] =	vst v5;
	v5 =	vld [tilespmem:s11+$0x7EF0];
	v4 =	vmul.f32 $2.771281240e+01, v4  }
0x28f: {  	s13 =	sor.u32 s10, s12;
	[tilespmem:s14+$0x16EF0] =	vst v6;
	v6 =	vld [tilespmem:s1+$0x7EE0];
	v3 =	vmul.f32 $2.771281240e+01, v3  }
0x290: {  	[tilespmem:s28+$0x172E0] =	vst v4;
	v7 =	vld [tilespmem:s13+$0x7E80];
	v4 =	vmul.f32 $2.771281240e+01, v9  }
0x291: {  	v9 =	vld [tilespmem:s13+$0x7E90];
	[tilespmem:s28+$0x172F0] =	vst v3;
	v3 =	vmul.f32 $2.771281240e+01, v8  }
0x292: {  	v8 =	vld [tilespmem:s13+$0x7EA0];
	[tilespmem:s11+$0x16EC0] =	vst v4;
	v4 =	vmul.f32 $2.771281240e+01, v10  }
0x293: {  	v10 =	vld [tilespmem:s13+$0x7EB0];
	[tilespmem:s11+$0x16ED0] =	vst v3;
	v3 =	vmul.f32 $2.771281240e+01, v5  }
0x294: {  	v5 =	vld [tilespmem:s13+$0x7EC0];
	[tilespmem:s11+$0x16EE0] =	vst v4;
	v6 =	vmul.f32 $2.771281240e+01, v6  }
0x295: {  	v4 =	vmul.f32 $2.771281240e+01, v7;
	v7 =	vld [tilespmem:s13+$0x7ED0];
	[tilespmem:s11+$0x16EF0] =	vst v3  }
0x296: {  	v3 =	vmul.f32 $2.771281240e+01, v9;
	v9 =	vld [tilespmem:s13+$0x7EE0];
	[tilespmem:s1+$0x16EE0] =	vst v6  }
0x297: {  	s30 =	sor.u32 s31, s30;
	[tilespmem:s13+$0x16E80] =	vst v4;
	v4 =	vmul.f32 $2.771281240e+01, v8;
	v8 =	vld [tilespmem:s13+$0x7EF0]  }
0x298: {  	[tilespmem:s13+$0x16E90] =	vst v3;
	v3 =	vld [tilespmem:s30+$0x7E80];
	v10 =	vmul.f32 $2.771281240e+01, v10  }
0x299: {  	v5 =	vmul.f32 $2.771281240e+01, v5;
	[tilespmem:s13+$0x16EA0] =	vst v4;
	v4 =	vld [tilespmem:s30+$0x7E90]  }
0x29a: {  	[tilespmem:s13+$0x16EB0] =	vst v10;
	v10 =	vld [tilespmem:s30+$0x7EA0];
	v7 =	vmul.f32 $2.771281240e+01, v7  }
0x29b: {  	[tilespmem:s13+$0x16EC0] =	vst v5;
	v5 =	vld [tilespmem:s30+$0x7EB0];
	v9 =	vmul.f32 $2.771281240e+01, v9  }
0x29c: {  	[tilespmem:s13+$0x16ED0] =	vst v7;
	v7 =	vld [tilespmem:s30+$0x7EC0];
	v8 =	vmul.f32 $2.771281240e+01, v8  }
0x29d: {  	[tilespmem:s13+$0x16EE0] =	vst v9;
	v9 =	vld [tilespmem:s30+$0x7ED0];
	v3 =	vmul.f32 $2.771281240e+01, v3  }
0x29e: {  	s14 =	sadd.s32 $0x1400, s6;
	[tilespmem:s13+$0x16EF0] =	vst v8;
	v8 =	vld [tilespmem:s30+$0x7EE0];
	v4 =	vmul.f32 $2.771281240e+01, v4  }
0x29f: {  	s28 =	sor.u32 s10, s14;
	[tilespmem:s30+$0x16E80] =	vst v3;
	v3 =	vmul.f32 $2.771281240e+01, v10;
	v10 =	vld [tilespmem:s30+$0x7EF0]  }
0x2a0: {  	s26 =	sor.u32 s26, s0;
	v6 =	vld [tilespmem:s28+$0x7EF0];
	[tilespmem:s30+$0x16E90] =	vst v4;
	v4 =	vmul.f32 $2.771281240e+01, v5  }
0x2a1: {  	v5 =	vld [tilespmem:s26+$0x7E80];
	[tilespmem:s30+$0x16EA0] =	vst v3;
	v3 =	vmul.f32 $2.771281240e+01, v7  }
0x2a2: {  	v7 =	vld [tilespmem:s26+$0x7E90];
	[tilespmem:s30+$0x16EB0] =	vst v4;
	v4 =	vmul.f32 $2.771281240e+01, v9  }
0x2a3: {  	v9 =	vld [tilespmem:s26+$0x7EA0];
	[tilespmem:s30+$0x16EC0] =	vst v3;
	v3 =	vmul.f32 $2.771281240e+01, v8  }
0x2a4: {  	v8 =	vld [tilespmem:s26+$0x7EB0];
	[tilespmem:s30+$0x16ED0] =	vst v4;
	v4 =	vmul.f32 $2.771281240e+01, v10  }
0x2a5: {  	v10 =	vld [tilespmem:s26+$0x7EC0];
	v6 =	vmul.f32 $2.771281240e+01, v6;
	[tilespmem:s30+$0x16EE0] =	vst v3  }
0x2a6: {  	v3 =	vld [tilespmem:s26+$0x7ED0];
	v5 =	vmul.f32 $2.771281240e+01, v5;
	[tilespmem:s30+$0x16EF0] =	vst v4  }
0x2a7: {  	s6 =	sor.u32 s31, s29;
	v4 =	vld [tilespmem:s26+$0x7EE0];
	[tilespmem:s28+$0x16EF0] =	vst v6;
	v6 =	vmul.f32 $2.771281240e+01, v7  }
0x2a8: {  	v7 =	vld [tilespmem:s6+$0x7E80];
	[tilespmem:s26+$0x16E80] =	vst v5;
	v5 =	vmul.f32 $2.771281240e+01, v9  }
0x2a9: {  	v9 =	vld [tilespmem:s6+$0x7E90];
	[tilespmem:s26+$0x16E90] =	vst v6;
	v6 =	vmul.f32 $2.771281240e+01, v8  }
0x2aa: {  	v8 =	vld [tilespmem:s6+$0x7EA0];
	[tilespmem:s26+$0x16EA0] =	vst v5;
	v5 =	vmul.f32 $2.771281240e+01, v10  }
0x2ab: {  	v10 =	vld [tilespmem:s6+$0x7EB0];
	[tilespmem:s26+$0x16EB0] =	vst v6;
	v3 =	vmul.f32 $2.771281240e+01, v3  }
0x2ac: {  	v6 =	vld [tilespmem:s6+$0x7EC0];
	[tilespmem:s26+$0x16EC0] =	vst v5;
	v4 =	vmul.f32 $2.771281240e+01, v4  }
0x2ad: {  	v5 =	vmul.f32 $2.771281240e+01, v7;
	v7 =	vld [tilespmem:s6+$0x7ED0];
	[tilespmem:s26+$0x16ED0] =	vst v3  }
0x2ae: {  	v3 =	vld [tilespmem:s6+$0x7EE0];
	v9 =	vmul.f32 $2.771281240e+01, v9;
	[tilespmem:s26+$0x16EE0] =	vst v4  }
0x2af: {  	v4 =	vmul.f32 $2.771281240e+01, v8;
	[tilespmem:s6+$0x16E80] =	vst v5;
	v5 =	vld [tilespmem:s6+$0x7EF0]  }
0x2b0: {  	[tilespmem:s6+$0x16E90] =	vst v9;
	v9 =	vmul.f32 $2.771281240e+01, v10;
	v10 =	vld [tilespmem:s26+$0x7EF0]  }
0x2b1: {  	v8 =	vld [tilespmem:s28+$0x7E80];
	[tilespmem:s6+$0x16EA0] =	vst v4;
	v4 =	vmul.f32 $2.771281240e+01, v6  }
0x2b2: {  	[tilespmem:s6+$0x16EB0] =	vst v9;
	v9 =	vmul.f32 $2.771281240e+01, v7;
	v7 =	vld [tilespmem:s28+$0x7E90]  }
0x2b3: {  	v6 =	vld [tilespmem:s28+$0x7EA0];
	[tilespmem:s6+$0x16EC0] =	vst v4;
	v3 =	vmul.f32 $2.771281240e+01, v3  }
0x2b4: {  	v4 =	vld [tilespmem:s28+$0x7EB0];
	[tilespmem:s6+$0x16ED0] =	vst v9;
	v9 =	vmul.f32 $2.771281240e+01, v5  }
0x2b5: {  	s29 =	sor.u32 s31, s12;
	s10 =	sor.u32 s31, s14;
	s30 =	simm.s32 $0x2;
	[tilespmem:s6+$0x16EE0] =	vst v3;
	v5 =	vld [tilespmem:s28+$0x7EC0];
	v3 =	vmul.f32 $2.771281240e+01, v10  }
.LBB2_9:
0x2b6: {  	s30 =	sadd.s32 $0x2, s30;
	[tilespmem:s6+$0x16EF0] =	vst v9;
	v8 =	vmul.f32 $2.771281240e+01, v8;
	v9 =	vld [tilespmem:s28+$0x7ED0]  }
0x2b7: {  	s25 =	sadd.s32 $0x100, s25;
	s0 =	sshrl.u32 s30, $0x3;
	p0 =	slt.u32 s30, $0x26;
	v10 =	vld [tilespmem:s29+$0x7E80];
	v7 =	vmul.f32 $2.771281240e+01, v7;
	[tilespmem:s26+$0x16EF0] =	vst v3  }
0x2b8: {  	s31 =	sand.u32 $0x300, s25;
	s26 =	smov.u32 s10;
	s1 =	smul.u32 $0x1800, s0;
	v3 =	vld [tilespmem:s29+$0x7E90];
	[tilespmem:s28+$0x16E80] =	vst v8;
	v6 =	vmul.f32 $2.771281240e+01, v6  }
0x2b9: {  	s0 =	sor.u32 $0x80, s31;
	v8 =	vld [tilespmem:s29+$0x7EA0];
	[tilespmem:s28+$0x16E90] =	vst v7;
	v4 =	vmul.f32 $2.771281240e+01, v4  }
0x2ba: {  	s10 =	sor.u32 s31, s1;
	s6 =	sor.u32 s1, s0;
	v7 =	vld [tilespmem:s29+$0x7EB0];
	[tilespmem:s28+$0x16EA0] =	vst v6;
	v5 =	vmul.f32 $2.771281240e+01, v5  }
0x2bb: {  	v6 =	vld [tilespmem:s6+$0x7E80];
	[tilespmem:s28+$0x16EB0] =	vst v4;
	v4 =	vmul.f32 $2.771281240e+01, v9  }
0x2bc: {  	v9 =	vld [tilespmem:s6+$0x7E90];
	v10 =	vmul.f32 $2.771281240e+01, v10;
	[tilespmem:s28+$0x16EC0] =	vst v5  }
0x2bd: {  	v5 =	vld [tilespmem:s6+$0x7EA0];
	v3 =	vmul.f32 $2.771281240e+01, v3;
	[tilespmem:s28+$0x16ED0] =	vst v4  }
0x2be: {  	v4 =	vld [tilespmem:s6+$0x7EB0];
	[tilespmem:s29+$0x16E80] =	vst v10;
	v8 =	vmul.f32 $2.771281240e+01, v8  }
0x2bf: {  	v10 =	vld [tilespmem:s6+$0x7EC0];
	[tilespmem:s29+$0x16E90] =	vst v3;
	v3 =	vmul.f32 $2.771281240e+01, v7  }
0x2c0: {  	v6 =	vmul.f32 $2.771281240e+01, v6;
	v7 =	vld [tilespmem:s6+$0x7ED0];
	[tilespmem:s29+$0x16EA0] =	vst v8  }
0x2c1: {  	v8 =	vmul.f32 $2.771281240e+01, v9;
	v9 =	vld [tilespmem:s6+$0x7EE0];
	[tilespmem:s29+$0x16EB0] =	vst v3  }
0x2c2: {  	[tilespmem:s6+$0x16E80] =	vst v6;
	v3 =	vmul.f32 $2.771281240e+01, v5;
	v5 =	vld [tilespmem:s6+$0x7EF0]  }
0x2c3: {  	[tilespmem:s6+$0x16E90] =	vst v8;
	v4 =	vmul.f32 $2.771281240e+01, v4;
	v6 =	vld [tilespmem:s6+$0x8280]  }
0x2c4: {  	[tilespmem:s6+$0x16EA0] =	vst v3;
	v3 =	vmul.f32 $2.771281240e+01, v10;
	v8 =	vld [tilespmem:s6+$0x8290]  }
0x2c5: {  	[tilespmem:s6+$0x16EB0] =	vst v4;
	v4 =	vmul.f32 $2.771281240e+01, v7;
	v7 =	vld [tilespmem:s6+$0x82A0]  }
0x2c6: {  	[tilespmem:s6+$0x16EC0] =	vst v3;
	v3 =	vmul.f32 $2.771281240e+01, v9;
	v9 =	vld [tilespmem:s6+$0x82B0]  }
0x2c7: {  	[tilespmem:s6+$0x16ED0] =	vst v4;
	v4 =	vmul.f32 $2.771281240e+01, v5;
	v5 =	vld [tilespmem:s6+$0x82C0]  }
0x2c8: {  	[tilespmem:s6+$0x16EE0] =	vst v3;
	v3 =	vmul.f32 $2.771281240e+01, v6;
	v6 =	vld [tilespmem:s6+$0x82D0]  }
0x2c9: {  	[tilespmem:s6+$0x16EF0] =	vst v4;
	v4 =	vmul.f32 $2.771281240e+01, v8;
	v8 =	vld [tilespmem:s6+$0x82E0]  }
0x2ca: {  	[tilespmem:s6+$0x17280] =	vst v3;
	v3 =	vmul.f32 $2.771281240e+01, v7;
	v7 =	vld [tilespmem:s6+$0x82F0]  }
0x2cb: {  	v10 =	vld [tilespmem:s10+$0x7E80];
	[tilespmem:s6+$0x17290] =	vst v4;
	v4 =	vmul.f32 $2.771281240e+01, v9  }
0x2cc: {  	v9 =	vld [tilespmem:s10+$0x7E90];
	[tilespmem:s6+$0x172A0] =	vst v3;
	v3 =	vmul.f32 $2.771281240e+01, v5  }
0x2cd: {  	v5 =	vld [tilespmem:s10+$0x7EA0];
	[tilespmem:s6+$0x172B0] =	vst v4;
	v4 =	vmul.f32 $2.771281240e+01, v6  }
0x2ce: {  	v6 =	vld [tilespmem:s10+$0x7EB0];
	[tilespmem:s6+$0x172C0] =	vst v3;
	v3 =	vmul.f32 $2.771281240e+01, v8  }
0x2cf: {  	v8 =	vld [tilespmem:s10+$0x7EC0];
	[tilespmem:s6+$0x172D0] =	vst v4;
	v4 =	vmul.f32 $2.771281240e+01, v7  }
0x2d0: {  	s12 =	sadd.s32 $0x800, s1;
	v7 =	vmul.f32 $2.771281240e+01, v10;
	v10 =	vld [tilespmem:s10+$0x7ED0];
	[tilespmem:s6+$0x172E0] =	vst v3  }
0x2d1: {  	s11 =	sor.u32 s31, s12;
	s12 =	sor.u32 s0, s12;
	v3 =	vmul.f32 $2.771281240e+01, v9;
	v9 =	vld [tilespmem:s10+$0x7EE0];
	[tilespmem:s6+$0x172F0] =	vst v4  }
0x2d2: {  	[tilespmem:s10+$0x16E80] =	vst v7;
	v4 =	vmul.f32 $2.771281240e+01, v5;
	v5 =	vld [tilespmem:s12+$0x7E80]  }
0x2d3: {  	[tilespmem:s10+$0x16E90] =	vst v3;
	v3 =	vmul.f32 $2.771281240e+01, v6;
	v6 =	vld [tilespmem:s12+$0x7E90]  }
0x2d4: {  	[tilespmem:s10+$0x16EA0] =	vst v4;
	v4 =	vmul.f32 $2.771281240e+01, v8;
	v7 =	vld [tilespmem:s12+$0x7EA0]  }
0x2d5: {  	[tilespmem:s10+$0x16EB0] =	vst v3;
	v3 =	vmul.f32 $2.771281240e+01, v10;
	v8 =	vld [tilespmem:s12+$0x7EB0]  }
0x2d6: {  	[tilespmem:s10+$0x16EC0] =	vst v4;
	v4 =	vmul.f32 $2.771281240e+01, v9;
	v9 =	vld [tilespmem:s12+$0x7EC0]  }
0x2d7: {  	[tilespmem:s10+$0x16ED0] =	vst v3;
	v3 =	vmul.f32 $2.771281240e+01, v5;
	v5 =	vld [tilespmem:s12+$0x7ED0]  }
0x2d8: {  	[tilespmem:s10+$0x16EE0] =	vst v4;
	v4 =	vmul.f32 $2.771281240e+01, v6;
	v6 =	vld [tilespmem:s12+$0x7EE0]  }
0x2d9: {  	[tilespmem:s12+$0x16E80] =	vst v3;
	v3 =	vmul.f32 $2.771281240e+01, v7;
	v7 =	vld [tilespmem:s12+$0x7EF0]  }
0x2da: {  	v10 =	vld [tilespmem:s10+$0x7EF0];
	[tilespmem:s12+$0x16E90] =	vst v4;
	v4 =	vmul.f32 $2.771281240e+01, v8  }
0x2db: {  	v8 =	vld [tilespmem:s10+$0x8280];
	[tilespmem:s12+$0x16EA0] =	vst v3;
	v3 =	vmul.f32 $2.771281240e+01, v9  }
0x2dc: {  	v9 =	vld [tilespmem:s10+$0x8290];
	[tilespmem:s12+$0x16EB0] =	vst v4;
	v4 =	vmul.f32 $2.771281240e+01, v5  }
0x2dd: {  	v5 =	vld [tilespmem:s10+$0x82A0];
	[tilespmem:s12+$0x16EC0] =	vst v3;
	v3 =	vmul.f32 $2.771281240e+01, v6  }
0x2de: {  	v6 =	vld [tilespmem:s10+$0x82B0];
	[tilespmem:s12+$0x16ED0] =	vst v4;
	v4 =	vmul.f32 $2.771281240e+01, v7  }
0x2df: {  	s13 =	sadd.s32 $0xC00, s1;
	v7 =	vmul.f32 $2.771281240e+01, v10;
	v10 =	vld [tilespmem:s10+$0x82C0];
	[tilespmem:s12+$0x16EE0] =	vst v3  }
0x2e0: {  	s6 =	sor.u32 s31, s13;
	v3 =	vmul.f32 $2.771281240e+01, v8;
	v8 =	vld [tilespmem:s10+$0x82D0];
	[tilespmem:s12+$0x16EF0] =	vst v4;
	s12 =	sor.u32 s0, s13  }
0x2e1: {  	[tilespmem:s10+$0x16EF0] =	vst v7;
	v4 =	vmul.f32 $2.771281240e+01, v9;
	v7 =	vld [tilespmem:s12+$0x7E80]  }
0x2e2: {  	[tilespmem:s10+$0x17280] =	vst v3;
	v3 =	vmul.f32 $2.771281240e+01, v5;
	v5 =	vld [tilespmem:s12+$0x7E90]  }
0x2e3: {  	[tilespmem:s10+$0x17290] =	vst v4;
	v4 =	vmul.f32 $2.771281240e+01, v6;
	v6 =	vld [tilespmem:s12+$0x7EA0]  }
0x2e4: {  	[tilespmem:s10+$0x172A0] =	vst v3;
	v3 =	vmul.f32 $2.771281240e+01, v10;
	v9 =	vld [tilespmem:s12+$0x7EB0]  }
0x2e5: {  	[tilespmem:s10+$0x172B0] =	vst v4;
	v4 =	vmul.f32 $2.771281240e+01, v8;
	v8 =	vld [tilespmem:s12+$0x7EC0]  }
0x2e6: {  	[tilespmem:s10+$0x172C0] =	vst v3;
	v3 =	vmul.f32 $2.771281240e+01, v7;
	v7 =	vld [tilespmem:s12+$0x7ED0]  }
0x2e7: {  	[tilespmem:s10+$0x172D0] =	vst v4;
	v4 =	vmul.f32 $2.771281240e+01, v5;
	v5 =	vld [tilespmem:s12+$0x7EE0]  }
0x2e8: {  	[tilespmem:s12+$0x16E80] =	vst v3;
	v3 =	vmul.f32 $2.771281240e+01, v6;
	v6 =	vld [tilespmem:s12+$0x7EF0]  }
0x2e9: {  	v10 =	vld [tilespmem:s10+$0x82E0];
	[tilespmem:s12+$0x16E90] =	vst v4;
	v4 =	vmul.f32 $2.771281240e+01, v9  }
0x2ea: {  	v9 =	vld [tilespmem:s10+$0x82F0];
	[tilespmem:s12+$0x16EA0] =	vst v3;
	v3 =	vmul.f32 $2.771281240e+01, v8  }
0x2eb: {  	[tilespmem:s12+$0x16EB0] =	vst v4;
	v4 =	vmul.f32 $2.771281240e+01, v7;
	v7 =	vld [tilespmem:s29+$0x7EC0]  }
0x2ec: {  	[tilespmem:s12+$0x16EC0] =	vst v3;
	v3 =	vmul.f32 $2.771281240e+01, v5;
	v5 =	vld [tilespmem:s29+$0x7ED0]  }
0x2ed: {  	[tilespmem:s12+$0x16ED0] =	vst v4;
	v4 =	vmul.f32 $2.771281240e+01, v6;
	v6 =	vld [tilespmem:s29+$0x7EE0]  }
0x2ee: {  	s13 =	sadd.s32 $0x1000, s1;
	v8 =	vmul.f32 $2.771281240e+01, v10;
	[tilespmem:s12+$0x16EE0] =	vst v3;
	v3 =	vld [tilespmem:s29+$0x7EF0]  }
0x2ef: {  	s14 =	sor.u32 s31, s13;
	v9 =	vmul.f32 $2.771281240e+01, v9;
	[tilespmem:s12+$0x16EF0] =	vst v4;
	s12 =	sor.u32 s0, s13;
	v4 =	vld [tilespmem:s28+$0x7EE0]  }
0x2f0: {  	[tilespmem:s10+$0x172E0] =	vst v8;
	v8 =	vld [tilespmem:s12+$0x7E80];
	v7 =	vmul.f32 $2.771281240e+01, v7  }
0x2f1: {  	[tilespmem:s10+$0x172F0] =	vst v9;
	v9 =	vld [tilespmem:s12+$0x7E90];
	v5 =	vmul.f32 $2.771281240e+01, v5  }
0x2f2: {  	v10 =	vld [tilespmem:s12+$0x7EA0];
	[tilespmem:s29+$0x16EC0] =	vst v7;
	v6 =	vmul.f32 $2.771281240e+01, v6  }
0x2f3: {  	v7 =	vld [tilespmem:s12+$0x7EB0];
	[tilespmem:s29+$0x16ED0] =	vst v5;
	v3 =	vmul.f32 $2.771281240e+01, v3  }
0x2f4: {  	v5 =	vld [tilespmem:s12+$0x7EC0];
	[tilespmem:s29+$0x16EE0] =	vst v6;
	v4 =	vmul.f32 $2.771281240e+01, v4  }
0x2f5: {  	v6 =	vmul.f32 $2.771281240e+01, v8;
	v8 =	vld [tilespmem:s12+$0x7ED0];
	[tilespmem:s29+$0x16EF0] =	vst v3;
	s29 =	smov.u32 s14  }
0x2f6: {  	v3 =	vmul.f32 $2.771281240e+01, v9;
	v9 =	vld [tilespmem:s12+$0x7EE0];
	[tilespmem:s28+$0x16EE0] =	vst v4  }
0x2f7: {  	[tilespmem:s12+$0x16E80] =	vst v6;
	v4 =	vmul.f32 $2.771281240e+01, v10;
	v6 =	vld [tilespmem:s12+$0x7EF0]  }
0x2f8: {  	v10 =	vld [tilespmem:s11+$0x7E80];
	[tilespmem:s12+$0x16E90] =	vst v3;
	v3 =	vmul.f32 $2.771281240e+01, v7  }
0x2f9: {  	v7 =	vld [tilespmem:s11+$0x7E90];
	[tilespmem:s12+$0x16EA0] =	vst v4;
	v4 =	vmul.f32 $2.771281240e+01, v5  }
0x2fa: {  	v5 =	vld [tilespmem:s11+$0x7EA0];
	[tilespmem:s12+$0x16EB0] =	vst v3;
	v3 =	vmul.f32 $2.771281240e+01, v8  }
0x2fb: {  	v8 =	vld [tilespmem:s11+$0x7EB0];
	[tilespmem:s12+$0x16EC0] =	vst v4;
	v4 =	vmul.f32 $2.771281240e+01, v9  }
0x2fc: {  	v9 =	vld [tilespmem:s11+$0x7EC0];
	[tilespmem:s12+$0x16ED0] =	vst v3;
	v3 =	vmul.f32 $2.771281240e+01, v6  }
0x2fd: {  	s1 =	sadd.s32 $0x1400, s1;
	v6 =	vmul.f32 $2.771281240e+01, v10;
	v10 =	vld [tilespmem:s11+$0x7ED0];
	[tilespmem:s12+$0x16EE0] =	vst v4  }
0x2fe: {  	s10 =	sor.u32 s31, s1;
	s28 =	sor.u32 s0, s1;
	v4 =	vmul.f32 $2.771281240e+01, v7;
	v7 =	vld [tilespmem:s11+$0x7EE0];
	[tilespmem:s12+$0x16EF0] =	vst v3  }
0x2ff: {  	[tilespmem:s11+$0x16E80] =	vst v6;
	v3 =	vmul.f32 $2.771281240e+01, v5;
	v5 =	vld [tilespmem:s28+$0x7EF0]  }
0x300: {  	[tilespmem:s11+$0x16E90] =	vst v4;
	v4 =	vmul.f32 $2.771281240e+01, v8;
	v6 =	vld [tilespmem:s11+$0x7EF0]  }
0x301: {  	[tilespmem:s11+$0x16EA0] =	vst v3;
	v3 =	vmul.f32 $2.771281240e+01, v9;
	v8 =	vld [tilespmem:s26+$0x7E80]  }
0x302: {  	[tilespmem:s11+$0x16EB0] =	vst v4;
	v4 =	vmul.f32 $2.771281240e+01, v10;
	v9 =	vld [tilespmem:s26+$0x7E90]  }
0x303: {  	[tilespmem:s11+$0x16EC0] =	vst v3;
	v3 =	vmul.f32 $2.771281240e+01, v7;
	v7 =	vld [tilespmem:s26+$0x7EA0]  }
0x304: {  	[tilespmem:s11+$0x16ED0] =	vst v4;
	v4 =	vmul.f32 $2.771281240e+01, v5;
	v5 =	vld [tilespmem:s26+$0x7EB0]  }
0x305: {  	[tilespmem:s11+$0x16EE0] =	vst v3;
	v3 =	vmul.f32 $2.771281240e+01, v6;
	v6 =	vld [tilespmem:s26+$0x7EC0]  }
0x306: {  	[tilespmem:s28+$0x16EF0] =	vst v4;
	v4 =	vmul.f32 $2.771281240e+01, v8;
	v8 =	vld [tilespmem:s26+$0x7ED0]  }
0x307: {  	[tilespmem:s11+$0x16EF0] =	vst v3;
	v3 =	vmul.f32 $2.771281240e+01, v9;
	v9 =	vld [tilespmem:s26+$0x7EE0]  }
0x308: {  	v10 =	vld [tilespmem:s6+$0x7E80];
	[tilespmem:s26+$0x16E80] =	vst v4;
	v4 =	vmul.f32 $2.771281240e+01, v7  }
0x309: {  	v7 =	vld [tilespmem:s6+$0x7E90];
	[tilespmem:s26+$0x16E90] =	vst v3;
	v3 =	vmul.f32 $2.771281240e+01, v5  }
0x30a: {  	v5 =	vld [tilespmem:s6+$0x7EA0];
	[tilespmem:s26+$0x16EA0] =	vst v4;
	v4 =	vmul.f32 $2.771281240e+01, v6  }
0x30b: {  	v6 =	vld [tilespmem:s6+$0x7EB0];
	[tilespmem:s26+$0x16EB0] =	vst v3;
	v3 =	vmul.f32 $2.771281240e+01, v8  }
0x30c: {  	v8 =	vld [tilespmem:s6+$0x7EC0];
	[tilespmem:s26+$0x16EC0] =	vst v4;
	v4 =	vmul.f32 $2.771281240e+01, v9  }
0x30d: {  	v9 =	vmul.f32 $2.771281240e+01, v10;
	v10 =	vld [tilespmem:s6+$0x7ED0];
	[tilespmem:s26+$0x16ED0] =	vst v3  }
0x30e: {  	v3 =	vmul.f32 $2.771281240e+01, v7;
	v11 =	vld [tilespmem:s6+$0x7EE0];
	[tilespmem:s26+$0x16EE0] =	vst v4  }
0x30f: {  	[tilespmem:s6+$0x16E80] =	vst v9;
	v4 =	vmul.f32 $2.771281240e+01, v5;
	v5 =	vld [tilespmem:s6+$0x7EF0]  }
0x310: {  	[tilespmem:s6+$0x16E90] =	vst v3;
	v3 =	vmul.f32 $2.771281240e+01, v6;
	v12 =	vld [tilespmem:s26+$0x7EF0]  }
.Ltmp6:
0x311: {  	[tilespmem:s6+$0x16EA0] =	vst v4;
	v4 =	vmul.f32 $2.771281240e+01, v8;
	v8 =	vld [tilespmem:s28+$0x7E80];
	(pc) =	sbr.rel @p0 .LBB2_9-.Ltmp6, $4  }
0x312: {  	[tilespmem:s6+$0x16EB0] =	vst v3;
	v3 =	vmul.f32 $2.771281240e+01, v10;
	v7 =	vld [tilespmem:s28+$0x7E90]  }
0x313: {  	[tilespmem:s6+$0x16EC0] =	vst v4;
	v10 =	vmul.f32 $2.771281240e+01, v11;
	v6 =	vld [tilespmem:s28+$0x7EA0]  }
0x314: {  	[tilespmem:s6+$0x16ED0] =	vst v3;
	v9 =	vmul.f32 $2.771281240e+01, v5;
	v4 =	vld [tilespmem:s28+$0x7EB0]  }
0x315: {  	[tilespmem:s6+$0x16EE0] =	vst v10;
	v5 =	vld [tilespmem:s28+$0x7EC0];
	v3 =	vmul.f32 $2.771281240e+01, v12  }
0x316: {  	[tilespmem:s6+$0x16EF0] =	vst v9  }
0x317: {  	v9 =	vld [tilespmem:s29+$0x7E80]  }
0x318: {  	v10 =	vld [tilespmem:s29+$0x7E90]  }
0x319: {  	v11 =	vld [tilespmem:s29+$0x7EA0]  }
0x31a: {  	v12 =	vld [tilespmem:s29+$0x7EB0]  }
0x31b: {  	v43 =	vld [tilespmem:s29+$0x7EE0]  }
0x31c: {  	v44 =	vld [tilespmem:s29+$0x7EF0];
	v9 =	vmul.f32 $2.771281240e+01, v9  }
0x31d: {  	v41 =	vld [tilespmem:s29+$0x7EC0];
	[tilespmem:s26+$0x16EF0] =	vst v3;
	v10 =	vmul.f32 $2.771281240e+01, v10  }
0x31e: {  	v42 =	vld [tilespmem:s29+$0x7ED0];
	v39 =	vmul.f32 $2.771281240e+01, v11;
	[tilespmem:s29+$0x16E80] =	vst v9  }
0x31f: {  	v40 =	vmul.f32 $2.771281240e+01, v12;
	[tilespmem:s29+$0x16E90] =	vst v10  }
0x320: {  	v45 =	vmul.f32 $2.771281240e+01, v43;
	[tilespmem:s29+$0x16EA0] =	vst v39  }
0x321: {  	v46 =	vmul.f32 $2.771281240e+01, v44;
	[tilespmem:s29+$0x16EB0] =	vst v40  }
0x322: {  	v9 =	vmul.f32 $2.771281240e+01, v41;
	[tilespmem:s29+$0x16EE0] =	vst v45  }
0x323: {  	v10 =	vmul.f32 $2.771281240e+01, v42;
	[tilespmem:s29+$0x16EF0] =	vst v46  }
0x324: {  	v8 =	vmul.f32 $2.771281240e+01, v8;
	v47 =	vld [tilespmem:s28+$0x7ED0];
	[tilespmem:s29+$0x16EC0] =	vst v9  }
0x325: {  	v62 =	vld [tilespmem:s28+$0x7EE0];
	v7 =	vmul.f32 $2.771281240e+01, v7;
	[tilespmem:s29+$0x16ED0] =	vst v10  }
0x326: {  	[tilespmem:s28+$0x16E80] =	vst v8;
	v6 =	vmul.f32 $2.771281240e+01, v6;
	v10 =	vld [tilespmem:s10+$0x7E80]  }
0x327: {  	[tilespmem:s28+$0x16E90] =	vst v7;
	v4 =	vmul.f32 $2.771281240e+01, v4;
	v48 =	vld [tilespmem:s10+$0x7E90]  }
0x328: {  	[tilespmem:s28+$0x16EA0] =	vst v6;
	v5 =	vmul.f32 $2.771281240e+01, v5;
	v49 =	vld [tilespmem:s10+$0x7EA0]  }
0x329: {  	[tilespmem:s28+$0x16EB0] =	vst v4;
	v51 =	vmul.f32 $2.771281240e+01, v47;
	v50 =	vld [tilespmem:s10+$0x7EB0]  }
0x32a: {  	v4 =	vmul.f32 $2.771281240e+01, v62;
	[tilespmem:s28+$0x16EC0] =	vst v5;
	v52 =	vld [tilespmem:s10+$0x7EC0]  }
0x32b: {  	[tilespmem:s28+$0x16ED0] =	vst v51;
	v54 =	vld [tilespmem:s10+$0x7ED0];
	v53 =	vmul.f32 $2.771281240e+01, v10  }
0x32c: {  	[tilespmem:s28+$0x16EE0] =	vst v4;
	v56 =	vld [tilespmem:s10+$0x7EE0];
	v55 =	vmul.f32 $2.771281240e+01, v48  }
0x32d: {  	v63 =	vld [tilespmem:s10+$0x7EF0];
	v57 =	vmul.f32 $2.771281240e+01, v49;
	[tilespmem:s10+$0x16E80] =	vst v53  }
0x32e: {  	v58 =	vmul.f32 $2.771281240e+01, v50;
	[tilespmem:s10+$0x16E90] =	vst v55  }
0x32f: {  	v59 =	vmul.f32 $2.771281240e+01, v52;
	[tilespmem:s10+$0x16EA0] =	vst v57  }
0x330: {  	s0 =	sadd.s32 s24, s9;
	p0 =	seq.s32 s23, $0x13;
	v60 =	vmul.f32 $2.771281240e+01, v54;
	[tilespmem:s10+$0x16EB0] =	vst v58  }
.Ltmp7:
0x331: {  	s0 =	sshrl.u32 s0, $0x3;
	v61 =	vmul.f32 $2.771281240e+01, v56;
	[tilespmem:s10+$0x16EC0] =	vst v59;
	(pc) =	sbr.rel @p0 .LBB2_12-.Ltmp7, $4  }
0x332: {  	s0 =	smul.u32 $0x300, s0;
	v3 =	vmul.f32 $2.771281240e+01, v63;
	[tilespmem:s10+$0x16ED0] =	vst v60  }
0x333: {  	[tilespmem:s10+$0x16EE0] =	vst v61  }
0x334: {  	s0 =	sadd.s32 s3, s0;
	[tilespmem:s10+$0x16EF0] =	vst v3  }
0x335: {  	[hbm4b:s0+s5] =	stream.linear.scatter [tilespmem:s22], [sflag:$0x4], $0x7800, $0x38;
	[tilespmem:$0x1E680] =	vst v63  }
0x336: {  	s0 =	smul.u32 $0x140, s23;
	_ =	sdelay $0x1  }
0x337: {  	s0 =	sshra.s32 s0, $0x2  }
0x338: {  	v3 =	vld [tilespmem:s0+$0x78];
	_ =	sdelay $0x4  }
0x339: {  	v4 =	vshrl.u32 v3, $0x3  }
0x33a: {  	v4 =	vmul.u32 $0x30, v4  }
0x33b: {  	v3 =	vand.u32 $0x7, v3  }
0x33c: {  	v3 =	vor.u32 v3, v4  }
0x33d: {  	v4 =	vperm.xlane v3, v0;
	_ =	sdelay $0x1  }
0x33e: {  	v4 =	vadd.s32 v1, v4;
	_ =	sdelay $0x3  }
0x33f: {  	s1 =	simm.s32 $0x7E80;
	v3 =	vperm.xlane v3, v2  }
0x340: {  	[tilespmem:s1], [sflag:$0x2] =	stream.indirect_vreg.gather [hbm4b:s2+s5], $0x80, v4, vm0, $0xb8;
	[tilespmem:$0x1E680] =	vst v63  }
0x341: {  	s11 =	simm.s32 $0x8680;
	v3 =	vadd.s32 v1, v3  }
0x342: {  	[tilespmem:s11], [sflag:$0x2] =	stream.indirect_vreg.gather [hbm4b:s7+s5], $0x80, v4, vm0, $0xb8;
	[tilespmem:$0x1E680] =	vst v63  }
0x343: {  	s12 =	simm.s32 $0x8E80  }
0x344: {  	[tilespmem:s12], [sflag:$0x2] =	stream.indirect_vreg.gather [hbm4b:s8+s5], $0x80, v4, vm0, $0xb8;
	[tilespmem:$0x1E680] =	vst v63  }
0x345: {  	s13 =	simm.s32 $0x9680  }
0x346: {  	[tilespmem:s13], [sflag:$0x2] =	stream.indirect_vreg.gather [hbm4b:s2+s5], $0x80, v3, vm0, $0xb8;
	[tilespmem:$0x1E680] =	vst v63  }
0x347: {  	s14 =	simm.s32 $0x9E80  }
0x348: {  	[tilespmem:s14], [sflag:$0x2] =	stream.indirect_vreg.gather [hbm4b:s7+s5], $0x80, v3, vm0, $0xb8;
	[tilespmem:$0x1E680] =	vst v63  }
0x349: {  	s24 =	simm.s32 $0xA680  }
0x34a: {  	[tilespmem:s24], [sflag:$0x2] =	stream.indirect_vreg.gather [hbm4b:s8+s5], $0x80, v3, vm0, $0xb8;
	[tilespmem:$0x1E680] =	vst v63  }
0x34b: {  	v3 =	vld [tilespmem:s0+$0x88];
	_ =	sdelay $0x4  }
0x34c: {  	v62 =	vshrl.u32 v3, $0x3  }
0x34d: {  	v4 =	vmul.u32 $0x30, v62  }
0x34e: {  	v3 =	vand.u32 $0x7, v3  }
0x34f: {  	v3 =	vor.u32 v3, v4  }
0x350: {  	v4 =	vperm.xlane v3, v0;
	_ =	sdelay $0x1  }
0x351: {  	v4 =	vadd.s32 v1, v4;
	_ =	sdelay $0x3  }
0x352: {  	s25 =	simm.s32 $0xAE80;
	v3 =	vperm.xlane v3, v2  }
0x353: {  	[tilespmem:s25], [sflag:$0x2] =	stream.indirect_vreg.gather [hbm4b:s2+s5], $0x80, v4, vm0, $0xb8;
	[tilespmem:$0x1E680] =	vst v63  }
0x354: {  	s26 =	simm.s32 $0xB680;
	v3 =	vadd.s32 v1, v3  }
0x355: {  	[tilespmem:s26], [sflag:$0x2] =	stream.indirect_vreg.gather [hbm4b:s7+s5], $0x80, v4, vm0, $0xb8;
	[tilespmem:$0x1E680] =	vst v63  }
0x356: {  	s28 =	simm.s32 $0xBE80  }
0x357: {  	[tilespmem:s28], [sflag:$0x2] =	stream.indirect_vreg.gather [hbm4b:s8+s5], $0x80, v4, vm0, $0xb8;
	[tilespmem:$0x1E680] =	vst v63  }
0x358: {  	s29 =	simm.s32 $0xC680  }
0x359: {  	[tilespmem:s29], [sflag:$0x2] =	stream.indirect_vreg.gather [hbm4b:s2+s5], $0x80, v3, vm0, $0xb8;
	[tilespmem:$0x1E680] =	vst v63  }
0x35a: {  	s30 =	simm.s32 $0xCE80  }
0x35b: {  	[tilespmem:s30], [sflag:$0x2] =	stream.indirect_vreg.gather [hbm4b:s7+s5], $0x80, v3, vm0, $0xb8;
	[tilespmem:$0x1E680] =	vst v63  }
0x35c: {  	s31 =	simm.s32 $0xD680  }
0x35d: {  	[tilespmem:s31], [sflag:$0x2] =	stream.indirect_vreg.gather [hbm4b:s8+s5], $0x80, v3, vm0, $0xb8;
	[tilespmem:$0x1E680] =	vst v63  }
0x35e: {  	v3 =	vld.msk [tilespmem:s0+$0x98], $0xff;
	_ =	sdelay $0x4  }
0x35f: {  	v63 =	vshrl.u32 v3, $0x3  }
0x360: {  	v4 =	vmul.u32 $0x30, v63  }
0x361: {  	v3 =	vand.u32 $0x7, v3  }
0x362: {  	v3 =	vor.u32 v3, v4  }
0x363: {  	v3 =	vperm.xlane v3, v0;
	_ =	sdelay $0x1  }
0x364: {  	v3 =	vadd.s32 v1, v3;
	_ =	sdelay $0x4  }
0x365: {  	[tilespmem:s15], [sflag:$0x2] =	stream.indirect_vreg.gather [hbm4b:s2+s5], $0x80, v3, vm0, $0xb8;
	[tilespmem:$0x1E680] =	vst v63  }
.Ltmp8:
0x366: {  	_ = 	snop;
	(pc) =	sbr.rel .LBB2_2-.Ltmp8, $4  }
0x367: {  	_ = 	snop  }
0x368: {  	[tilespmem:s16], [sflag:$0x2] =	stream.indirect_vreg.gather [hbm4b:s7+s5], $0x80, v3, vm0, $0xb8;
	[tilespmem:$0x1E680] =	vst v63  }
0x369: {  	s23 =	sadd.s32 $0x1, s23  }
0x36a: {  	[tilespmem:s17], [sflag:$0x2] =	stream.indirect_vreg.gather [hbm4b:s8+s5], $0x80, v3, vm0, $0xb8;
	[tilespmem:$0x1E680] =	vst v63  }
.LBB2_13:
0x36b: {  	_ =	sfence.sel $0x180000  }
0x36c: {  	[bflag:$0x0] =	sbarrier.arrive $0xFFFF  }
0x36d: {  	_ =	strace $0x90000047  }
0x36e: {  	s0 =	stileid.u32;
	[bflag:$0x2] =	sbarrier.arrive $0xFFFF  }
0x36f: {  	p0 =	sne.s32 s0, $0x0;
	s0 =	rddreg [dreg:$0x3]  }
0x370: {  	s0 =	sadd.s32 @!p0 $0x100000, s0  }
0x371: {  	[sflag:s0] =	ssyncadd.tile.s32 @!p0 $0x1;
	_ =	shalt  }
.Lfunc_end2:
_tile_overlayer_lowered:
.L_overlay_start_2:
0x372: {  	(tag) =	ssettag $0x2  }
0x373: {  	s0 =	rddreg [dreg:$0x0];
	s2 =	stileid.u32  }
0x374: {  	s1 =	rddreg [dreg:$0x1];
	p0 =	sne.s32 s2, $0x0  }
0x375: {  	s3 =	rddreg [dreg:$0x2];
	[bflag:$0x3] =	sbarrier.arrive $0xFFFF;
	s2 =	simm.s32 @!p0 $0x1C05  }
0x376: {  	[timem:s3], [sflag:s2] =	dma.local @!p0 [hbm:s0], s1  }
0x377: {  	s0 =	simm.s32 @!p0 $0x5  }
0x378: {  	_ =	swait.ge @!p0 [sflag:s0], s1  }
0x379: {  	s1 =	ssub.s32 @!p0 $0x0, s1;
	[sflag:s0] =	ssyncset.done @!p0 $0x0  }
0x37a: {  	[sflag:s0] =	ssyncadd.s32 @!p0 s1  }
0x37b: {  	[bflag:$0x3] =	sbarrier.arrive $0xFFFF  }
0x37c: {  	_ =	shalt  }

</sc_bundles>
